<compile_context>
chip_gen: v7x
topology: tpu7x:2x2x1
jax: 0.10.2.dev20260603
libtpu: 0.0.44.dev20260713+nightly
codegen_flags: <defaults>
</compile_context>

<pallas_src>
import functools

import jax
import jax.numpy as jnp
from jax import lax
from jax.experimental import pallas as pl
from jax.experimental.pallas import tpu as pltpu
from jax.experimental.pallas import tpu_sc as plsc

K = 50
N_NEG = 16384
N_POS = 4096
NC = 2
NS = 16
NW = NC * NS
CHUNK = N_NEG // NW
SLOTS = 64
LANES = 16


def _sc_topk_body(neg_hbm, vals_hbm, wts_hbm, chunk_v, key_v, vals_v, wts_v):
    wid = lax.axis_index("s") * NC + lax.axis_index("c")
    base = wid * CHUNK
    pltpu.sync_copy(neg_hbm.at[pl.ds(base, CHUNK)], chunk_v)

    neg_inf = jnp.float32(-jnp.inf)
    msb = jnp.int32(-2147483648)
    low31 = jnp.int32(2147483647)
    ones = jnp.ones((LANES,), jnp.float32)
    zeros = jnp.zeros((LANES,), jnp.float32)

    for i in range(CHUNK // LANES):
        b = plsc.bitcast(chunk_v[pl.ds(i * LANES, LANES)], jnp.int32)
        key_v[pl.ds(i * LANES, LANES)] = b ^ (
            lax.shift_right_arithmetic(b, 31) & low31)

    def rnd(r, p):
        bit = lax.shift_left(jnp.int32(1), 31 - r)
        t_u = p | bit
        t_s = t_u ^ msb
        cv = zeros
        for i in range(CHUNK // LANES):
            kk = key_v[pl.ds(i * LANES, LANES)]
            cv = cv + jnp.where(kk >= t_s, ones, zeros)
        return jnp.where(jnp.sum(cv) >= jnp.float32(K), t_u, p)

    t_s = lax.fori_loop(0, 32, rnd, jnp.int32(0)) ^ msb

    for g in range(SLOTS // LANES):
        vals_v[pl.ds(g * LANES, LANES)] = jnp.full((LANES,), neg_inf, jnp.float32)

    def emit(i, off):
        x = chunk_v[pl.ds(i * LANES, LANES)]
        sel = key_v[pl.ds(i * LANES, LANES)] > t_s
        ind = jnp.where(sel, jnp.int32(1), jnp.int32(0))
        incl = plsc.cumsum(ind)
        plsc.store_scatter(vals_v, [off + incl - ind], x, mask=sel)
        return off + jnp.sum(ind)

    off = lax.fori_loop(0, CHUNK // LANES, emit, jnp.int32(0))

    lane0 = lax.iota(jnp.int32, LANES) == 0
    t_vec = jnp.full((LANES,), t_s, jnp.int32)
    t_f = plsc.bitcast(
        t_vec ^ (lax.shift_right_arithmetic(t_vec, 31) & low31), jnp.float32)
    plsc.store_scatter(vals_v, [jnp.full((LANES,), off, jnp.int32)], t_f, mask=lane0)
    w_t = jnp.float32(K) - off.astype(jnp.float32)
    for g in range(SLOTS // LANES):
        idx16 = lax.iota(jnp.int32, LANES) + g * LANES
        wts_v[pl.ds(g * LANES, LANES)] = (
            jnp.where(idx16 < off, ones, zeros)
            + jnp.where(idx16 == off, jnp.full((LANES,), w_t, jnp.float32), zeros))
        v = vals_v[pl.ds(g * LANES, LANES)]
        vals_v[pl.ds(g * LANES, LANES)] = jnp.where(idx16 > off, neg_inf, v)

    pltpu.sync_copy(vals_v, vals_hbm.at[pl.ds(wid * SLOTS, SLOTS)])
    pltpu.sync_copy(wts_v, wts_hbm.at[pl.ds(wid * SLOTS, SLOTS)])


@functools.cache
def _sc_topk():
    return pl.kernel(
        _sc_topk_body,
        mesh=plsc.VectorSubcoreMesh(
            core_axis_name="c", subcore_axis_name="s",
            num_cores=NC, num_subcores=NS),
        out_type=(
            jax.ShapeDtypeStruct((NW * SLOTS,), jnp.float32),
            jax.ShapeDtypeStruct((NW * SLOTS,), jnp.float32),
        ),
        scratch_types=(
            pltpu.VMEM((CHUNK,), jnp.float32),
            pltpu.VMEM((CHUNK,), jnp.int32),
            pltpu.VMEM((SLOTS,), jnp.float32),
            pltpu.VMEM((SLOTS,), jnp.float32),
        ),
        compiler_params=pltpu.CompilerParams(needs_layout_passes=False),
    )


def _tc_reduce_body(vals_ref, wts_ref, pos_ref, out_ref):
    vals = vals_ref[...]
    wts = wts_ref[...]
    pos = pos_ref[...]
    kf = jnp.float32(K)
    neg_inf = jnp.float32(-jnp.inf)

    rem = vals
    mrep = jnp.full((SLOTS, 128), jnp.float32(-3e38), jnp.float32)
    row_iota = lax.broadcasted_iota(jnp.int32, (SLOTS, 128), 0)
    for k in range(K):
        m = jnp.max(rem)
        eqm = rem == m
        rem = jnp.where(eqm, neg_inf, rem)
        mrep = jnp.where(row_iota == k, jnp.maximum(m, jnp.float32(-3e38)), mrep)
    cnt = jnp.zeros((SLOTS, 128), jnp.float32)
    for r in range(vals.shape[0]):
        vrow = jnp.broadcast_to(vals[r:r + 1], (SLOTS, 128))
        wrow = jnp.broadcast_to(wts[r:r + 1], (SLOTS, 128))
        cnt = cnt + jnp.where(mrep == vrow, wrow, 0.0)
    ones_col = jnp.ones((128, 1), jnp.float32)
    c64 = jnp.dot(cnt, ones_col, preferred_element_type=jnp.float32)
    tri = (lax.broadcasted_iota(jnp.int32, (SLOTS, SLOTS), 0)
           > lax.broadcasted_iota(jnp.int32, (SLOTS, SLOTS), 1)).astype(jnp.float32)
    cum_excl = jnp.dot(tri, c64, preferred_element_type=jnp.float32)
    take64 = jnp.minimum(c64, jnp.maximum(kf - cum_excl, 0.0))
    trep = jnp.broadcast_to(take64, (SLOTS, 128))
    big = SLOTS * 32
    repm = (lax.broadcasted_iota(jnp.int32, (big, SLOTS), 0) // 32
            == lax.broadcasted_iota(jnp.int32, (big, SLOTS), 1)).astype(jnp.float32)
    tile = (lax.broadcasted_iota(jnp.int32, (big, 32), 0) % 32
            == lax.broadcasted_iota(jnp.int32, (big, 32), 1)).astype(jnp.float32)
    vbig = jnp.dot(repm, mrep, preferred_element_type=jnp.float32)
    ubig = jnp.dot(repm, trep, preferred_element_type=jnp.float32)
    posbig = jnp.dot(tile, pos, preferred_element_type=jnp.float32)
    x = posbig - vbig
    bce = -jnp.log(jnp.clip(jax.nn.sigmoid(x), 1e-6, 1.0 - 1e-6))
    acc = jnp.sum(bce * ubig)
    out_ref[0, 0] = acc / jnp.float32(N_POS * N_NEG)


def kernel(score_neg, score_pos):
    cand_vals, cand_wts = _sc_topk()(score_neg)
    out = pl.pallas_call(
        _tc_reduce_body,
        out_shape=jax.ShapeDtypeStruct((1, 1), jnp.float32),
        out_specs=pl.BlockSpec(memory_space=pltpu.SMEM),
    )(
        cand_vals.reshape(NW * SLOTS // 128, 128),
        cand_wts.reshape(NW * SLOTS // 128, 128),
        score_pos.reshape(32, 128),
    )
    return out[0, 0]

# --- scband reference (transcript-rebuilt; emitter-appended) ---
"""Pipeline reference for scband-p-aucloss-17197049053489 (READ-ONLY COPY).

The authoritative reference and input builder live on the scoring server;
editing this copy changes nothing except your own understanding.
"""

import jax, jax.numpy as jnp
import numpy as np

K = 50

def setup_inputs(seed: int = 0) -> dict:
    key = jax.random.key(seed)
    k1, k2 = jax.random.split(key)
    score_neg = jax.random.normal(k1, (16384,), dtype=jnp.float32)
    score_pos = jax.random.normal(k2, (4096,), dtype=jnp.float32)
    return {"score_neg": score_neg, "score_pos": score_pos}

def reference(score_neg, score_pos):
    y_pos = jnp.reshape(score_pos, (-1, 1))
    y_neg = jnp.reshape(score_neg, (-1, 1))
    yy = y_pos - jnp.transpose(y_neg, (1, 0))  # [P, N]
    bce = -jnp.log(jnp.clip(jax.nn.sigmoid(yy), 1e-06, 1 - 1e-06))
    # torch.topk(bce, k) -> top-k along last dim, values only
    topk_vals, _ = jax.lax.top_k(bce, K)  # [P, K]
    # reduction='mean', norm=False: sum / (len(pos) * len(neg))
    loss = topk_vals.sum() / (score_pos.shape[0] * score_neg.shape[0])
    return loss

if __name__ == "__main__":
    import jax
    _d = setup_inputs()
    print(jax.jit(kernel)(*tuple(_d.values())))

</pallas_src>

<mosaic_0001>
#map = affine_map<(d0, d1) -> (0)>
module attributes {stable_mosaic.version = 14 : i64} {
  func.func @_sc_topk_body(%arg0: i32, %arg1: i32, %arg2: memref<16384xf32, #tpu.memory_space<hbm>>, %arg3: memref<2048xf32, #tpu.memory_space<hbm>>, %arg4: memref<2048xf32, #tpu.memory_space<hbm>>, %arg5: memref<512xf32, #tpu.memory_space<vmem>>, %arg6: memref<512xi32, #tpu.memory_space<vmem>>, %arg7: memref<64xf32, #tpu.memory_space<vmem>>, %arg8: memref<64xf32, #tpu.memory_space<vmem>>) attributes {dimension_semantics = [#tpu.dimension_semantics<core_parallel>, #tpu.dimension_semantics<subcore_parallel>], iteration_bounds = array<i64: 2, 16>, scalar_prefetch = 0 : i64, scratch_operands = 4 : i64, tpu.core_type = #tpu.core_type<sc_vector_subcore>, window_params = [{transform_indices = #map}, {transform_indices = #map}, {transform_indices = #map}]} {
    %mul3A = arith.constant 2 : i32
    %mul3A_0 = arith.muli %arg1, %mul3A : i32
    %add3A = arith.addi %mul3A_0, %arg0 : i32
    %mul3A_1 = arith.constant 512 : i32
    %mul3A_2 = arith.muli %add3A, %mul3A_1 : i32
    "tpu.region"() ({
      %run_scoped3A = tpu.sem_alloc : memref<!tpu.dma_semaphore, #tpu.memory_space<semaphore_mem>>
      %dma_start3A = tpu.memref_slice %arg2[%mul3A_2] : memref<16384xf32, #tpu.memory_space<hbm>> -> memref<512xf32, #tpu.memory_space<hbm>>
      %dma_start3A_521 = tpu.memref_slice %arg2[%mul3A_2] : memref<16384xf32, #tpu.memory_space<hbm>> -> memref<512xf32, #tpu.memory_space<hbm>>
      tpu.enqueue_dma source(%dma_start3A_521 : memref<512xf32, #tpu.memory_space<hbm>>) target(%arg5 : memref<512xf32, #tpu.memory_space<vmem>>) target_semaphore(%run_scoped3A : memref<!tpu.dma_semaphore, #tpu.memory_space<semaphore_mem>>)
      %dma_wait3A = tpu.memref_slice %arg2[%mul3A_2] : memref<16384xf32, #tpu.memory_space<hbm>> -> memref<512xf32, #tpu.memory_space<hbm>>
      %dma_wait3A_522 = tpu.memref_slice %arg2[%mul3A_2] : memref<16384xf32, #tpu.memory_space<hbm>> -> memref<512xf32, #tpu.memory_space<hbm>>
      tpu.wait_dma2 semaphore(%run_scoped3A : memref<!tpu.dma_semaphore, #tpu.memory_space<semaphore_mem>>) src(%dma_wait3A_522 : memref<512xf32, #tpu.memory_space<hbm>>) dst(%arg5 : memref<512xf32, #tpu.memory_space<vmem>>)
      tpu.yield
    }) : () -> ()
    %broadcast_in_dim3A = arith.constant 1.000000e+00 : f32
    %broadcast_in_dim3A_3 = vector.broadcast %broadcast_in_dim3A : f32 to vector<16xf32>
    %broadcast_in_dim3A_4 = arith.constant 0.000000e+00 : f32
    %broadcast_in_dim3A_5 = vector.broadcast %broadcast_in_dim3A_4 : f32 to vector<16xf32>
    %get3A = arith.constant 0 : index
    %get3A_6 = tpu.vector_load %arg5[%get3A] {strides = array<i32>} : memref<512xf32, #tpu.memory_space<vmem>>, vector<16xf32>,
    %bitcast3A = vector.bitcast %get3A_6 : vector<16xf32> to vector<16xi32>
    %shift_right_arithmetic3A = arith.constant 31 : i32
    %shift_right_arithmetic3A_7 = vector.broadcast %shift_right_arithmetic3A : i32 to vector<16xi32>
    %shift_right_arithmetic3A_8 = arith.shrsi %bitcast3A, %shift_right_arithmetic3A_7 : vector<16xi32>
    %and3A = arith.constant 2147483647 : i32
    %and3A_9 = vector.broadcast %and3A : i32 to vector<16xi32>
    %and3A_10 = arith.andi %shift_right_arithmetic3A_8, %and3A_9 : vector<16xi32>
    %xor3A = arith.xori %bitcast3A, %and3A_10 : vector<16xi32>
    %swap3A = arith.constant 0 : index
    %swap3A_11 = tpu.vector_load %arg6[%swap3A] {strides = array<i32>} : memref<512xi32, #tpu.memory_space<vmem>>, vector<16xi32>,
    tpu.vector_store %arg6[%swap3A], %xor3A {strides = array<i32>} : memref<512xi32, #tpu.memory_space<vmem>>, vector<16xi32>,
    %get3A_12 = arith.constant 16 : index
    %get3A_13 = tpu.vector_load %arg5[%get3A_12] {strides = array<i32>} : memref<512xf32, #tpu.memory_space<vmem>>, vector<16xf32>,
    %bitcast3A_14 = vector.bitcast %get3A_13 : vector<16xf32> to vector<16xi32>
    %shift_right_arithmetic3A_15 = arith.constant 31 : i32
    %shift_right_arithmetic3A_16 = vector.broadcast %shift_right_arithmetic3A_15 : i32 to vector<16xi32>
    %shift_right_arithmetic3A_17 = arith.shrsi %bitcast3A_14, %shift_right_arithmetic3A_16 : vector<16xi32>
    %and3A_18 = arith.constant 2147483647 : i32
    %and3A_19 = vector.broadcast %and3A_18 : i32 to vector<16xi32>
    %and3A_20 = arith.andi %shift_right_arithmetic3A_17, %and3A_19 : vector<16xi32>
    %xor3A_21 = arith.xori %bitcast3A_14, %and3A_20 : vector<16xi32>
    %swap3A_22 = arith.constant 16 : index
    %swap3A_23 = tpu.vector_load %arg6[%swap3A_22] {strides = array<i32>} : memref<512xi32, #tpu.memory_space<vmem>>, vector<16xi32>,
    tpu.vector_store %arg6[%swap3A_22], %xor3A_21 {strides = array<i32>} : memref<512xi32, #tpu.memory_space<vmem>>, vector<16xi32>,
    %get3A_24 = arith.constant 32 : index
    %get3A_25 = tpu.vector_load %arg5[%get3A_24] {strides = array<i32>} : memref<512xf32, #tpu.memory_space<vmem>>, vector<16xf32>,
    %bitcast3A_26 = vector.bitcast %get3A_25 : vector<16xf32> to vector<16xi32>
    %shift_right_arithmetic3A_27 = arith.constant 31 : i32
    %shift_right_arithmetic3A_28 = vector.broadcast %shift_right_arithmetic3A_27 : i32 to vector<16xi32>
    %shift_right_arithmetic3A_29 = arith.shrsi %bitcast3A_26, %shift_right_arithmetic3A_28 : vector<16xi32>
    %and3A_30 = arith.constant 2147483647 : i32
    %and3A_31 = vector.broadcast %and3A_30 : i32 to vector<16xi32>
    %and3A_32 = arith.andi %shift_right_arithmetic3A_29, %and3A_31 : vector<16xi32>
    %xor3A_33 = arith.xori %bitcast3A_26, %and3A_32 : vector<16xi32>
    %swap3A_34 = arith.constant 32 : index
    %swap3A_35 = tpu.vector_load %arg6[%swap3A_34] {strides = array<i32>} : memref<512xi32, #tpu.memory_space<vmem>>, vector<16xi32>,
    tpu.vector_store %arg6[%swap3A_34], %xor3A_33 {strides = array<i32>} : memref<512xi32, #tpu.memory_space<vmem>>, vector<16xi32>,
    %get3A_36 = arith.constant 48 : index
    %get3A_37 = tpu.vector_load %arg5[%get3A_36] {strides = array<i32>} : memref<512xf32, #tpu.memory_space<vmem>>, vector<16xf32>,
    %bitcast3A_38 = vector.bitcast %get3A_37 : vector<16xf32> to vector<16xi32>
    %shift_right_arithmetic3A_39 = arith.constant 31 : i32
    %shift_right_arithmetic3A_40 = vector.broadcast %shift_right_arithmetic3A_39 : i32 to vector<16xi32>
    %shift_right_arithmetic3A_41 = arith.shrsi %bitcast3A_38, %shift_right_arithmetic3A_40 : vector<16xi32>
    %and3A_42 = arith.constant 2147483647 : i32
    %and3A_43 = vector.broadcast %and3A_42 : i32 to vector<16xi32>
    %and3A_44 = arith.andi %shift_right_arithmetic3A_41, %and3A_43 : vector<16xi32>
    %xor3A_45 = arith.xori %bitcast3A_38, %and3A_44 : vector<16xi32>
    %swap3A_46 = arith.constant 48 : index
    %swap3A_47 = tpu.vector_load %arg6[%swap3A_46] {strides = array<i32>} : memref<512xi32, #tpu.memory_space<vmem>>, vector<16xi32>,
    tpu.vector_store %arg6[%swap3A_46], %xor3A_45 {strides = array<i32>} : memref<512xi32, #tpu.memory_space<vmem>>, vector<16xi32>,
    %get3A_48 = arith.constant 64 : index
    %get3A_49 = tpu.vector_load %arg5[%get3A_48] {strides = array<i32>} : memref<512xf32, #tpu.memory_space<vmem>>, vector<16xf32>,
    %bitcast3A_50 = vector.bitcast %get3A_49 : vector<16xf32> to vector<16xi32>
    %shift_right_arithmetic3A_51 = arith.constant 31 : i32
    %shift_right_arithmetic3A_52 = vector.broadcast %shift_right_arithmetic3A_51 : i32 to vector<16xi32>
    %shift_right_arithmetic3A_53 = arith.shrsi %bitcast3A_50, %shift_right_arithmetic3A_52 : vector<16xi32>
    %and3A_54 = arith.constant 2147483647 : i32
    %and3A_55 = vector.broadcast %and3A_54 : i32 to vector<16xi32>
    %and3A_56 = arith.andi %shift_right_arithmetic3A_53, %and3A_55 : vector<16xi32>
    %xor3A_57 = arith.xori %bitcast3A_50, %and3A_56 : vector<16xi32>
    %swap3A_58 = arith.constant 64 : index
    %swap3A_59 = tpu.vector_load %arg6[%swap3A_58] {strides = array<i32>} : memref<512xi32, #tpu.memory_space<vmem>>, vector<16xi32>,
    tpu.vector_store %arg6[%swap3A_58], %xor3A_57 {strides = array<i32>} : memref<512xi32, #tpu.memory_space<vmem>>, vector<16xi32>,
    %get3A_60 = arith.constant 80 : index
    %get3A_61 = tpu.vector_load %arg5[%get3A_60] {strides = array<i32>} : memref<512xf32, #tpu.memory_space<vmem>>, vector<16xf32>,
    %bitcast3A_62 = vector.bitcast %get3A_61 : vector<16xf32> to vector<16xi32>
    %shift_right_arithmetic3A_63 = arith.constant 31 : i32
    %shift_right_arithmetic3A_64 = vector.broadcast %shift_right_arithmetic3A_63 : i32 to vector<16xi32>
    %shift_right_arithmetic3A_65 = arith.shrsi %bitcast3A_62, %shift_right_arithmetic3A_64 : vector<16xi32>
    %and3A_66 = arith.constant 2147483647 : i32
    %and3A_67 = vector.broadcast %and3A_66 : i32 to vector<16xi32>
    %and3A_68 = arith.andi %shift_right_arithmetic3A_65, %and3A_67 : vector<16xi32>
    %xor3A_69 = arith.xori %bitcast3A_62, %and3A_68 : vector<16xi32>
    %swap3A_70 = arith.constant 80 : index
    %swap3A_71 = tpu.vector_load %arg6[%swap3A_70] {strides = array<i32>} : memref<512xi32, #tpu.memory_space<vmem>>, vector<16xi32>,
    tpu.vector_store %arg6[%swap3A_70], %xor3A_69 {strides = array<i32>} : memref<512xi32, #tpu.memory_space<vmem>>, vector<16xi32>,
    %get3A_72 = arith.constant 96 : index
    %get3A_73 = tpu.vector_load %arg5[%get3A_72] {strides = array<i32>} : memref<512xf32, #tpu.memory_space<vmem>>, vector<16xf32>,
    %bitcast3A_74 = vector.bitcast %get3A_73 : vector<16xf32> to vector<16xi32>
    %shift_right_arithmetic3A_75 = arith.constant 31 : i32
    %shift_right_arithmetic3A_76 = vector.broadcast %shift_right_arithmetic3A_75 : i32 to vector<16xi32>
    %shift_right_arithmetic3A_77 = arith.shrsi %bitcast3A_74, %shift_right_arithmetic3A_76 : vector<16xi32>
    %and3A_78 = arith.constant 2147483647 : i32
    %and3A_79 = vector.broadcast %and3A_78 : i32 to vector<16xi32>
    %and3A_80 = arith.andi %shift_right_arithmetic3A_77, %and3A_79 : vector<16xi32>
    %xor3A_81 = arith.xori %bitcast3A_74, %and3A_80 : vector<16xi32>
    %swap3A_82 = arith.constant 96 : index
    %swap3A_83 = tpu.vector_load %arg6[%swap3A_82] {strides = array<i32>} : memref<512xi32, #tpu.memory_space<vmem>>, vector<16xi32>,
    tpu.vector_store %arg6[%swap3A_82], %xor3A_81 {strides = array<i32>} : memref<512xi32, #tpu.memory_space<vmem>>, vector<16xi32>,
    %get3A_84 = arith.constant 112 : index
    %get3A_85 = tpu.vector_load %arg5[%get3A_84] {strides = array<i32>} : memref<512xf32, #tpu.memory_space<vmem>>, vector<16xf32>,
    %bitcast3A_86 = vector.bitcast %get3A_85 : vector<16xf32> to vector<16xi32>
    %shift_right_arithmetic3A_87 = arith.constant 31 : i32
    %shift_right_arithmetic3A_88 = vector.broadcast %shift_right_arithmetic3A_87 : i32 to vector<16xi32>
    %shift_right_arithmetic3A_89 = arith.shrsi %bitcast3A_86, %shift_right_arithmetic3A_88 : vector<16xi32>
    %and3A_90 = arith.constant 2147483647 : i32
    %and3A_91 = vector.broadcast %and3A_90 : i32 to vector<16xi32>
    %and3A_92 = arith.andi %shift_right_arithmetic3A_89, %and3A_91 : vector<16xi32>
    %xor3A_93 = arith.xori %bitcast3A_86, %and3A_92 : vector<16xi32>
    %swap3A_94 = arith.constant 112 : index
    %swap3A_95 = tpu.vector_load %arg6[%swap3A_94] {strides = array<i32>} : memref<512xi32, #tpu.memory_space<vmem>>, vector<16xi32>,
    tpu.vector_store %arg6[%swap3A_94], %xor3A_93 {strides = array<i32>} : memref<512xi32, #tpu.memory_space<vmem>>, vector<16xi32>,
    %get3A_96 = arith.constant 128 : index
    %get3A_97 = tpu.vector_load %arg5[%get3A_96] {strides = array<i32>} : memref<512xf32, #tpu.memory_space<vmem>>, vector<16xf32>,
    %bitcast3A_98 = vector.bitcast %get3A_97 : vector<16xf32> to vector<16xi32>
    %shift_right_arithmetic3A_99 = arith.constant 31 : i32
    %shift_right_arithmetic3A_100 = vector.broadcast %shift_right_arithmetic3A_99 : i32 to vector<16xi32>
    %shift_right_arithmetic3A_101 = arith.shrsi %bitcast3A_98, %shift_right_arithmetic3A_100 : vector<16xi32>
    %and3A_102 = arith.constant 2147483647 : i32
    %and3A_103 = vector.broadcast %and3A_102 : i32 to vector<16xi32>
    %and3A_104 = arith.andi %shift_right_arithmetic3A_101, %and3A_103 : vector<16xi32>
    %xor3A_105 = arith.xori %bitcast3A_98, %and3A_104 : vector<16xi32>
    %swap3A_106 = arith.constant 128 : index
    %swap3A_107 = tpu.vector_load %arg6[%swap3A_106] {strides = array<i32>} : memref<512xi32, #tpu.memory_space<vmem>>, vector<16xi32>,
    tpu.vector_store %arg6[%swap3A_106], %xor3A_105 {strides = array<i32>} : memref<512xi32, #tpu.memory_space<vmem>>, vector<16xi32>,
    %get3A_108 = arith.constant 144 : index
    %get3A_109 = tpu.vector_load %arg5[%get3A_108] {strides = array<i32>} : memref<512xf32, #tpu.memory_space<vmem>>, vector<16xf32>,
    %bitcast3A_110 = vector.bitcast %get3A_109 : vector<16xf32> to vector<16xi32>
    %shift_right_arithmetic3A_111 = arith.constant 31 : i32
    %shift_right_arithmetic3A_112 = vector.broadcast %shift_right_arithmetic3A_111 : i32 to vector<16xi32>
    %shift_right_arithmetic3A_113 = arith.shrsi %bitcast3A_110, %shift_right_arithmetic3A_112 : vector<16xi32>
    %and3A_114 = arith.constant 2147483647 : i32
    %and3A_115 = vector.broadcast %and3A_114 : i32 to vector<16xi32>
    %and3A_116 = arith.andi %shift_right_arithmetic3A_113, %and3A_115 : vector<16xi32>
    %xor3A_117 = arith.xori %bitcast3A_110, %and3A_116 : vector<16xi32>
    %swap3A_118 = arith.constant 144 : index
    %swap3A_119 = tpu.vector_load %arg6[%swap3A_118] {strides = array<i32>} : memref<512xi32, #tpu.memory_space<vmem>>, vector<16xi32>,
    tpu.vector_store %arg6[%swap3A_118], %xor3A_117 {strides = array<i32>} : memref<512xi32, #tpu.memory_space<vmem>>, vector<16xi32>,
    %get3A_120 = arith.constant 160 : index
    %get3A_121 = tpu.vector_load %arg5[%get3A_120] {strides = array<i32>} : memref<512xf32, #tpu.memory_space<vmem>>, vector<16xf32>,
    %bitcast3A_122 = vector.bitcast %get3A_121 : vector<16xf32> to vector<16xi32>
    %shift_right_arithmetic3A_123 = arith.constant 31 : i32
    %shift_right_arithmetic3A_124 = vector.broadcast %shift_right_arithmetic3A_123 : i32 to vector<16xi32>
    %shift_right_arithmetic3A_125 = arith.shrsi %bitcast3A_122, %shift_right_arithmetic3A_124 : vector<16xi32>
    %and3A_126 = arith.constant 2147483647 : i32
    %and3A_127 = vector.broadcast %and3A_126 : i32 to vector<16xi32>
    %and3A_128 = arith.andi %shift_right_arithmetic3A_125, %and3A_127 : vector<16xi32>
    %xor3A_129 = arith.xori %bitcast3A_122, %and3A_128 : vector<16xi32>
    %swap3A_130 = arith.constant 160 : index
    %swap3A_131 = tpu.vector_load %arg6[%swap3A_130] {strides = array<i32>} : memref<512xi32, #tpu.memory_space<vmem>>, vector<16xi32>,
    tpu.vector_store %arg6[%swap3A_130], %xor3A_129 {strides = array<i32>} : memref<512xi32, #tpu.memory_space<vmem>>, vector<16xi32>,
    %get3A_132 = arith.constant 176 : index
    %get3A_133 = tpu.vector_load %arg5[%get3A_132] {strides = array<i32>} : memref<512xf32, #tpu.memory_space<vmem>>, vector<16xf32>,
    %bitcast3A_134 = vector.bitcast %get3A_133 : vector<16xf32> to vector<16xi32>
    %shift_right_arithmetic3A_135 = arith.constant 31 : i32
    %shift_right_arithmetic3A_136 = vector.broadcast %shift_right_arithmetic3A_135 : i32 to vector<16xi32>
    %shift_right_arithmetic3A_137 = arith.shrsi %bitcast3A_134, %shift_right_arithmetic3A_136 : vector<16xi32>
    %and3A_138 = arith.constant 2147483647 : i32
    %and3A_139 = vector.broadcast %and3A_138 : i32 to vector<16xi32>
    %and3A_140 = arith.andi %shift_right_arithmetic3A_137, %and3A_139 : vector<16xi32>
    %xor3A_141 = arith.xori %bitcast3A_134, %and3A_140 : vector<16xi32>
    %swap3A_142 = arith.constant 176 : index
    %swap3A_143 = tpu.vector_load %arg6[%swap3A_142] {strides = array<i32>} : memref<512xi32, #tpu.memory_space<vmem>>, vector<16xi32>,
    tpu.vector_store %arg6[%swap3A_142], %xor3A_141 {strides = array<i32>} : memref<512xi32, #tpu.memory_space<vmem>>, vector<16xi32>,
    %get3A_144 = arith.constant 192 : index
    %get3A_145 = tpu.vector_load %arg5[%get3A_144] {strides = array<i32>} : memref<512xf32, #tpu.memory_space<vmem>>, vector<16xf32>,
    %bitcast3A_146 = vector.bitcast %get3A_145 : vector<16xf32> to vector<16xi32>
    %shift_right_arithmetic3A_147 = arith.constant 31 : i32
    %shift_right_arithmetic3A_148 = vector.broadcast %shift_right_arithmetic3A_147 : i32 to vector<16xi32>
    %shift_right_arithmetic3A_149 = arith.shrsi %bitcast3A_146, %shift_right_arithmetic3A_148 : vector<16xi32>
    %and3A_150 = arith.constant 2147483647 : i32
    %and3A_151 = vector.broadcast %and3A_150 : i32 to vector<16xi32>
    %and3A_152 = arith.andi %shift_right_arithmetic3A_149, %and3A_151 : vector<16xi32>
    %xor3A_153 = arith.xori %bitcast3A_146, %and3A_152 : vector<16xi32>
    %swap3A_154 = arith.constant 192 : index
    %swap3A_155 = tpu.vector_load %arg6[%swap3A_154] {strides = array<i32>} : memref<512xi32, #tpu.memory_space<vmem>>, vector<16xi32>,
    tpu.vector_store %arg6[%swap3A_154], %xor3A_153 {strides = array<i32>} : memref<512xi32, #tpu.memory_space<vmem>>, vector<16xi32>,
    %get3A_156 = arith.constant 208 : index
    %get3A_157 = tpu.vector_load %arg5[%get3A_156] {strides = array<i32>} : memref<512xf32, #tpu.memory_space<vmem>>, vector<16xf32>,
    %bitcast3A_158 = vector.bitcast %get3A_157 : vector<16xf32> to vector<16xi32>
    %shift_right_arithmetic3A_159 = arith.constant 31 : i32
    %shift_right_arithmetic3A_160 = vector.broadcast %shift_right_arithmetic3A_159 : i32 to vector<16xi32>
    %shift_right_arithmetic3A_161 = arith.shrsi %bitcast3A_158, %shift_right_arithmetic3A_160 : vector<16xi32>
    %and3A_162 = arith.constant 2147483647 : i32
    %and3A_163 = vector.broadcast %and3A_162 : i32 to vector<16xi32>
    %and3A_164 = arith.andi %shift_right_arithmetic3A_161, %and3A_163 : vector<16xi32>
    %xor3A_165 = arith.xori %bitcast3A_158, %and3A_164 : vector<16xi32>
    %swap3A_166 = arith.constant 208 : index
    %swap3A_167 = tpu.vector_load %arg6[%swap3A_166] {strides = array<i32>} : memref<512xi32, #tpu.memory_space<vmem>>, vector<16xi32>,
    tpu.vector_store %arg6[%swap3A_166], %xor3A_165 {strides = array<i32>} : memref<512xi32, #tpu.memory_space<vmem>>, vector<16xi32>,
    %get3A_168 = arith.constant 224 : index
    %get3A_169 = tpu.vector_load %arg5[%get3A_168] {strides = array<i32>} : memref<512xf32, #tpu.memory_space<vmem>>, vector<16xf32>,
    %bitcast3A_170 = vector.bitcast %get3A_169 : vector<16xf32> to vector<16xi32>
    %shift_right_arithmetic3A_171 = arith.constant 31 : i32
    %shift_right_arithmetic3A_172 = vector.broadcast %shift_right_arithmetic3A_171 : i32 to vector<16xi32>
    %shift_right_arithmetic3A_173 = arith.shrsi %bitcast3A_170, %shift_right_arithmetic3A_172 : vector<16xi32>
    %and3A_174 = arith.constant 2147483647 : i32
    %and3A_175 = vector.broadcast %and3A_174 : i32 to vector<16xi32>
    %and3A_176 = arith.andi %shift_right_arithmetic3A_173, %and3A_175 : vector<16xi32>
    %xor3A_177 = arith.xori %bitcast3A_170, %and3A_176 : vector<16xi32>
    %swap3A_178 = arith.constant 224 : index
    %swap3A_179 = tpu.vector_load %arg6[%swap3A_178] {strides = array<i32>} : memref<512xi32, #tpu.memory_space<vmem>>, vector<16xi32>,
    tpu.vector_store %arg6[%swap3A_178], %xor3A_177 {strides = array<i32>} : memref<512xi32, #tpu.memory_space<vmem>>, vector<16xi32>,
    %get3A_180 = arith.constant 240 : index
    %get3A_181 = tpu.vector_load %arg5[%get3A_180] {strides = array<i32>} : memref<512xf32, #tpu.memory_space<vmem>>, vector<16xf32>,
    %bitcast3A_182 = vector.bitcast %get3A_181 : vector<16xf32> to vector<16xi32>
    %shift_right_arithmetic3A_183 = arith.constant 31 : i32
    %shift_right_arithmetic3A_184 = vector.broadcast %shift_right_arithmetic3A_183 : i32 to vector<16xi32>
    %shift_right_arithmetic3A_185 = arith.shrsi %bitcast3A_182, %shift_right_arithmetic3A_184 : vector<16xi32>
    %and3A_186 = arith.constant 2147483647 : i32
    %and3A_187 = vector.broadcast %and3A_186 : i32 to vector<16xi32>
    %and3A_188 = arith.andi %shift_right_arithmetic3A_185, %and3A_187 : vector<16xi32>
    %xor3A_189 = arith.xori %bitcast3A_182, %and3A_188 : vector<16xi32>
    %swap3A_190 = arith.constant 240 : index
    %swap3A_191 = tpu.vector_load %arg6[%swap3A_190] {strides = array<i32>} : memref<512xi32, #tpu.memory_space<vmem>>, vector<16xi32>,
    tpu.vector_store %arg6[%swap3A_190], %xor3A_189 {strides = array<i32>} : memref<512xi32, #tpu.memory_space<vmem>>, vector<16xi32>,
    %get3A_192 = arith.constant 256 : index
    %get3A_193 = tpu.vector_load %arg5[%get3A_192] {strides = array<i32>} : memref<512xf32, #tpu.memory_space<vmem>>, vector<16xf32>,
    %bitcast3A_194 = vector.bitcast %get3A_193 : vector<16xf32> to vector<16xi32>
    %shift_right_arithmetic3A_195 = arith.constant 31 : i32
    %shift_right_arithmetic3A_196 = vector.broadcast %shift_right_arithmetic3A_195 : i32 to vector<16xi32>
    %shift_right_arithmetic3A_197 = arith.shrsi %bitcast3A_194, %shift_right_arithmetic3A_196 : vector<16xi32>
    %and3A_198 = arith.constant 2147483647 : i32
    %and3A_199 = vector.broadcast %and3A_198 : i32 to vector<16xi32>
    %and3A_200 = arith.andi %shift_right_arithmetic3A_197, %and3A_199 : vector<16xi32>
    %xor3A_201 = arith.xori %bitcast3A_194, %and3A_200 : vector<16xi32>
    %swap3A_202 = arith.constant 256 : index
    %swap3A_203 = tpu.vector_load %arg6[%swap3A_202] {strides = array<i32>} : memref<512xi32, #tpu.memory_space<vmem>>, vector<16xi32>,
    tpu.vector_store %arg6[%swap3A_202], %xor3A_201 {strides = array<i32>} : memref<512xi32, #tpu.memory_space<vmem>>, vector<16xi32>,
    %get3A_204 = arith.constant 272 : index
    %get3A_205 = tpu.vector_load %arg5[%get3A_204] {strides = array<i32>} : memref<512xf32, #tpu.memory_space<vmem>>, vector<16xf32>,
    %bitcast3A_206 = vector.bitcast %get3A_205 : vector<16xf32> to vector<16xi32>
    %shift_right_arithmetic3A_207 = arith.constant 31 : i32
    %shift_right_arithmetic3A_208 = vector.broadcast %shift_right_arithmetic3A_207 : i32 to vector<16xi32>
    %shift_right_arithmetic3A_209 = arith.shrsi %bitcast3A_206, %shift_right_arithmetic3A_208 : vector<16xi32>
    %and3A_210 = arith.constant 2147483647 : i32
    %and3A_211 = vector.broadcast %and3A_210 : i32 to vector<16xi32>
    %and3A_212 = arith.andi %shift_right_arithmetic3A_209, %and3A_211 : vector<16xi32>
    %xor3A_213 = arith.xori %bitcast3A_206, %and3A_212 : vector<16xi32>
    %swap3A_214 = arith.constant 272 : index
    %swap3A_215 = tpu.vector_load %arg6[%swap3A_214] {strides = array<i32>} : memref<512xi32, #tpu.memory_space<vmem>>, vector<16xi32>,
    tpu.vector_store %arg6[%swap3A_214], %xor3A_213 {strides = array<i32>} : memref<512xi32, #tpu.memory_space<vmem>>, vector<16xi32>,
    %get3A_216 = arith.constant 288 : index
    %get3A_217 = tpu.vector_load %arg5[%get3A_216] {strides = array<i32>} : memref<512xf32, #tpu.memory_space<vmem>>, vector<16xf32>,
    %bitcast3A_218 = vector.bitcast %get3A_217 : vector<16xf32> to vector<16xi32>
    %shift_right_arithmetic3A_219 = arith.constant 31 : i32
    %shift_right_arithmetic3A_220 = vector.broadcast %shift_right_arithmetic3A_219 : i32 to vector<16xi32>
    %shift_right_arithmetic3A_221 = arith.shrsi %bitcast3A_218, %shift_right_arithmetic3A_220 : vector<16xi32>
    %and3A_222 = arith.constant 2147483647 : i32
    %and3A_223 = vector.broadcast %and3A_222 : i32 to vector<16xi32>
    %and3A_224 = arith.andi %shift_right_arithmetic3A_221, %and3A_223 : vector<16xi32>
    %xor3A_225 = arith.xori %bitcast3A_218, %and3A_224 : vector<16xi32>
    %swap3A_226 = arith.constant 288 : index
    %swap3A_227 = tpu.vector_load %arg6[%swap3A_226] {strides = array<i32>} : memref<512xi32, #tpu.memory_space<vmem>>, vector<16xi32>,
    tpu.vector_store %arg6[%swap3A_226], %xor3A_225 {strides = array<i32>} : memref<512xi32, #tpu.memory_space<vmem>>, vector<16xi32>,
    %get3A_228 = arith.constant 304 : index
    %get3A_229 = tpu.vector_load %arg5[%get3A_228] {strides = array<i32>} : memref<512xf32, #tpu.memory_space<vmem>>, vector<16xf32>,
    %bitcast3A_230 = vector.bitcast %get3A_229 : vector<16xf32> to vector<16xi32>
    %shift_right_arithmetic3A_231 = arith.constant 31 : i32
    %shift_right_arithmetic3A_232 = vector.broadcast %shift_right_arithmetic3A_231 : i32 to vector<16xi32>
    %shift_right_arithmetic3A_233 = arith.shrsi %bitcast3A_230, %shift_right_arithmetic3A_232 : vector<16xi32>
    %and3A_234 = arith.constant 2147483647 : i32
    %and3A_235 = vector.broadcast %and3A_234 : i32 to vector<16xi32>
    %and3A_236 = arith.andi %shift_right_arithmetic3A_233, %and3A_235 : vector<16xi32>
    %xor3A_237 = arith.xori %bitcast3A_230, %and3A_236 : vector<16xi32>
    %swap3A_238 = arith.constant 304 : index
    %swap3A_239 = tpu.vector_load %arg6[%swap3A_238] {strides = array<i32>} : memref<512xi32, #tpu.memory_space<vmem>>, vector<16xi32>,
    tpu.vector_store %arg6[%swap3A_238], %xor3A_237 {strides = array<i32>} : memref<512xi32, #tpu.memory_space<vmem>>, vector<16xi32>,
    %get3A_240 = arith.constant 320 : index
    %get3A_241 = tpu.vector_load %arg5[%get3A_240] {strides = array<i32>} : memref<512xf32, #tpu.memory_space<vmem>>, vector<16xf32>,
    %bitcast3A_242 = vector.bitcast %get3A_241 : vector<16xf32> to vector<16xi32>
    %shift_right_arithmetic3A_243 = arith.constant 31 : i32
    %shift_right_arithmetic3A_244 = vector.broadcast %shift_right_arithmetic3A_243 : i32 to vector<16xi32>
    %shift_right_arithmetic3A_245 = arith.shrsi %bitcast3A_242, %shift_right_arithmetic3A_244 : vector<16xi32>
    %and3A_246 = arith.constant 2147483647 : i32
    %and3A_247 = vector.broadcast %and3A_246 : i32 to vector<16xi32>
    %and3A_248 = arith.andi %shift_right_arithmetic3A_245, %and3A_247 : vector<16xi32>
    %xor3A_249 = arith.xori %bitcast3A_242, %and3A_248 : vector<16xi32>
    %swap3A_250 = arith.constant 320 : index
    %swap3A_251 = tpu.vector_load %arg6[%swap3A_250] {strides = array<i32>} : memref<512xi32, #tpu.memory_space<vmem>>, vector<16xi32>,
    tpu.vector_store %arg6[%swap3A_250], %xor3A_249 {strides = array<i32>} : memref<512xi32, #tpu.memory_space<vmem>>, vector<16xi32>,
    %get3A_252 = arith.constant 336 : index
    %get3A_253 = tpu.vector_load %arg5[%get3A_252] {strides = array<i32>} : memref<512xf32, #tpu.memory_space<vmem>>, vector<16xf32>,
    %bitcast3A_254 = vector.bitcast %get3A_253 : vector<16xf32> to vector<16xi32>
    %shift_right_arithmetic3A_255 = arith.constant 31 : i32
    %shift_right_arithmetic3A_256 = vector.broadcast %shift_right_arithmetic3A_255 : i32 to vector<16xi32>
    %shift_right_arithmetic3A_257 = arith.shrsi %bitcast3A_254, %shift_right_arithmetic3A_256 : vector<16xi32>
    %and3A_258 = arith.constant 2147483647 : i32
    %and3A_259 = vector.broadcast %and3A_258 : i32 to vector<16xi32>
    %and3A_260 = arith.andi %shift_right_arithmetic3A_257, %and3A_259 : vector<16xi32>
    %xor3A_261 = arith.xori %bitcast3A_254, %and3A_260 : vector<16xi32>
    %swap3A_262 = arith.constant 336 : index
    %swap3A_263 = tpu.vector_load %arg6[%swap3A_262] {strides = array<i32>} : memref<512xi32, #tpu.memory_space<vmem>>, vector<16xi32>,
    tpu.vector_store %arg6[%swap3A_262], %xor3A_261 {strides = array<i32>} : memref<512xi32, #tpu.memory_space<vmem>>, vector<16xi32>,
    %get3A_264 = arith.constant 352 : index
    %get3A_265 = tpu.vector_load %arg5[%get3A_264] {strides = array<i32>} : memref<512xf32, #tpu.memory_space<vmem>>, vector<16xf32>,
    %bitcast3A_266 = vector.bitcast %get3A_265 : vector<16xf32> to vector<16xi32>
    %shift_right_arithmetic3A_267 = arith.constant 31 : i32
    %shift_right_arithmetic3A_268 = vector.broadcast %shift_right_arithmetic3A_267 : i32 to vector<16xi32>
    %shift_right_arithmetic3A_269 = arith.shrsi %bitcast3A_266, %shift_right_arithmetic3A_268 : vector<16xi32>
    %and3A_270 = arith.constant 2147483647 : i32
    %and3A_271 = vector.broadcast %and3A_270 : i32 to vector<16xi32>
    %and3A_272 = arith.andi %shift_right_arithmetic3A_269, %and3A_271 : vector<16xi32>
    %xor3A_273 = arith.xori %bitcast3A_266, %and3A_272 : vector<16xi32>
    %swap3A_274 = arith.constant 352 : index
    %swap3A_275 = tpu.vector_load %arg6[%swap3A_274] {strides = array<i32>} : memref<512xi32, #tpu.memory_space<vmem>>, vector<16xi32>,
    tpu.vector_store %arg6[%swap3A_274], %xor3A_273 {strides = array<i32>} : memref<512xi32, #tpu.memory_space<vmem>>, vector<16xi32>,
    %get3A_276 = arith.constant 368 : index
    %get3A_277 = tpu.vector_load %arg5[%get3A_276] {strides = array<i32>} : memref<512xf32, #tpu.memory_space<vmem>>, vector<16xf32>,
    %bitcast3A_278 = vector.bitcast %get3A_277 : vector<16xf32> to vector<16xi32>
    %shift_right_arithmetic3A_279 = arith.constant 31 : i32
    %shift_right_arithmetic3A_280 = vector.broadcast %shift_right_arithmetic3A_279 : i32 to vector<16xi32>
    %shift_right_arithmetic3A_281 = arith.shrsi %bitcast3A_278, %shift_right_arithmetic3A_280 : vector<16xi32>
    %and3A_282 = arith.constant 2147483647 : i32
    %and3A_283 = vector.broadcast %and3A_282 : i32 to vector<16xi32>
    %and3A_284 = arith.andi %shift_right_arithmetic3A_281, %and3A_283 : vector<16xi32>
    %xor3A_285 = arith.xori %bitcast3A_278, %and3A_284 : vector<16xi32>
    %swap3A_286 = arith.constant 368 : index
    %swap3A_287 = tpu.vector_load %arg6[%swap3A_286] {strides = array<i32>} : memref<512xi32, #tpu.memory_space<vmem>>, vector<16xi32>,
    tpu.vector_store %arg6[%swap3A_286], %xor3A_285 {strides = array<i32>} : memref<512xi32, #tpu.memory_space<vmem>>, vector<16xi32>,
    %get3A_288 = arith.constant 384 : index
    %get3A_289 = tpu.vector_load %arg5[%get3A_288] {strides = array<i32>} : memref<512xf32, #tpu.memory_space<vmem>>, vector<16xf32>,
    %bitcast3A_290 = vector.bitcast %get3A_289 : vector<16xf32> to vector<16xi32>
    %shift_right_arithmetic3A_291 = arith.constant 31 : i32
    %shift_right_arithmetic3A_292 = vector.broadcast %shift_right_arithmetic3A_291 : i32 to vector<16xi32>
    %shift_right_arithmetic3A_293 = arith.shrsi %bitcast3A_290, %shift_right_arithmetic3A_292 : vector<16xi32>
    %and3A_294 = arith.constant 2147483647 : i32
    %and3A_295 = vector.broadcast %and3A_294 : i32 to vector<16xi32>
    %and3A_296 = arith.andi %shift_right_arithmetic3A_293, %and3A_295 : vector<16xi32>
    %xor3A_297 = arith.xori %bitcast3A_290, %and3A_296 : vector<16xi32>
    %swap3A_298 = arith.constant 384 : index
    %swap3A_299 = tpu.vector_load %arg6[%swap3A_298] {strides = array<i32>} : memref<512xi32, #tpu.memory_space<vmem>>, vector<16xi32>,
    tpu.vector_store %arg6[%swap3A_298], %xor3A_297 {strides = array<i32>} : memref<512xi32, #tpu.memory_space<vmem>>, vector<16xi32>,
    %get3A_300 = arith.constant 400 : index
    %get3A_301 = tpu.vector_load %arg5[%get3A_300] {strides = array<i32>} : memref<512xf32, #tpu.memory_space<vmem>>, vector<16xf32>,
    %bitcast3A_302 = vector.bitcast %get3A_301 : vector<16xf32> to vector<16xi32>
    %shift_right_arithmetic3A_303 = arith.constant 31 : i32
    %shift_right_arithmetic3A_304 = vector.broadcast %shift_right_arithmetic3A_303 : i32 to vector<16xi32>
    %shift_right_arithmetic3A_305 = arith.shrsi %bitcast3A_302, %shift_right_arithmetic3A_304 : vector<16xi32>
    %and3A_306 = arith.constant 2147483647 : i32
    %and3A_307 = vector.broadcast %and3A_306 : i32 to vector<16xi32>
    %and3A_308 = arith.andi %shift_right_arithmetic3A_305, %and3A_307 : vector<16xi32>
    %xor3A_309 = arith.xori %bitcast3A_302, %and3A_308 : vector<16xi32>
    %swap3A_310 = arith.constant 400 : index
    %swap3A_311 = tpu.vector_load %arg6[%swap3A_310] {strides = array<i32>} : memref<512xi32, #tpu.memory_space<vmem>>, vector<16xi32>,
    tpu.vector_store %arg6[%swap3A_310], %xor3A_309 {strides = array<i32>} : memref<512xi32, #tpu.memory_space<vmem>>, vector<16xi32>,
    %get3A_312 = arith.constant 416 : index
    %get3A_313 = tpu.vector_load %arg5[%get3A_312] {strides = array<i32>} : memref<512xf32, #tpu.memory_space<vmem>>, vector<16xf32>,
    %bitcast3A_314 = vector.bitcast %get3A_313 : vector<16xf32> to vector<16xi32>
    %shift_right_arithmetic3A_315 = arith.constant 31 : i32
    %shift_right_arithmetic3A_316 = vector.broadcast %shift_right_arithmetic3A_315 : i32 to vector<16xi32>
    %shift_right_arithmetic3A_317 = arith.shrsi %bitcast3A_314, %shift_right_arithmetic3A_316 : vector<16xi32>
    %and3A_318 = arith.constant 2147483647 : i32
    %and3A_319 = vector.broadcast %and3A_318 : i32 to vector<16xi32>
    %and3A_320 = arith.andi %shift_right_arithmetic3A_317, %and3A_319 : vector<16xi32>
    %xor3A_321 = arith.xori %bitcast3A_314, %and3A_320 : vector<16xi32>
    %swap3A_322 = arith.constant 416 : index
    %swap3A_323 = tpu.vector_load %arg6[%swap3A_322] {strides = array<i32>} : memref<512xi32, #tpu.memory_space<vmem>>, vector<16xi32>,
    tpu.vector_store %arg6[%swap3A_322], %xor3A_321 {strides = array<i32>} : memref<512xi32, #tpu.memory_space<vmem>>, vector<16xi32>,
    %get3A_324 = arith.constant 432 : index
    %get3A_325 = tpu.vector_load %arg5[%get3A_324] {strides = array<i32>} : memref<512xf32, #tpu.memory_space<vmem>>, vector<16xf32>,
    %bitcast3A_326 = vector.bitcast %get3A_325 : vector<16xf32> to vector<16xi32>
    %shift_right_arithmetic3A_327 = arith.constant 31 : i32
    %shift_right_arithmetic3A_328 = vector.broadcast %shift_right_arithmetic3A_327 : i32 to vector<16xi32>
    %shift_right_arithmetic3A_329 = arith.shrsi %bitcast3A_326, %shift_right_arithmetic3A_328 : vector<16xi32>
    %and3A_330 = arith.constant 2147483647 : i32
    %and3A_331 = vector.broadcast %and3A_330 : i32 to vector<16xi32>
    %and3A_332 = arith.andi %shift_right_arithmetic3A_329, %and3A_331 : vector<16xi32>
    %xor3A_333 = arith.xori %bitcast3A_326, %and3A_332 : vector<16xi32>
    %swap3A_334 = arith.constant 432 : index
    %swap3A_335 = tpu.vector_load %arg6[%swap3A_334] {strides = array<i32>} : memref<512xi32, #tpu.memory_space<vmem>>, vector<16xi32>,
    tpu.vector_store %arg6[%swap3A_334], %xor3A_333 {strides = array<i32>} : memref<512xi32, #tpu.memory_space<vmem>>, vector<16xi32>,
    %get3A_336 = arith.constant 448 : index
    %get3A_337 = tpu.vector_load %arg5[%get3A_336] {strides = array<i32>} : memref<512xf32, #tpu.memory_space<vmem>>, vector<16xf32>,
    %bitcast3A_338 = vector.bitcast %get3A_337 : vector<16xf32> to vector<16xi32>
    %shift_right_arithmetic3A_339 = arith.constant 31 : i32
    %shift_right_arithmetic3A_340 = vector.broadcast %shift_right_arithmetic3A_339 : i32 to vector<16xi32>
    %shift_right_arithmetic3A_341 = arith.shrsi %bitcast3A_338, %shift_right_arithmetic3A_340 : vector<16xi32>
    %and3A_342 = arith.constant 2147483647 : i32
    %and3A_343 = vector.broadcast %and3A_342 : i32 to vector<16xi32>
    %and3A_344 = arith.andi %shift_right_arithmetic3A_341, %and3A_343 : vector<16xi32>
    %xor3A_345 = arith.xori %bitcast3A_338, %and3A_344 : vector<16xi32>
    %swap3A_346 = arith.constant 448 : index
    %swap3A_347 = tpu.vector_load %arg6[%swap3A_346] {strides = array<i32>} : memref<512xi32, #tpu.memory_space<vmem>>, vector<16xi32>,
    tpu.vector_store %arg6[%swap3A_346], %xor3A_345 {strides = array<i32>} : memref<512xi32, #tpu.memory_space<vmem>>, vector<16xi32>,
    %get3A_348 = arith.constant 464 : index
    %get3A_349 = tpu.vector_load %arg5[%get3A_348] {strides = array<i32>} : memref<512xf32, #tpu.memory_space<vmem>>, vector<16xf32>,
    %bitcast3A_350 = vector.bitcast %get3A_349 : vector<16xf32> to vector<16xi32>
    %shift_right_arithmetic3A_351 = arith.constant 31 : i32
    %shift_right_arithmetic3A_352 = vector.broadcast %shift_right_arithmetic3A_351 : i32 to vector<16xi32>
    %shift_right_arithmetic3A_353 = arith.shrsi %bitcast3A_350, %shift_right_arithmetic3A_352 : vector<16xi32>
    %and3A_354 = arith.constant 2147483647 : i32
    %and3A_355 = vector.broadcast %and3A_354 : i32 to vector<16xi32>
    %and3A_356 = arith.andi %shift_right_arithmetic3A_353, %and3A_355 : vector<16xi32>
    %xor3A_357 = arith.xori %bitcast3A_350, %and3A_356 : vector<16xi32>
    %swap3A_358 = arith.constant 464 : index
    %swap3A_359 = tpu.vector_load %arg6[%swap3A_358] {strides = array<i32>} : memref<512xi32, #tpu.memory_space<vmem>>, vector<16xi32>,
    tpu.vector_store %arg6[%swap3A_358], %xor3A_357 {strides = array<i32>} : memref<512xi32, #tpu.memory_space<vmem>>, vector<16xi32>,
    %get3A_360 = arith.constant 480 : index
    %get3A_361 = tpu.vector_load %arg5[%get3A_360] {strides = array<i32>} : memref<512xf32, #tpu.memory_space<vmem>>, vector<16xf32>,
    %bitcast3A_362 = vector.bitcast %get3A_361 : vector<16xf32> to vector<16xi32>
    %shift_right_arithmetic3A_363 = arith.constant 31 : i32
    %shift_right_arithmetic3A_364 = vector.broadcast %shift_right_arithmetic3A_363 : i32 to vector<16xi32>
    %shift_right_arithmetic3A_365 = arith.shrsi %bitcast3A_362, %shift_right_arithmetic3A_364 : vector<16xi32>
    %and3A_366 = arith.constant 2147483647 : i32
    %and3A_367 = vector.broadcast %and3A_366 : i32 to vector<16xi32>
    %and3A_368 = arith.andi %shift_right_arithmetic3A_365, %and3A_367 : vector<16xi32>
    %xor3A_369 = arith.xori %bitcast3A_362, %and3A_368 : vector<16xi32>
    %swap3A_370 = arith.constant 480 : index
    %swap3A_371 = tpu.vector_load %arg6[%swap3A_370] {strides = array<i32>} : memref<512xi32, #tpu.memory_space<vmem>>, vector<16xi32>,
    tpu.vector_store %arg6[%swap3A_370], %xor3A_369 {strides = array<i32>} : memref<512xi32, #tpu.memory_space<vmem>>, vector<16xi32>,
    %get3A_372 = arith.constant 496 : index
    %get3A_373 = tpu.vector_load %arg5[%get3A_372] {strides = array<i32>} : memref<512xf32, #tpu.memory_space<vmem>>, vector<16xf32>,
    %bitcast3A_374 = vector.bitcast %get3A_373 : vector<16xf32> to vector<16xi32>
    %shift_right_arithmetic3A_375 = arith.constant 31 : i32
    %shift_right_arithmetic3A_376 = vector.broadcast %shift_right_arithmetic3A_375 : i32 to vector<16xi32>
    %shift_right_arithmetic3A_377 = arith.shrsi %bitcast3A_374, %shift_right_arithmetic3A_376 : vector<16xi32>
    %and3A_378 = arith.constant 2147483647 : i32
    %and3A_379 = vector.broadcast %and3A_378 : i32 to vector<16xi32>
    %and3A_380 = arith.andi %shift_right_arithmetic3A_377, %and3A_379 : vector<16xi32>
    %xor3A_381 = arith.xori %bitcast3A_374, %and3A_380 : vector<16xi32>
    %swap3A_382 = arith.constant 496 : index
    %swap3A_383 = tpu.vector_load %arg6[%swap3A_382] {strides = array<i32>} : memref<512xi32, #tpu.memory_space<vmem>>, vector<16xi32>,
    tpu.vector_store %arg6[%swap3A_382], %xor3A_381 {strides = array<i32>} : memref<512xi32, #tpu.memory_space<vmem>>, vector<16xi32>,
    %scan3A = arith.constant -2147483648 : i32
    %scan3A_384 = arith.constant 0 : i32
    %scan3A_385 = arith.constant 0 : i32
    %scan3A_386 = arith.constant 32 : i32
    %scan3A_387 = arith.addi %scan3A_385, %scan3A_386 : i32
    %scan3A_388 = arith.constant 1 : i32
    %scan3A_389 = scf.for %scan3A_521 = %scan3A_385 to %scan3A_387 step %scan3A_388 iter_args(%scan3A_522 = %scan3A_384) -> (i32)  : i32 {
      %sub3A_523 = arith.constant 31 : i32
      %sub3A_524 = arith.subi %sub3A_523, %scan3A_521 : i32
      %shift_left3A = arith.constant 1 : i32
      %shift_left3A_525 = arith.shli %shift_left3A, %sub3A_524 : i32
      %or3A = arith.ori %scan3A_522, %shift_left3A_525 : i32
      %xor3A_526 = arith.xori %or3A, %scan3A : i32
      %get3A_527 = arith.constant 0 : index
      %get3A_528 = tpu.vector_load %arg6[%get3A_527] {strides = array<i32>} : memref<512xi32, #tpu.memory_space<vmem>>, vector<16xi32>,
      %ge3A = vector.broadcast %xor3A_526 : i32 to vector<16xi32>
      %ge3A_529 = arith.cmpi sge, %get3A_528, %ge3A : vector<16xi32>
      %select_n3A_530 = arith.select %ge3A_529, %broadcast_in_dim3A_3, %broadcast_in_dim3A_5 : vector<16xi1>, vector<16xf32>
      %add3A_531 = arith.addf %broadcast_in_dim3A_5, %select_n3A_530 : vector<16xf32>
      %get3A_532 = arith.constant 16 : index
      %get3A_533 = tpu.vector_load %arg6[%get3A_532] {strides = array<i32>} : memref<512xi32, #tpu.memory_space<vmem>>, vector<16xi32>,
      %ge3A_534 = vector.broadcast %xor3A_526 : i32 to vector<16xi32>
      %ge3A_535 = arith.cmpi sge, %get3A_533, %ge3A_534 : vector<16xi32>
      %select_n3A_536 = arith.select %ge3A_535, %broadcast_in_dim3A_3, %broadcast_in_dim3A_5 : vector<16xi1>, vector<16xf32>
      %add3A_537 = arith.addf %add3A_531, %select_n3A_536 : vector<16xf32>
      %get3A_538 = arith.constant 32 : index
      %get3A_539 = tpu.vector_load %arg6[%get3A_538] {strides = array<i32>} : memref<512xi32, #tpu.memory_space<vmem>>, vector<16xi32>,
      %ge3A_540 = vector.broadcast %xor3A_526 : i32 to vector<16xi32>
      %ge3A_541 = arith.cmpi sge, %get3A_539, %ge3A_540 : vector<16xi32>
      %select_n3A_542 = arith.select %ge3A_541, %broadcast_in_dim3A_3, %broadcast_in_dim3A_5 : vector<16xi1>, vector<16xf32>
      %add3A_543 = arith.addf %add3A_537, %select_n3A_542 : vector<16xf32>
      %get3A_544 = arith.constant 48 : index
      %get3A_545 = tpu.vector_load %arg6[%get3A_544] {strides = array<i32>} : memref<512xi32, #tpu.memory_space<vmem>>, vector<16xi32>,
      %ge3A_546 = vector.broadcast %xor3A_526 : i32 to vector<16xi32>
      %ge3A_547 = arith.cmpi sge, %get3A_545, %ge3A_546 : vector<16xi32>
      %select_n3A_548 = arith.select %ge3A_547, %broadcast_in_dim3A_3, %broadcast_in_dim3A_5 : vector<16xi1>, vector<16xf32>
      %add3A_549 = arith.addf %add3A_543, %select_n3A_548 : vector<16xf32>
      %get3A_550 = arith.constant 64 : index
      %get3A_551 = tpu.vector_load %arg6[%get3A_550] {strides = array<i32>} : memref<512xi32, #tpu.memory_space<vmem>>, vector<16xi32>,
      %ge3A_552 = vector.broadcast %xor3A_526 : i32 to vector<16xi32>
      %ge3A_553 = arith.cmpi sge, %get3A_551, %ge3A_552 : vector<16xi32>
      %select_n3A_554 = arith.select %ge3A_553, %broadcast_in_dim3A_3, %broadcast_in_dim3A_5 : vector<16xi1>, vector<16xf32>
      %add3A_555 = arith.addf %add3A_549, %select_n3A_554 : vector<16xf32>
      %get3A_556 = arith.constant 80 : index
      %get3A_557 = tpu.vector_load %arg6[%get3A_556] {strides = array<i32>} : memref<512xi32, #tpu.memory_space<vmem>>, vector<16xi32>,
      %ge3A_558 = vector.broadcast %xor3A_526 : i32 to vector<16xi32>
      %ge3A_559 = arith.cmpi sge, %get3A_557, %ge3A_558 : vector<16xi32>
      %select_n3A_560 = arith.select %ge3A_559, %broadcast_in_dim3A_3, %broadcast_in_dim3A_5 : vector<16xi1>, vector<16xf32>
      %add3A_561 = arith.addf %add3A_555, %select_n3A_560 : vector<16xf32>
      %get3A_562 = arith.constant 96 : index
      %get3A_563 = tpu.vector_load %arg6[%get3A_562] {strides = array<i32>} : memref<512xi32, #tpu.memory_space<vmem>>, vector<16xi32>,
      %ge3A_564 = vector.broadcast %xor3A_526 : i32 to vector<16xi32>
      %ge3A_565 = arith.cmpi sge, %get3A_563, %ge3A_564 : vector<16xi32>
      %select_n3A_566 = arith.select %ge3A_565, %broadcast_in_dim3A_3, %broadcast_in_dim3A_5 : vector<16xi1>, vector<16xf32>
      %add3A_567 = arith.addf %add3A_561, %select_n3A_566 : vector<16xf32>
      %get3A_568 = arith.constant 112 : index
      %get3A_569 = tpu.vector_load %arg6[%get3A_568] {strides = array<i32>} : memref<512xi32, #tpu.memory_space<vmem>>, vector<16xi32>,
      %ge3A_570 = vector.broadcast %xor3A_526 : i32 to vector<16xi32>
      %ge3A_571 = arith.cmpi sge, %get3A_569, %ge3A_570 : vector<16xi32>
      %select_n3A_572 = arith.select %ge3A_571, %broadcast_in_dim3A_3, %broadcast_in_dim3A_5 : vector<16xi1>, vector<16xf32>
      %add3A_573 = arith.addf %add3A_567, %select_n3A_572 : vector<16xf32>
      %get3A_574 = arith.constant 128 : index
      %get3A_575 = tpu.vector_load %arg6[%get3A_574] {strides = array<i32>} : memref<512xi32, #tpu.memory_space<vmem>>, vector<16xi32>,
      %ge3A_576 = vector.broadcast %xor3A_526 : i32 to vector<16xi32>
      %ge3A_577 = arith.cmpi sge, %get3A_575, %ge3A_576 : vector<16xi32>
      %select_n3A_578 = arith.select %ge3A_577, %broadcast_in_dim3A_3, %broadcast_in_dim3A_5 : vector<16xi1>, vector<16xf32>
      %add3A_579 = arith.addf %add3A_573, %select_n3A_578 : vector<16xf32>
      %get3A_580 = arith.constant 144 : index
      %get3A_581 = tpu.vector_load %arg6[%get3A_580] {strides = array<i32>} : memref<512xi32, #tpu.memory_space<vmem>>, vector<16xi32>,
      %ge3A_582 = vector.broadcast %xor3A_526 : i32 to vector<16xi32>
      %ge3A_583 = arith.cmpi sge, %get3A_581, %ge3A_582 : vector<16xi32>
      %select_n3A_584 = arith.select %ge3A_583, %broadcast_in_dim3A_3, %broadcast_in_dim3A_5 : vector<16xi1>, vector<16xf32>
      %add3A_585 = arith.addf %add3A_579, %select_n3A_584 : vector<16xf32>
      %get3A_586 = arith.constant 160 : index
      %get3A_587 = tpu.vector_load %arg6[%get3A_586] {strides = array<i32>} : memref<512xi32, #tpu.memory_space<vmem>>, vector<16xi32>,
      %ge3A_588 = vector.broadcast %xor3A_526 : i32 to vector<16xi32>
      %ge3A_589 = arith.cmpi sge, %get3A_587, %ge3A_588 : vector<16xi32>
      %select_n3A_590 = arith.select %ge3A_589, %broadcast_in_dim3A_3, %broadcast_in_dim3A_5 : vector<16xi1>, vector<16xf32>
      %add3A_591 = arith.addf %add3A_585, %select_n3A_590 : vector<16xf32>
      %get3A_592 = arith.constant 176 : index
      %get3A_593 = tpu.vector_load %arg6[%get3A_592] {strides = array<i32>} : memref<512xi32, #tpu.memory_space<vmem>>, vector<16xi32>,
      %ge3A_594 = vector.broadcast %xor3A_526 : i32 to vector<16xi32>
      %ge3A_595 = arith.cmpi sge, %get3A_593, %ge3A_594 : vector<16xi32>
      %select_n3A_596 = arith.select %ge3A_595, %broadcast_in_dim3A_3, %broadcast_in_dim3A_5 : vector<16xi1>, vector<16xf32>
      %add3A_597 = arith.addf %add3A_591, %select_n3A_596 : vector<16xf32>
      %get3A_598 = arith.constant 192 : index
      %get3A_599 = tpu.vector_load %arg6[%get3A_598] {strides = array<i32>} : memref<512xi32, #tpu.memory_space<vmem>>, vector<16xi32>,
      %ge3A_600 = vector.broadcast %xor3A_526 : i32 to vector<16xi32>
      %ge3A_601 = arith.cmpi sge, %get3A_599, %ge3A_600 : vector<16xi32>
      %select_n3A_602 = arith.select %ge3A_601, %broadcast_in_dim3A_3, %broadcast_in_dim3A_5 : vector<16xi1>, vector<16xf32>
      %add3A_603 = arith.addf %add3A_597, %select_n3A_602 : vector<16xf32>
      %get3A_604 = arith.constant 208 : index
      %get3A_605 = tpu.vector_load %arg6[%get3A_604] {strides = array<i32>} : memref<512xi32, #tpu.memory_space<vmem>>, vector<16xi32>,
      %ge3A_606 = vector.broadcast %xor3A_526 : i32 to vector<16xi32>
      %ge3A_607 = arith.cmpi sge, %get3A_605, %ge3A_606 : vector<16xi32>
      %select_n3A_608 = arith.select %ge3A_607, %broadcast_in_dim3A_3, %broadcast_in_dim3A_5 : vector<16xi1>, vector<16xf32>
      %add3A_609 = arith.addf %add3A_603, %select_n3A_608 : vector<16xf32>
      %get3A_610 = arith.constant 224 : index
      %get3A_611 = tpu.vector_load %arg6[%get3A_610] {strides = array<i32>} : memref<512xi32, #tpu.memory_space<vmem>>, vector<16xi32>,
      %ge3A_612 = vector.broadcast %xor3A_526 : i32 to vector<16xi32>
      %ge3A_613 = arith.cmpi sge, %get3A_611, %ge3A_612 : vector<16xi32>
      %select_n3A_614 = arith.select %ge3A_613, %broadcast_in_dim3A_3, %broadcast_in_dim3A_5 : vector<16xi1>, vector<16xf32>
      %add3A_615 = arith.addf %add3A_609, %select_n3A_614 : vector<16xf32>
      %get3A_616 = arith.constant 240 : index
      %get3A_617 = tpu.vector_load %arg6[%get3A_616] {strides = array<i32>} : memref<512xi32, #tpu.memory_space<vmem>>, vector<16xi32>,
      %ge3A_618 = vector.broadcast %xor3A_526 : i32 to vector<16xi32>
      %ge3A_619 = arith.cmpi sge, %get3A_617, %ge3A_618 : vector<16xi32>
      %select_n3A_620 = arith.select %ge3A_619, %broadcast_in_dim3A_3, %broadcast_in_dim3A_5 : vector<16xi1>, vector<16xf32>
      %add3A_621 = arith.addf %add3A_615, %select_n3A_620 : vector<16xf32>
      %get3A_622 = arith.constant 256 : index
      %get3A_623 = tpu.vector_load %arg6[%get3A_622] {strides = array<i32>} : memref<512xi32, #tpu.memory_space<vmem>>, vector<16xi32>,
      %ge3A_624 = vector.broadcast %xor3A_526 : i32 to vector<16xi32>
      %ge3A_625 = arith.cmpi sge, %get3A_623, %ge3A_624 : vector<16xi32>
      %select_n3A_626 = arith.select %ge3A_625, %broadcast_in_dim3A_3, %broadcast_in_dim3A_5 : vector<16xi1>, vector<16xf32>
      %add3A_627 = arith.addf %add3A_621, %select_n3A_626 : vector<16xf32>
      %get3A_628 = arith.constant 272 : index
      %get3A_629 = tpu.vector_load %arg6[%get3A_628] {strides = array<i32>} : memref<512xi32, #tpu.memory_space<vmem>>, vector<16xi32>,
      %ge3A_630 = vector.broadcast %xor3A_526 : i32 to vector<16xi32>
      %ge3A_631 = arith.cmpi sge, %get3A_629, %ge3A_630 : vector<16xi32>
      %select_n3A_632 = arith.select %ge3A_631, %broadcast_in_dim3A_3, %broadcast_in_dim3A_5 : vector<16xi1>, vector<16xf32>
      %add3A_633 = arith.addf %add3A_627, %select_n3A_632 : vector<16xf32>
      %get3A_634 = arith.constant 288 : index
      %get3A_635 = tpu.vector_load %arg6[%get3A_634] {strides = array<i32>} : memref<512xi32, #tpu.memory_space<vmem>>, vector<16xi32>,
      %ge3A_636 = vector.broadcast %xor3A_526 : i32 to vector<16xi32>
      %ge3A_637 = arith.cmpi sge, %get3A_635, %ge3A_636 : vector<16xi32>
      %select_n3A_638 = arith.select %ge3A_637, %broadcast_in_dim3A_3, %broadcast_in_dim3A_5 : vector<16xi1>, vector<16xf32>
      %add3A_639 = arith.addf %add3A_633, %select_n3A_638 : vector<16xf32>
      %get3A_640 = arith.constant 304 : index
      %get3A_641 = tpu.vector_load %arg6[%get3A_640] {strides = array<i32>} : memref<512xi32, #tpu.memory_space<vmem>>, vector<16xi32>,
      %ge3A_642 = vector.broadcast %xor3A_526 : i32 to vector<16xi32>
      %ge3A_643 = arith.cmpi sge, %get3A_641, %ge3A_642 : vector<16xi32>
      %select_n3A_644 = arith.select %ge3A_643, %broadcast_in_dim3A_3, %broadcast_in_dim3A_5 : vector<16xi1>, vector<16xf32>
      %add3A_645 = arith.addf %add3A_639, %select_n3A_644 : vector<16xf32>
      %get3A_646 = arith.constant 320 : index
      %get3A_647 = tpu.vector_load %arg6[%get3A_646] {strides = array<i32>} : memref<512xi32, #tpu.memory_space<vmem>>, vector<16xi32>,
      %ge3A_648 = vector.broadcast %xor3A_526 : i32 to vector<16xi32>
      %ge3A_649 = arith.cmpi sge, %get3A_647, %ge3A_648 : vector<16xi32>
      %select_n3A_650 = arith.select %ge3A_649, %broadcast_in_dim3A_3, %broadcast_in_dim3A_5 : vector<16xi1>, vector<16xf32>
      %add3A_651 = arith.addf %add3A_645, %select_n3A_650 : vector<16xf32>
      %get3A_652 = arith.constant 336 : index
      %get3A_653 = tpu.vector_load %arg6[%get3A_652] {strides = array<i32>} : memref<512xi32, #tpu.memory_space<vmem>>, vector<16xi32>,
      %ge3A_654 = vector.broadcast %xor3A_526 : i32 to vector<16xi32>
      %ge3A_655 = arith.cmpi sge, %get3A_653, %ge3A_654 : vector<16xi32>
      %select_n3A_656 = arith.select %ge3A_655, %broadcast_in_dim3A_3, %broadcast_in_dim3A_5 : vector<16xi1>, vector<16xf32>
      %add3A_657 = arith.addf %add3A_651, %select_n3A_656 : vector<16xf32>
      %get3A_658 = arith.constant 352 : index
      %get3A_659 = tpu.vector_load %arg6[%get3A_658] {strides = array<i32>} : memref<512xi32, #tpu.memory_space<vmem>>, vector<16xi32>,
      %ge3A_660 = vector.broadcast %xor3A_526 : i32 to vector<16xi32>
      %ge3A_661 = arith.cmpi sge, %get3A_659, %ge3A_660 : vector<16xi32>
      %select_n3A_662 = arith.select %ge3A_661, %broadcast_in_dim3A_3, %broadcast_in_dim3A_5 : vector<16xi1>, vector<16xf32>
      %add3A_663 = arith.addf %add3A_657, %select_n3A_662 : vector<16xf32>
      %get3A_664 = arith.constant 368 : index
      %get3A_665 = tpu.vector_load %arg6[%get3A_664] {strides = array<i32>} : memref<512xi32, #tpu.memory_space<vmem>>, vector<16xi32>,
      %ge3A_666 = vector.broadcast %xor3A_526 : i32 to vector<16xi32>
      %ge3A_667 = arith.cmpi sge, %get3A_665, %ge3A_666 : vector<16xi32>
      %select_n3A_668 = arith.select %ge3A_667, %broadcast_in_dim3A_3, %broadcast_in_dim3A_5 : vector<16xi1>, vector<16xf32>
      %add3A_669 = arith.addf %add3A_663, %select_n3A_668 : vector<16xf32>
      %get3A_670 = arith.constant 384 : index
      %get3A_671 = tpu.vector_load %arg6[%get3A_670] {strides = array<i32>} : memref<512xi32, #tpu.memory_space<vmem>>, vector<16xi32>,
      %ge3A_672 = vector.broadcast %xor3A_526 : i32 to vector<16xi32>
      %ge3A_673 = arith.cmpi sge, %get3A_671, %ge3A_672 : vector<16xi32>
      %select_n3A_674 = arith.select %ge3A_673, %broadcast_in_dim3A_3, %broadcast_in_dim3A_5 : vector<16xi1>, vector<16xf32>
      %add3A_675 = arith.addf %add3A_669, %select_n3A_674 : vector<16xf32>
      %get3A_676 = arith.constant 400 : index
      %get3A_677 = tpu.vector_load %arg6[%get3A_676] {strides = array<i32>} : memref<512xi32, #tpu.memory_space<vmem>>, vector<16xi32>,
      %ge3A_678 = vector.broadcast %xor3A_526 : i32 to vector<16xi32>
      %ge3A_679 = arith.cmpi sge, %get3A_677, %ge3A_678 : vector<16xi32>
      %select_n3A_680 = arith.select %ge3A_679, %broadcast_in_dim3A_3, %broadcast_in_dim3A_5 : vector<16xi1>, vector<16xf32>
      %add3A_681 = arith.addf %add3A_675, %select_n3A_680 : vector<16xf32>
      %get3A_682 = arith.constant 416 : index
      %get3A_683 = tpu.vector_load %arg6[%get3A_682] {strides = array<i32>} : memref<512xi32, #tpu.memory_space<vmem>>, vector<16xi32>,
      %ge3A_684 = vector.broadcast %xor3A_526 : i32 to vector<16xi32>
      %ge3A_685 = arith.cmpi sge, %get3A_683, %ge3A_684 : vector<16xi32>
      %select_n3A_686 = arith.select %ge3A_685, %broadcast_in_dim3A_3, %broadcast_in_dim3A_5 : vector<16xi1>, vector<16xf32>
      %add3A_687 = arith.addf %add3A_681, %select_n3A_686 : vector<16xf32>
      %get3A_688 = arith.constant 432 : index
      %get3A_689 = tpu.vector_load %arg6[%get3A_688] {strides = array<i32>} : memref<512xi32, #tpu.memory_space<vmem>>, vector<16xi32>,
      %ge3A_690 = vector.broadcast %xor3A_526 : i32 to vector<16xi32>
      %ge3A_691 = arith.cmpi sge, %get3A_689, %ge3A_690 : vector<16xi32>
      %select_n3A_692 = arith.select %ge3A_691, %broadcast_in_dim3A_3, %broadcast_in_dim3A_5 : vector<16xi1>, vector<16xf32>
      %add3A_693 = arith.addf %add3A_687, %select_n3A_692 : vector<16xf32>
      %get3A_694 = arith.constant 448 : index
      %get3A_695 = tpu.vector_load %arg6[%get3A_694] {strides = array<i32>} : memref<512xi32, #tpu.memory_space<vmem>>, vector<16xi32>,
      %ge3A_696 = vector.broadcast %xor3A_526 : i32 to vector<16xi32>
      %ge3A_697 = arith.cmpi sge, %get3A_695, %ge3A_696 : vector<16xi32>
      %select_n3A_698 = arith.select %ge3A_697, %broadcast_in_dim3A_3, %broadcast_in_dim3A_5 : vector<16xi1>, vector<16xf32>
      %add3A_699 = arith.addf %add3A_693, %select_n3A_698 : vector<16xf32>
      %get3A_700 = arith.constant 464 : index
      %get3A_701 = tpu.vector_load %arg6[%get3A_700] {strides = array<i32>} : memref<512xi32, #tpu.memory_space<vmem>>, vector<16xi32>,
      %ge3A_702 = vector.broadcast %xor3A_526 : i32 to vector<16xi32>
      %ge3A_703 = arith.cmpi sge, %get3A_701, %ge3A_702 : vector<16xi32>
      %select_n3A_704 = arith.select %ge3A_703, %broadcast_in_dim3A_3, %broadcast_in_dim3A_5 : vector<16xi1>, vector<16xf32>
      %add3A_705 = arith.addf %add3A_699, %select_n3A_704 : vector<16xf32>
      %get3A_706 = arith.constant 480 : index
      %get3A_707 = tpu.vector_load %arg6[%get3A_706] {strides = array<i32>} : memref<512xi32, #tpu.memory_space<vmem>>, vector<16xi32>,
      %ge3A_708 = vector.broadcast %xor3A_526 : i32 to vector<16xi32>
      %ge3A_709 = arith.cmpi sge, %get3A_707, %ge3A_708 : vector<16xi32>
      %select_n3A_710 = arith.select %ge3A_709, %broadcast_in_dim3A_3, %broadcast_in_dim3A_5 : vector<16xi1>, vector<16xf32>
      %add3A_711 = arith.addf %add3A_705, %select_n3A_710 : vector<16xf32>
      %get3A_712 = arith.constant 496 : index
      %get3A_713 = tpu.vector_load %arg6[%get3A_712] {strides = array<i32>} : memref<512xi32, #tpu.memory_space<vmem>>, vector<16xi32>,
      %ge3A_714 = vector.broadcast %xor3A_526 : i32 to vector<16xi32>
      %ge3A_715 = arith.cmpi sge, %get3A_713, %ge3A_714 : vector<16xi32>
      %select_n3A_716 = arith.select %ge3A_715, %broadcast_in_dim3A_3, %broadcast_in_dim3A_5 : vector<16xi1>, vector<16xf32>
      %add3A_717 = arith.addf %add3A_711, %select_n3A_716 : vector<16xf32>
      %reduce_sum3A = arith.constant true
      %reduce_sum3A_718 = vector.broadcast %reduce_sum3A : i1 to vector<16xi1>
      %reduce_sum3A_719 = tpu.scan <sum>, %add3A_717 masked %reduce_sum3A_718 : vector<16xf32>, vector<16xi1> -> vector<16xf32>
      %reduce_sum3A_720 = vector.extract %reduce_sum3A_719[15] : f32 from vector<16xf32>
      %ge3A_721 = arith.constant 5.000000e+01 : f32
      %ge3A_722 = arith.cmpf oge, %reduce_sum3A_720, %ge3A_721 : f32
      %select_n3A_723 = arith.select %ge3A_722, %or3A, %scan3A_522 : i32
      scf.yield %select_n3A_723 : i32
    }
    %scan3A_390 = arith.constant 32 : i32
    %xor3A_391 = arith.constant -2147483648 : i32
    %xor3A_392 = arith.xori %scan3A_389, %xor3A_391 : i32
    %broadcast_in_dim3A_393 = arith.constant 0xFF800000 : f32
    %broadcast_in_dim3A_394 = vector.broadcast %broadcast_in_dim3A_393 : f32 to vector<16xf32>
    %swap3A_395 = arith.constant 0 : index
    %swap3A_396 = tpu.vector_load %arg7[%swap3A_395] {strides = array<i32>} : memref<64xf32, #tpu.memory_space<vmem>>, vector<16xf32>,
    tpu.vector_store %arg7[%swap3A_395], %broadcast_in_dim3A_394 {strides = array<i32>} : memref<64xf32, #tpu.memory_space<vmem>>, vector<16xf32>,
    %broadcast_in_dim3A_397 = arith.constant 0xFF800000 : f32
    %broadcast_in_dim3A_398 = vector.broadcast %broadcast_in_dim3A_397 : f32 to vector<16xf32>
    %swap3A_399 = arith.constant 16 : index
    %swap3A_400 = tpu.vector_load %arg7[%swap3A_399] {strides = array<i32>} : memref<64xf32, #tpu.memory_space<vmem>>, vector<16xf32>,
    tpu.vector_store %arg7[%swap3A_399], %broadcast_in_dim3A_398 {strides = array<i32>} : memref<64xf32, #tpu.memory_space<vmem>>, vector<16xf32>,
    %broadcast_in_dim3A_401 = arith.constant 0xFF800000 : f32
    %broadcast_in_dim3A_402 = vector.broadcast %broadcast_in_dim3A_401 : f32 to vector<16xf32>
    %swap3A_403 = arith.constant 32 : index
    %swap3A_404 = tpu.vector_load %arg7[%swap3A_403] {strides = array<i32>} : memref<64xf32, #tpu.memory_space<vmem>>, vector<16xf32>,
    tpu.vector_store %arg7[%swap3A_403], %broadcast_in_dim3A_402 {strides = array<i32>} : memref<64xf32, #tpu.memory_space<vmem>>, vector<16xf32>,
    %broadcast_in_dim3A_405 = arith.constant 0xFF800000 : f32
    %broadcast_in_dim3A_406 = vector.broadcast %broadcast_in_dim3A_405 : f32 to vector<16xf32>
    %swap3A_407 = arith.constant 48 : index
    %swap3A_408 = tpu.vector_load %arg7[%swap3A_407] {strides = array<i32>} : memref<64xf32, #tpu.memory_space<vmem>>, vector<16xf32>,
    tpu.vector_store %arg7[%swap3A_407], %broadcast_in_dim3A_406 {strides = array<i32>} : memref<64xf32, #tpu.memory_space<vmem>>, vector<16xf32>,
    %scan3A_409 = arith.constant 0 : i32
    %scan3A_410 = arith.constant 0 : i32
    %scan3A_411 = arith.constant 32 : i32
    %scan3A_412 = arith.addi %scan3A_410, %scan3A_411 : i32
    %scan3A_413 = arith.constant 1 : i32
    %scan3A_414 = scf.for %scan3A_521 = %scan3A_410 to %scan3A_412 step %scan3A_413 iter_args(%scan3A_522 = %scan3A_409) -> (i32)  : i32 {
      %mul3A_523 = arith.constant 16 : i32
      %mul3A_524 = arith.muli %scan3A_521, %mul3A_523 : i32
      %get3A_525 = arith.index_cast %mul3A_524 : i32 to index
      %get3A_526 = tpu.vector_load %arg5[%get3A_525] {strides = array<i32>} : memref<512xf32, #tpu.memory_space<vmem>>, vector<16xf32>,
      %mul3A_527 = arith.constant 16 : i32
      %mul3A_528 = arith.muli %scan3A_521, %mul3A_527 : i32
      %get3A_529 = arith.index_cast %mul3A_528 : i32 to index
      %get3A_530 = tpu.vector_load %arg6[%get3A_529] {strides = array<i32>} : memref<512xi32, #tpu.memory_space<vmem>>, vector<16xi32>,
      %gt3A_531 = vector.broadcast %xor3A_392 : i32 to vector<16xi32>
      %gt3A_532 = arith.cmpi sgt, %get3A_530, %gt3A_531 : vector<16xi32>
      %jit3A_533 = arith.constant 1 : i32
      %jit3A_534 = arith.constant 0 : i32
      %broadcast_in_dim3A_535 = vector.broadcast %jit3A_533 : i32 to vector<16xi32>
      %broadcast_in_dim3A_536 = vector.broadcast %jit3A_534 : i32 to vector<16xi32>
      %select_n3A_537 = arith.select %gt3A_532, %broadcast_in_dim3A_535, %broadcast_in_dim3A_536 : vector<16xi1>, vector<16xi32>
      %broadcast_in_dim3A_538 = arith.constant true
      %broadcast_in_dim3A_539 = vector.broadcast %broadcast_in_dim3A_538 : i1 to vector<16xi1>
      %masked_cumsum3A = tpu.scan <sum>, %select_n3A_537 masked %broadcast_in_dim3A_539 : vector<16xi32>, vector<16xi1> -> vector<16xi32>
      %add3A_540 = vector.broadcast %scan3A_522 : i32 to vector<16xi32>
      %add3A_541 = arith.addi %add3A_540, %masked_cumsum3A : vector<16xi32>
      %sub3A_542 = arith.subi %add3A_541, %select_n3A_537 : vector<16xi32>
      tpu.vector_store_idx %arg7[%sub3A_542], %get3A_526 masked %gt3A_532 : memref<64xf32, #tpu.memory_space<vmem>>[vector<16xi32>], vector<16xf32>, vector<16xi1>
      %reduce_sum3A = arith.constant true
      %reduce_sum3A_543 = vector.broadcast %reduce_sum3A : i1 to vector<16xi1>
      %reduce_sum3A_544 = tpu.scan <sum>, %select_n3A_537 masked %reduce_sum3A_543 : vector<16xi32>, vector<16xi1> -> vector<16xi32>
      %reduce_sum3A_545 = vector.extract %reduce_sum3A_544[15] : i32 from vector<16xi32>
      %add3A_546 = arith.addi %scan3A_522, %reduce_sum3A_545 : i32
      scf.yield %add3A_546 : i32
    }
    %scan3A_415 = arith.constant 32 : i32
    %iota3A = tpu.iota {dimensions = array<i32: 0>} : vector<16xi32>
    %eq3A = arith.constant 0 : i32
    %eq3A_416 = vector.broadcast %eq3A : i32 to vector<16xi32>
    %eq3A_417 = arith.cmpi eq, %iota3A, %eq3A_416 : vector<16xi32>
    %broadcast_in_dim3A_418 = vector.broadcast %xor3A_392 : i32 to vector<16xi32>
    %shift_right_arithmetic3A_419 = arith.constant 31 : i32
    %shift_right_arithmetic3A_420 = vector.broadcast %shift_right_arithmetic3A_419 : i32 to vector<16xi32>
    %shift_right_arithmetic3A_421 = arith.shrsi %broadcast_in_dim3A_418, %shift_right_arithmetic3A_420 : vector<16xi32>
    %and3A_422 = arith.constant 2147483647 : i32
    %and3A_423 = vector.broadcast %and3A_422 : i32 to vector<16xi32>
    %and3A_424 = arith.andi %shift_right_arithmetic3A_421, %and3A_423 : vector<16xi32>
    %xor3A_425 = arith.xori %broadcast_in_dim3A_418, %and3A_424 : vector<16xi32>
    %bitcast3A_426 = vector.bitcast %xor3A_425 : vector<16xi32> to vector<16xf32>
    %broadcast_in_dim3A_427 = vector.broadcast %scan3A_414 : i32 to vector<16xi32>
    tpu.vector_store_idx %arg7[%broadcast_in_dim3A_427], %bitcast3A_426 masked %eq3A_417 : memref<64xf32, #tpu.memory_space<vmem>>[vector<16xi32>], vector<16xf32>, vector<16xi1>
    %convert_element_type3A = arith.sitofp %scan3A_414 : i32 to f32
    %sub3A = arith.constant 5.000000e+01 : f32
    %sub3A_428 = arith.subf %sub3A, %convert_element_type3A : f32
    %iota3A_429 = tpu.iota {dimensions = array<i32: 0>} : vector<16xi32>
    %add3A_430 = arith.constant 0 : i32
    %add3A_431 = vector.broadcast %add3A_430 : i32 to vector<16xi32>
    %add3A_432 = arith.addi %iota3A_429, %add3A_431 : vector<16xi32>
    %lt3A = vector.broadcast %scan3A_414 : i32 to vector<16xi32>
    %lt3A_433 = arith.cmpi slt, %add3A_432, %lt3A : vector<16xi32>
    %select_n3A = arith.select %lt3A_433, %broadcast_in_dim3A_3, %broadcast_in_dim3A_5 : vector<16xi1>, vector<16xf32>
    %eq3A_434 = vector.broadcast %scan3A_414 : i32 to vector<16xi32>
    %eq3A_435 = arith.cmpi eq, %add3A_432, %eq3A_434 : vector<16xi32>
    %broadcast_in_dim3A_436 = vector.broadcast %sub3A_428 : f32 to vector<16xf32>
    %select_n3A_437 = arith.select %eq3A_435, %broadcast_in_dim3A_436, %broadcast_in_dim3A_5 : vector<16xi1>, vector<16xf32>
    %add3A_438 = arith.addf %select_n3A, %select_n3A_437 : vector<16xf32>
    %swap3A_439 = arith.constant 0 : index
    %swap3A_440 = tpu.vector_load %arg8[%swap3A_439] {strides = array<i32>} : memref<64xf32, #tpu.memory_space<vmem>>, vector<16xf32>,
    tpu.vector_store %arg8[%swap3A_439], %add3A_438 {strides = array<i32>} : memref<64xf32, #tpu.memory_space<vmem>>, vector<16xf32>,
    %get3A_441 = arith.constant 0 : index
    %get3A_442 = tpu.vector_load %arg7[%get3A_441] {strides = array<i32>} : memref<64xf32, #tpu.memory_space<vmem>>, vector<16xf32>,
    %gt3A = vector.broadcast %scan3A_414 : i32 to vector<16xi32>
    %gt3A_443 = arith.cmpi sgt, %add3A_432, %gt3A : vector<16xi32>
    %jit3A = arith.constant 0xFF800000 : f32
    %broadcast_in_dim3A_444 = vector.broadcast %jit3A : f32 to vector<16xf32>
    %select_n3A_445 = arith.select %gt3A_443, %broadcast_in_dim3A_444, %get3A_442 : vector<16xi1>, vector<16xf32>
    %swap3A_446 = arith.constant 0 : index
    %swap3A_447 = tpu.vector_load %arg7[%swap3A_446] {strides = array<i32>} : memref<64xf32, #tpu.memory_space<vmem>>, vector<16xf32>,
    tpu.vector_store %arg7[%swap3A_446], %select_n3A_445 {strides = array<i32>} : memref<64xf32, #tpu.memory_space<vmem>>, vector<16xf32>,
    %iota3A_448 = tpu.iota {dimensions = array<i32: 0>} : vector<16xi32>
    %add3A_449 = arith.constant 16 : i32
    %add3A_450 = vector.broadcast %add3A_449 : i32 to vector<16xi32>
    %add3A_451 = arith.addi %iota3A_448, %add3A_450 : vector<16xi32>
    %lt3A_452 = vector.broadcast %scan3A_414 : i32 to vector<16xi32>
    %lt3A_453 = arith.cmpi slt, %add3A_451, %lt3A_452 : vector<16xi32>
    %select_n3A_454 = arith.select %lt3A_453, %broadcast_in_dim3A_3, %broadcast_in_dim3A_5 : vector<16xi1>, vector<16xf32>
    %eq3A_455 = vector.broadcast %scan3A_414 : i32 to vector<16xi32>
    %eq3A_456 = arith.cmpi eq, %add3A_451, %eq3A_455 : vector<16xi32>
    %broadcast_in_dim3A_457 = vector.broadcast %sub3A_428 : f32 to vector<16xf32>
    %select_n3A_458 = arith.select %eq3A_456, %broadcast_in_dim3A_457, %broadcast_in_dim3A_5 : vector<16xi1>, vector<16xf32>
    %add3A_459 = arith.addf %select_n3A_454, %select_n3A_458 : vector<16xf32>
    %swap3A_460 = arith.constant 16 : index
    %swap3A_461 = tpu.vector_load %arg8[%swap3A_460] {strides = array<i32>} : memref<64xf32, #tpu.memory_space<vmem>>, vector<16xf32>,
    tpu.vector_store %arg8[%swap3A_460], %add3A_459 {strides = array<i32>} : memref<64xf32, #tpu.memory_space<vmem>>, vector<16xf32>,
    %get3A_462 = arith.constant 16 : index
    %get3A_463 = tpu.vector_load %arg7[%get3A_462] {strides = array<i32>} : memref<64xf32, #tpu.memory_space<vmem>>, vector<16xf32>,
    %gt3A_464 = vector.broadcast %scan3A_414 : i32 to vector<16xi32>
    %gt3A_465 = arith.cmpi sgt, %add3A_451, %gt3A_464 : vector<16xi32>
    %jit3A_466 = arith.constant 0xFF800000 : f32
    %broadcast_in_dim3A_467 = vector.broadcast %jit3A_466 : f32 to vector<16xf32>
    %select_n3A_468 = arith.select %gt3A_465, %broadcast_in_dim3A_467, %get3A_463 : vector<16xi1>, vector<16xf32>
    %swap3A_469 = arith.constant 16 : index
    %swap3A_470 = tpu.vector_load %arg7[%swap3A_469] {strides = array<i32>} : memref<64xf32, #tpu.memory_space<vmem>>, vector<16xf32>,
    tpu.vector_store %arg7[%swap3A_469], %select_n3A_468 {strides = array<i32>} : memref<64xf32, #tpu.memory_space<vmem>>, vector<16xf32>,
    %iota3A_471 = tpu.iota {dimensions = array<i32: 0>} : vector<16xi32>
    %add3A_472 = arith.constant 32 : i32
    %add3A_473 = vector.broadcast %add3A_472 : i32 to vector<16xi32>
    %add3A_474 = arith.addi %iota3A_471, %add3A_473 : vector<16xi32>
    %lt3A_475 = vector.broadcast %scan3A_414 : i32 to vector<16xi32>
    %lt3A_476 = arith.cmpi slt, %add3A_474, %lt3A_475 : vector<16xi32>
    %select_n3A_477 = arith.select %lt3A_476, %broadcast_in_dim3A_3, %broadcast_in_dim3A_5 : vector<16xi1>, vector<16xf32>
    %eq3A_478 = vector.broadcast %scan3A_414 : i32 to vector<16xi32>
    %eq3A_479 = arith.cmpi eq, %add3A_474, %eq3A_478 : vector<16xi32>
    %broadcast_in_dim3A_480 = vector.broadcast %sub3A_428 : f32 to vector<16xf32>
    %select_n3A_481 = arith.select %eq3A_479, %broadcast_in_dim3A_480, %broadcast_in_dim3A_5 : vector<16xi1>, vector<16xf32>
    %add3A_482 = arith.addf %select_n3A_477, %select_n3A_481 : vector<16xf32>
    %swap3A_483 = arith.constant 32 : index
    %swap3A_484 = tpu.vector_load %arg8[%swap3A_483] {strides = array<i32>} : memref<64xf32, #tpu.memory_space<vmem>>, vector<16xf32>,
    tpu.vector_store %arg8[%swap3A_483], %add3A_482 {strides = array<i32>} : memref<64xf32, #tpu.memory_space<vmem>>, vector<16xf32>,
    %get3A_485 = arith.constant 32 : index
    %get3A_486 = tpu.vector_load %arg7[%get3A_485] {strides = array<i32>} : memref<64xf32, #tpu.memory_space<vmem>>, vector<16xf32>,
    %gt3A_487 = vector.broadcast %scan3A_414 : i32 to vector<16xi32>
    %gt3A_488 = arith.cmpi sgt, %add3A_474, %gt3A_487 : vector<16xi32>
    %jit3A_489 = arith.constant 0xFF800000 : f32
    %broadcast_in_dim3A_490 = vector.broadcast %jit3A_489 : f32 to vector<16xf32>
    %select_n3A_491 = arith.select %gt3A_488, %broadcast_in_dim3A_490, %get3A_486 : vector<16xi1>, vector<16xf32>
    %swap3A_492 = arith.constant 32 : index
    %swap3A_493 = tpu.vector_load %arg7[%swap3A_492] {strides = array<i32>} : memref<64xf32, #tpu.memory_space<vmem>>, vector<16xf32>,
    tpu.vector_store %arg7[%swap3A_492], %select_n3A_491 {strides = array<i32>} : memref<64xf32, #tpu.memory_space<vmem>>, vector<16xf32>,
    %iota3A_494 = tpu.iota {dimensions = array<i32: 0>} : vector<16xi32>
    %add3A_495 = arith.constant 48 : i32
    %add3A_496 = vector.broadcast %add3A_495 : i32 to vector<16xi32>
    %add3A_497 = arith.addi %iota3A_494, %add3A_496 : vector<16xi32>
    %lt3A_498 = vector.broadcast %scan3A_414 : i32 to vector<16xi32>
    %lt3A_499 = arith.cmpi slt, %add3A_497, %lt3A_498 : vector<16xi32>
    %select_n3A_500 = arith.select %lt3A_499, %broadcast_in_dim3A_3, %broadcast_in_dim3A_5 : vector<16xi1>, vector<16xf32>
    %eq3A_501 = vector.broadcast %scan3A_414 : i32 to vector<16xi32>
    %eq3A_502 = arith.cmpi eq, %add3A_497, %eq3A_501 : vector<16xi32>
    %broadcast_in_dim3A_503 = vector.broadcast %sub3A_428 : f32 to vector<16xf32>
    %select_n3A_504 = arith.select %eq3A_502, %broadcast_in_dim3A_503, %broadcast_in_dim3A_5 : vector<16xi1>, vector<16xf32>
    %add3A_505 = arith.addf %select_n3A_500, %select_n3A_504 : vector<16xf32>
    %swap3A_506 = arith.constant 48 : index
    %swap3A_507 = tpu.vector_load %arg8[%swap3A_506] {strides = array<i32>} : memref<64xf32, #tpu.memory_space<vmem>>, vector<16xf32>,
    tpu.vector_store %arg8[%swap3A_506], %add3A_505 {strides = array<i32>} : memref<64xf32, #tpu.memory_space<vmem>>, vector<16xf32>,
    %get3A_508 = arith.constant 48 : index
    %get3A_509 = tpu.vector_load %arg7[%get3A_508] {strides = array<i32>} : memref<64xf32, #tpu.memory_space<vmem>>, vector<16xf32>,
    %gt3A_510 = vector.broadcast %scan3A_414 : i32 to vector<16xi32>
    %gt3A_511 = arith.cmpi sgt, %add3A_497, %gt3A_510 : vector<16xi32>
    %jit3A_512 = arith.constant 0xFF800000 : f32
    %broadcast_in_dim3A_513 = vector.broadcast %jit3A_512 : f32 to vector<16xf32>
    %select_n3A_514 = arith.select %gt3A_511, %broadcast_in_dim3A_513, %get3A_509 : vector<16xi1>, vector<16xf32>
    %swap3A_515 = arith.constant 48 : index
    %swap3A_516 = tpu.vector_load %arg7[%swap3A_515] {strides = array<i32>} : memref<64xf32, #tpu.memory_space<vmem>>, vector<16xf32>,
    tpu.vector_store %arg7[%swap3A_515], %select_n3A_514 {strides = array<i32>} : memref<64xf32, #tpu.memory_space<vmem>>, vector<16xf32>,
    %mul3A_517 = arith.constant 64 : i32
    %mul3A_518 = arith.muli %add3A, %mul3A_517 : i32
    "tpu.region"() ({
      %run_scoped3A = tpu.sem_alloc : memref<!tpu.dma_semaphore, #tpu.memory_space<semaphore_mem>>
      %dma_start3A = tpu.memref_slice %arg3[%mul3A_518] : memref<2048xf32, #tpu.memory_space<hbm>> -> memref<64xf32, #tpu.memory_space<hbm>>
      %dma_start3A_521 = tpu.memref_slice %arg3[%mul3A_518] : memref<2048xf32, #tpu.memory_space<hbm>> -> memref<64xf32, #tpu.memory_space<hbm>>
      tpu.enqueue_dma source(%arg7 : memref<64xf32, #tpu.memory_space<vmem>>) target(%dma_start3A_521 : memref<64xf32, #tpu.memory_space<hbm>>) target_semaphore(%run_scoped3A : memref<!tpu.dma_semaphore, #tpu.memory_space<semaphore_mem>>)
      %dma_wait3A = tpu.memref_slice %arg3[%mul3A_518] : memref<2048xf32, #tpu.memory_space<hbm>> -> memref<64xf32, #tpu.memory_space<hbm>>
      %dma_wait3A_522 = tpu.memref_slice %arg3[%mul3A_518] : memref<2048xf32, #tpu.memory_space<hbm>> -> memref<64xf32, #tpu.memory_space<hbm>>
      tpu.wait_dma2 semaphore(%run_scoped3A : memref<!tpu.dma_semaphore, #tpu.memory_space<semaphore_mem>>) src(%arg7 : memref<64xf32, #tpu.memory_space<vmem>>) dst(%dma_wait3A_522 : memref<64xf32, #tpu.memory_space<hbm>>)
      tpu.yield
    }) : () -> ()
    %mul3A_519 = arith.constant 64 : i32
    %mul3A_520 = arith.muli %add3A, %mul3A_519 : i32
    "tpu.region"() ({
      %run_scoped3A = tpu.sem_alloc : memref<!tpu.dma_semaphore, #tpu.memory_space<semaphore_mem>>
      %dma_start3A = tpu.memref_slice %arg4[%mul3A_520] : memref<2048xf32, #tpu.memory_space<hbm>> -> memref<64xf32, #tpu.memory_space<hbm>>
      %dma_start3A_521 = tpu.memref_slice %arg4[%mul3A_520] : memref<2048xf32, #tpu.memory_space<hbm>> -> memref<64xf32, #tpu.memory_space<hbm>>
      tpu.enqueue_dma source(%arg8 : memref<64xf32, #tpu.memory_space<vmem>>) target(%dma_start3A_521 : memref<64xf32, #tpu.memory_space<hbm>>) target_semaphore(%run_scoped3A : memref<!tpu.dma_semaphore, #tpu.memory_space<semaphore_mem>>)
      %dma_wait3A = tpu.memref_slice %arg4[%mul3A_520] : memref<2048xf32, #tpu.memory_space<hbm>> -> memref<64xf32, #tpu.memory_space<hbm>>
      %dma_wait3A_522 = tpu.memref_slice %arg4[%mul3A_520] : memref<2048xf32, #tpu.memory_space<hbm>> -> memref<64xf32, #tpu.memory_space<hbm>>
      tpu.wait_dma2 semaphore(%run_scoped3A : memref<!tpu.dma_semaphore, #tpu.memory_space<semaphore_mem>>) src(%arg8 : memref<64xf32, #tpu.memory_space<vmem>>) dst(%dma_wait3A_522 : memref<64xf32, #tpu.memory_space<hbm>>)
      tpu.yield
    }) : () -> ()
    return
  }
}

module attributes {stable_mosaic.version = 14 : i64} {
  func.func @_tc_reduce_body(%arg0: memref<16x128xf32, #tpu.memory_space<vmem>>, %arg1: memref<16x128xf32, #tpu.memory_space<vmem>>, %arg2: memref<32x128xf32, #tpu.memory_space<vmem>>, %arg3: memref<1x1xf32, #tpu.memory_space<smem>>) attributes {dimension_semantics = [], scalar_prefetch = 0 : i64, scratch_operands = 0 : i64, tpu.core_type = #tpu.core_type<tc>} {
    %get3A = arith.constant 0 : index
    %get3A_0 = arith.constant 0 : index
    %get3A_1 = vector.load %arg0[%get3A, %get3A_0] : memref<16x128xf32, #tpu.memory_space<vmem>>, vector<16x128xf32>
    %get3A_2 = arith.constant 0 : index
    %get3A_3 = arith.constant 0 : index
    %get3A_4 = vector.load %arg1[%get3A_2, %get3A_3] : memref<16x128xf32, #tpu.memory_space<vmem>>, vector<16x128xf32>
    %get3A_5 = arith.constant 0 : index
    %get3A_6 = arith.constant 0 : index
    %get3A_7 = vector.load %arg2[%get3A_5, %get3A_6] : memref<32x128xf32, #tpu.memory_space<vmem>>, vector<32x128xf32>
    %broadcast_in_dim3A = arith.constant -3.000000e+38 : f32
    %broadcast_in_dim3A_8 = vector.broadcast %broadcast_in_dim3A : f32 to vector<64x128xf32>
    %iota3A = tpu.iota {dimensions = array<i32: 0>} : vector<64x128xi32>
    %reduce_max3A = vector.shape_cast %get3A_1 : vector<16x128xf32> to vector<1x16x128xf32>
    %reduce_max3A_9 = arith.constant dense<0xFF800000> : vector<1xf32>
    %reduce_max3A_10 = vector.multi_reduction <maximumf>, %reduce_max3A, %reduce_max3A_9 [1, 2] : vector<1x16x128xf32> to vector<1xf32>
    %reduce_max3A_11 = vector.shape_cast %reduce_max3A_10 : vector<1xf32> to vector<1x1x1xf32>
    %reduce_max3A_12 = vector.extract %reduce_max3A_11[0, 0, 0] : f32 from vector<1x1x1xf32>
    %eq3A = vector.broadcast %reduce_max3A_12 : f32 to vector<16x128xf32>
    %eq3A_13 = arith.cmpf oeq, %get3A_1, %eq3A : vector<16x128xf32>
    %jit3A = arith.constant 0xFF800000 : f32
    %broadcast_in_dim3A_14 = vector.broadcast %jit3A : f32 to vector<16x128xf32>
    %select_n3A = arith.select %eq3A_13, %broadcast_in_dim3A_14, %get3A_1 : vector<16x128xi1>, vector<16x128xf32>
    %eq3A_15 = arith.constant 0 : i32
    %eq3A_16 = vector.broadcast %eq3A_15 : i32 to vector<64x128xi32>
    %eq3A_17 = arith.cmpi eq, %iota3A, %eq3A_16 : vector<64x128xi32>
    %max3A = arith.constant -3.000000e+38 : f32
    %max3A_18 = arith.maximumf %reduce_max3A_12, %max3A : f32
    %broadcast_in_dim3A_19 = vector.broadcast %max3A_18 : f32 to vector<64x128xf32>
    %select_n3A_20 = arith.select %eq3A_17, %broadcast_in_dim3A_19, %broadcast_in_dim3A_8 : vector<64x128xi1>, vector<64x128xf32>
    %reduce_max3A_21 = vector.shape_cast %select_n3A : vector<16x128xf32> to vector<1x16x128xf32>
    %reduce_max3A_22 = arith.constant dense<0xFF800000> : vector<1xf32>
    %reduce_max3A_23 = vector.multi_reduction <maximumf>, %reduce_max3A_21, %reduce_max3A_22 [1, 2] : vector<1x16x128xf32> to vector<1xf32>
    %reduce_max3A_24 = vector.shape_cast %reduce_max3A_23 : vector<1xf32> to vector<1x1x1xf32>
    %reduce_max3A_25 = vector.extract %reduce_max3A_24[0, 0, 0] : f32 from vector<1x1x1xf32>
    %eq3A_26 = vector.broadcast %reduce_max3A_25 : f32 to vector<16x128xf32>
    %eq3A_27 = arith.cmpf oeq, %select_n3A, %eq3A_26 : vector<16x128xf32>
    %jit3A_28 = arith.constant 0xFF800000 : f32
    %broadcast_in_dim3A_29 = vector.broadcast %jit3A_28 : f32 to vector<16x128xf32>
    %select_n3A_30 = arith.select %eq3A_27, %broadcast_in_dim3A_29, %select_n3A : vector<16x128xi1>, vector<16x128xf32>
    %eq3A_31 = arith.constant 1 : i32
    %eq3A_32 = vector.broadcast %eq3A_31 : i32 to vector<64x128xi32>
    %eq3A_33 = arith.cmpi eq, %iota3A, %eq3A_32 : vector<64x128xi32>
    %max3A_34 = arith.constant -3.000000e+38 : f32
    %max3A_35 = arith.maximumf %reduce_max3A_25, %max3A_34 : f32
    %broadcast_in_dim3A_36 = vector.broadcast %max3A_35 : f32 to vector<64x128xf32>
    %select_n3A_37 = arith.select %eq3A_33, %broadcast_in_dim3A_36, %select_n3A_20 : vector<64x128xi1>, vector<64x128xf32>
    %reduce_max3A_38 = vector.shape_cast %select_n3A_30 : vector<16x128xf32> to vector<1x16x128xf32>
    %reduce_max3A_39 = arith.constant dense<0xFF800000> : vector<1xf32>
    %reduce_max3A_40 = vector.multi_reduction <maximumf>, %reduce_max3A_38, %reduce_max3A_39 [1, 2] : vector<1x16x128xf32> to vector<1xf32>
    %reduce_max3A_41 = vector.shape_cast %reduce_max3A_40 : vector<1xf32> to vector<1x1x1xf32>
    %reduce_max3A_42 = vector.extract %reduce_max3A_41[0, 0, 0] : f32 from vector<1x1x1xf32>
    %eq3A_43 = vector.broadcast %reduce_max3A_42 : f32 to vector<16x128xf32>
    %eq3A_44 = arith.cmpf oeq, %select_n3A_30, %eq3A_43 : vector<16x128xf32>
    %jit3A_45 = arith.constant 0xFF800000 : f32
    %broadcast_in_dim3A_46 = vector.broadcast %jit3A_45 : f32 to vector<16x128xf32>
    %select_n3A_47 = arith.select %eq3A_44, %broadcast_in_dim3A_46, %select_n3A_30 : vector<16x128xi1>, vector<16x128xf32>
    %eq3A_48 = arith.constant 2 : i32
    %eq3A_49 = vector.broadcast %eq3A_48 : i32 to vector<64x128xi32>
    %eq3A_50 = arith.cmpi eq, %iota3A, %eq3A_49 : vector<64x128xi32>
    %max3A_51 = arith.constant -3.000000e+38 : f32
    %max3A_52 = arith.maximumf %reduce_max3A_42, %max3A_51 : f32
    %broadcast_in_dim3A_53 = vector.broadcast %max3A_52 : f32 to vector<64x128xf32>
    %select_n3A_54 = arith.select %eq3A_50, %broadcast_in_dim3A_53, %select_n3A_37 : vector<64x128xi1>, vector<64x128xf32>
    %reduce_max3A_55 = vector.shape_cast %select_n3A_47 : vector<16x128xf32> to vector<1x16x128xf32>
    %reduce_max3A_56 = arith.constant dense<0xFF800000> : vector<1xf32>
    %reduce_max3A_57 = vector.multi_reduction <maximumf>, %reduce_max3A_55, %reduce_max3A_56 [1, 2] : vector<1x16x128xf32> to vector<1xf32>
    %reduce_max3A_58 = vector.shape_cast %reduce_max3A_57 : vector<1xf32> to vector<1x1x1xf32>
    %reduce_max3A_59 = vector.extract %reduce_max3A_58[0, 0, 0] : f32 from vector<1x1x1xf32>
    %eq3A_60 = vector.broadcast %reduce_max3A_59 : f32 to vector<16x128xf32>
    %eq3A_61 = arith.cmpf oeq, %select_n3A_47, %eq3A_60 : vector<16x128xf32>
    %jit3A_62 = arith.constant 0xFF800000 : f32
    %broadcast_in_dim3A_63 = vector.broadcast %jit3A_62 : f32 to vector<16x128xf32>
    %select_n3A_64 = arith.select %eq3A_61, %broadcast_in_dim3A_63, %select_n3A_47 : vector<16x128xi1>, vector<16x128xf32>
    %eq3A_65 = arith.constant 3 : i32
    %eq3A_66 = vector.broadcast %eq3A_65 : i32 to vector<64x128xi32>
    %eq3A_67 = arith.cmpi eq, %iota3A, %eq3A_66 : vector<64x128xi32>
    %max3A_68 = arith.constant -3.000000e+38 : f32
    %max3A_69 = arith.maximumf %reduce_max3A_59, %max3A_68 : f32
    %broadcast_in_dim3A_70 = vector.broadcast %max3A_69 : f32 to vector<64x128xf32>
    %select_n3A_71 = arith.select %eq3A_67, %broadcast_in_dim3A_70, %select_n3A_54 : vector<64x128xi1>, vector<64x128xf32>
    %reduce_max3A_72 = vector.shape_cast %select_n3A_64 : vector<16x128xf32> to vector<1x16x128xf32>
    %reduce_max3A_73 = arith.constant dense<0xFF800000> : vector<1xf32>
    %reduce_max3A_74 = vector.multi_reduction <maximumf>, %reduce_max3A_72, %reduce_max3A_73 [1, 2] : vector<1x16x128xf32> to vector<1xf32>
    %reduce_max3A_75 = vector.shape_cast %reduce_max3A_74 : vector<1xf32> to vector<1x1x1xf32>
    %reduce_max3A_76 = vector.extract %reduce_max3A_75[0, 0, 0] : f32 from vector<1x1x1xf32>
    %eq3A_77 = vector.broadcast %reduce_max3A_76 : f32 to vector<16x128xf32>
    %eq3A_78 = arith.cmpf oeq, %select_n3A_64, %eq3A_77 : vector<16x128xf32>
    %jit3A_79 = arith.constant 0xFF800000 : f32
    %broadcast_in_dim3A_80 = vector.broadcast %jit3A_79 : f32 to vector<16x128xf32>
    %select_n3A_81 = arith.select %eq3A_78, %broadcast_in_dim3A_80, %select_n3A_64 : vector<16x128xi1>, vector<16x128xf32>
    %eq3A_82 = arith.constant 4 : i32
    %eq3A_83 = vector.broadcast %eq3A_82 : i32 to vector<64x128xi32>
    %eq3A_84 = arith.cmpi eq, %iota3A, %eq3A_83 : vector<64x128xi32>
    %max3A_85 = arith.constant -3.000000e+38 : f32
    %max3A_86 = arith.maximumf %reduce_max3A_76, %max3A_85 : f32
    %broadcast_in_dim3A_87 = vector.broadcast %max3A_86 : f32 to vector<64x128xf32>
    %select_n3A_88 = arith.select %eq3A_84, %broadcast_in_dim3A_87, %select_n3A_71 : vector<64x128xi1>, vector<64x128xf32>
    %reduce_max3A_89 = vector.shape_cast %select_n3A_81 : vector<16x128xf32> to vector<1x16x128xf32>
    %reduce_max3A_90 = arith.constant dense<0xFF800000> : vector<1xf32>
    %reduce_max3A_91 = vector.multi_reduction <maximumf>, %reduce_max3A_89, %reduce_max3A_90 [1, 2] : vector<1x16x128xf32> to vector<1xf32>
    %reduce_max3A_92 = vector.shape_cast %reduce_max3A_91 : vector<1xf32> to vector<1x1x1xf32>
    %reduce_max3A_93 = vector.extract %reduce_max3A_92[0, 0, 0] : f32 from vector<1x1x1xf32>
    %eq3A_94 = vector.broadcast %reduce_max3A_93 : f32 to vector<16x128xf32>
    %eq3A_95 = arith.cmpf oeq, %select_n3A_81, %eq3A_94 : vector<16x128xf32>
    %jit3A_96 = arith.constant 0xFF800000 : f32
    %broadcast_in_dim3A_97 = vector.broadcast %jit3A_96 : f32 to vector<16x128xf32>
    %select_n3A_98 = arith.select %eq3A_95, %broadcast_in_dim3A_97, %select_n3A_81 : vector<16x128xi1>, vector<16x128xf32>
    %eq3A_99 = arith.constant 5 : i32
    %eq3A_100 = vector.broadcast %eq3A_99 : i32 to vector<64x128xi32>
    %eq3A_101 = arith.cmpi eq, %iota3A, %eq3A_100 : vector<64x128xi32>
    %max3A_102 = arith.constant -3.000000e+38 : f32
    %max3A_103 = arith.maximumf %reduce_max3A_93, %max3A_102 : f32
    %broadcast_in_dim3A_104 = vector.broadcast %max3A_103 : f32 to vector<64x128xf32>
    %select_n3A_105 = arith.select %eq3A_101, %broadcast_in_dim3A_104, %select_n3A_88 : vector<64x128xi1>, vector<64x128xf32>
    %reduce_max3A_106 = vector.shape_cast %select_n3A_98 : vector<16x128xf32> to vector<1x16x128xf32>
    %reduce_max3A_107 = arith.constant dense<0xFF800000> : vector<1xf32>
    %reduce_max3A_108 = vector.multi_reduction <maximumf>, %reduce_max3A_106, %reduce_max3A_107 [1, 2] : vector<1x16x128xf32> to vector<1xf32>
    %reduce_max3A_109 = vector.shape_cast %reduce_max3A_108 : vector<1xf32> to vector<1x1x1xf32>
    %reduce_max3A_110 = vector.extract %reduce_max3A_109[0, 0, 0] : f32 from vector<1x1x1xf32>
    %eq3A_111 = vector.broadcast %reduce_max3A_110 : f32 to vector<16x128xf32>
    %eq3A_112 = arith.cmpf oeq, %select_n3A_98, %eq3A_111 : vector<16x128xf32>
    %jit3A_113 = arith.constant 0xFF800000 : f32
    %broadcast_in_dim3A_114 = vector.broadcast %jit3A_113 : f32 to vector<16x128xf32>
    %select_n3A_115 = arith.select %eq3A_112, %broadcast_in_dim3A_114, %select_n3A_98 : vector<16x128xi1>, vector<16x128xf32>
    %eq3A_116 = arith.constant 6 : i32
    %eq3A_117 = vector.broadcast %eq3A_116 : i32 to vector<64x128xi32>
    %eq3A_118 = arith.cmpi eq, %iota3A, %eq3A_117 : vector<64x128xi32>
    %max3A_119 = arith.constant -3.000000e+38 : f32
    %max3A_120 = arith.maximumf %reduce_max3A_110, %max3A_119 : f32
    %broadcast_in_dim3A_121 = vector.broadcast %max3A_120 : f32 to vector<64x128xf32>
    %select_n3A_122 = arith.select %eq3A_118, %broadcast_in_dim3A_121, %select_n3A_105 : vector<64x128xi1>, vector<64x128xf32>
    %reduce_max3A_123 = vector.shape_cast %select_n3A_115 : vector<16x128xf32> to vector<1x16x128xf32>
    %reduce_max3A_124 = arith.constant dense<0xFF800000> : vector<1xf32>
    %reduce_max3A_125 = vector.multi_reduction <maximumf>, %reduce_max3A_123, %reduce_max3A_124 [1, 2] : vector<1x16x128xf32> to vector<1xf32>
    %reduce_max3A_126 = vector.shape_cast %reduce_max3A_125 : vector<1xf32> to vector<1x1x1xf32>
    %reduce_max3A_127 = vector.extract %reduce_max3A_126[0, 0, 0] : f32 from vector<1x1x1xf32>
    %eq3A_128 = vector.broadcast %reduce_max3A_127 : f32 to vector<16x128xf32>
    %eq3A_129 = arith.cmpf oeq, %select_n3A_115, %eq3A_128 : vector<16x128xf32>
    %jit3A_130 = arith.constant 0xFF800000 : f32
    %broadcast_in_dim3A_131 = vector.broadcast %jit3A_130 : f32 to vector<16x128xf32>
    %select_n3A_132 = arith.select %eq3A_129, %broadcast_in_dim3A_131, %select_n3A_115 : vector<16x128xi1>, vector<16x128xf32>
    %eq3A_133 = arith.constant 7 : i32
    %eq3A_134 = vector.broadcast %eq3A_133 : i32 to vector<64x128xi32>
    %eq3A_135 = arith.cmpi eq, %iota3A, %eq3A_134 : vector<64x128xi32>
    %max3A_136 = arith.constant -3.000000e+38 : f32
    %max3A_137 = arith.maximumf %reduce_max3A_127, %max3A_136 : f32
    %broadcast_in_dim3A_138 = vector.broadcast %max3A_137 : f32 to vector<64x128xf32>
    %select_n3A_139 = arith.select %eq3A_135, %broadcast_in_dim3A_138, %select_n3A_122 : vector<64x128xi1>, vector<64x128xf32>
    %reduce_max3A_140 = vector.shape_cast %select_n3A_132 : vector<16x128xf32> to vector<1x16x128xf32>
    %reduce_max3A_141 = arith.constant dense<0xFF800000> : vector<1xf32>
    %reduce_max3A_142 = vector.multi_reduction <maximumf>, %reduce_max3A_140, %reduce_max3A_141 [1, 2] : vector<1x16x128xf32> to vector<1xf32>
    %reduce_max3A_143 = vector.shape_cast %reduce_max3A_142 : vector<1xf32> to vector<1x1x1xf32>
    %reduce_max3A_144 = vector.extract %reduce_max3A_143[0, 0, 0] : f32 from vector<1x1x1xf32>
    %eq3A_145 = vector.broadcast %reduce_max3A_144 : f32 to vector<16x128xf32>
    %eq3A_146 = arith.cmpf oeq, %select_n3A_132, %eq3A_145 : vector<16x128xf32>
    %jit3A_147 = arith.constant 0xFF800000 : f32
    %broadcast_in_dim3A_148 = vector.broadcast %jit3A_147 : f32 to vector<16x128xf32>
    %select_n3A_149 = arith.select %eq3A_146, %broadcast_in_dim3A_148, %select_n3A_132 : vector<16x128xi1>, vector<16x128xf32>
    %eq3A_150 = arith.constant 8 : i32
    %eq3A_151 = vector.broadcast %eq3A_150 : i32 to vector<64x128xi32>
    %eq3A_152 = arith.cmpi eq, %iota3A, %eq3A_151 : vector<64x128xi32>
    %max3A_153 = arith.constant -3.000000e+38 : f32
    %max3A_154 = arith.maximumf %reduce_max3A_144, %max3A_153 : f32
    %broadcast_in_dim3A_155 = vector.broadcast %max3A_154 : f32 to vector<64x128xf32>
    %select_n3A_156 = arith.select %eq3A_152, %broadcast_in_dim3A_155, %select_n3A_139 : vector<64x128xi1>, vector<64x128xf32>
    %reduce_max3A_157 = vector.shape_cast %select_n3A_149 : vector<16x128xf32> to vector<1x16x128xf32>
    %reduce_max3A_158 = arith.constant dense<0xFF800000> : vector<1xf32>
    %reduce_max3A_159 = vector.multi_reduction <maximumf>, %reduce_max3A_157, %reduce_max3A_158 [1, 2] : vector<1x16x128xf32> to vector<1xf32>
    %reduce_max3A_160 = vector.shape_cast %reduce_max3A_159 : vector<1xf32> to vector<1x1x1xf32>
    %reduce_max3A_161 = vector.extract %reduce_max3A_160[0, 0, 0] : f32 from vector<1x1x1xf32>
    %eq3A_162 = vector.broadcast %reduce_max3A_161 : f32 to vector<16x128xf32>
    %eq3A_163 = arith.cmpf oeq, %select_n3A_149, %eq3A_162 : vector<16x128xf32>
    %jit3A_164 = arith.constant 0xFF800000 : f32
    %broadcast_in_dim3A_165 = vector.broadcast %jit3A_164 : f32 to vector<16x128xf32>
    %select_n3A_166 = arith.select %eq3A_163, %broadcast_in_dim3A_165, %select_n3A_149 : vector<16x128xi1>, vector<16x128xf32>
    %eq3A_167 = arith.constant 9 : i32
    %eq3A_168 = vector.broadcast %eq3A_167 : i32 to vector<64x128xi32>
    %eq3A_169 = arith.cmpi eq, %iota3A, %eq3A_168 : vector<64x128xi32>
    %max3A_170 = arith.constant -3.000000e+38 : f32
    %max3A_171 = arith.maximumf %reduce_max3A_161, %max3A_170 : f32
    %broadcast_in_dim3A_172 = vector.broadcast %max3A_171 : f32 to vector<64x128xf32>
    %select_n3A_173 = arith.select %eq3A_169, %broadcast_in_dim3A_172, %select_n3A_156 : vector<64x128xi1>, vector<64x128xf32>
    %reduce_max3A_174 = vector.shape_cast %select_n3A_166 : vector<16x128xf32> to vector<1x16x128xf32>
    %reduce_max3A_175 = arith.constant dense<0xFF800000> : vector<1xf32>
    %reduce_max3A_176 = vector.multi_reduction <maximumf>, %reduce_max3A_174, %reduce_max3A_175 [1, 2] : vector<1x16x128xf32> to vector<1xf32>
    %reduce_max3A_177 = vector.shape_cast %reduce_max3A_176 : vector<1xf32> to vector<1x1x1xf32>
    %reduce_max3A_178 = vector.extract %reduce_max3A_177[0, 0, 0] : f32 from vector<1x1x1xf32>
    %eq3A_179 = vector.broadcast %reduce_max3A_178 : f32 to vector<16x128xf32>
    %eq3A_180 = arith.cmpf oeq, %select_n3A_166, %eq3A_179 : vector<16x128xf32>
    %jit3A_181 = arith.constant 0xFF800000 : f32
    %broadcast_in_dim3A_182 = vector.broadcast %jit3A_181 : f32 to vector<16x128xf32>
    %select_n3A_183 = arith.select %eq3A_180, %broadcast_in_dim3A_182, %select_n3A_166 : vector<16x128xi1>, vector<16x128xf32>
    %eq3A_184 = arith.constant 10 : i32
    %eq3A_185 = vector.broadcast %eq3A_184 : i32 to vector<64x128xi32>
    %eq3A_186 = arith.cmpi eq, %iota3A, %eq3A_185 : vector<64x128xi32>
    %max3A_187 = arith.constant -3.000000e+38 : f32
    %max3A_188 = arith.maximumf %reduce_max3A_178, %max3A_187 : f32
    %broadcast_in_dim3A_189 = vector.broadcast %max3A_188 : f32 to vector<64x128xf32>
    %select_n3A_190 = arith.select %eq3A_186, %broadcast_in_dim3A_189, %select_n3A_173 : vector<64x128xi1>, vector<64x128xf32>
    %reduce_max3A_191 = vector.shape_cast %select_n3A_183 : vector<16x128xf32> to vector<1x16x128xf32>
    %reduce_max3A_192 = arith.constant dense<0xFF800000> : vector<1xf32>
    %reduce_max3A_193 = vector.multi_reduction <maximumf>, %reduce_max3A_191, %reduce_max3A_192 [1, 2] : vector<1x16x128xf32> to vector<1xf32>
    %reduce_max3A_194 = vector.shape_cast %reduce_max3A_193 : vector<1xf32> to vector<1x1x1xf32>
    %reduce_max3A_195 = vector.extract %reduce_max3A_194[0, 0, 0] : f32 from vector<1x1x1xf32>
    %eq3A_196 = vector.broadcast %reduce_max3A_195 : f32 to vector<16x128xf32>
    %eq3A_197 = arith.cmpf oeq, %select_n3A_183, %eq3A_196 : vector<16x128xf32>
    %jit3A_198 = arith.constant 0xFF800000 : f32
    %broadcast_in_dim3A_199 = vector.broadcast %jit3A_198 : f32 to vector<16x128xf32>
    %select_n3A_200 = arith.select %eq3A_197, %broadcast_in_dim3A_199, %select_n3A_183 : vector<16x128xi1>, vector<16x128xf32>
    %eq3A_201 = arith.constant 11 : i32
    %eq3A_202 = vector.broadcast %eq3A_201 : i32 to vector<64x128xi32>
    %eq3A_203 = arith.cmpi eq, %iota3A, %eq3A_202 : vector<64x128xi32>
    %max3A_204 = arith.constant -3.000000e+38 : f32
    %max3A_205 = arith.maximumf %reduce_max3A_195, %max3A_204 : f32
    %broadcast_in_dim3A_206 = vector.broadcast %max3A_205 : f32 to vector<64x128xf32>
    %select_n3A_207 = arith.select %eq3A_203, %broadcast_in_dim3A_206, %select_n3A_190 : vector<64x128xi1>, vector<64x128xf32>
    %reduce_max3A_208 = vector.shape_cast %select_n3A_200 : vector<16x128xf32> to vector<1x16x128xf32>
    %reduce_max3A_209 = arith.constant dense<0xFF800000> : vector<1xf32>
    %reduce_max3A_210 = vector.multi_reduction <maximumf>, %reduce_max3A_208, %reduce_max3A_209 [1, 2] : vector<1x16x128xf32> to vector<1xf32>
    %reduce_max3A_211 = vector.shape_cast %reduce_max3A_210 : vector<1xf32> to vector<1x1x1xf32>
    %reduce_max3A_212 = vector.extract %reduce_max3A_211[0, 0, 0] : f32 from vector<1x1x1xf32>
    %eq3A_213 = vector.broadcast %reduce_max3A_212 : f32 to vector<16x128xf32>
    %eq3A_214 = arith.cmpf oeq, %select_n3A_200, %eq3A_213 : vector<16x128xf32>
    %jit3A_215 = arith.constant 0xFF800000 : f32
    %broadcast_in_dim3A_216 = vector.broadcast %jit3A_215 : f32 to vector<16x128xf32>
    %select_n3A_217 = arith.select %eq3A_214, %broadcast_in_dim3A_216, %select_n3A_200 : vector<16x128xi1>, vector<16x128xf32>
    %eq3A_218 = arith.constant 12 : i32
    %eq3A_219 = vector.broadcast %eq3A_218 : i32 to vector<64x128xi32>
    %eq3A_220 = arith.cmpi eq, %iota3A, %eq3A_219 : vector<64x128xi32>
    %max3A_221 = arith.constant -3.000000e+38 : f32
    %max3A_222 = arith.maximumf %reduce_max3A_212, %max3A_221 : f32
    %broadcast_in_dim3A_223 = vector.broadcast %max3A_222 : f32 to vector<64x128xf32>
    %select_n3A_224 = arith.select %eq3A_220, %broadcast_in_dim3A_223, %select_n3A_207 : vector<64x128xi1>, vector<64x128xf32>
    %reduce_max3A_225 = vector.shape_cast %select_n3A_217 : vector<16x128xf32> to vector<1x16x128xf32>
    %reduce_max3A_226 = arith.constant dense<0xFF800000> : vector<1xf32>
    %reduce_max3A_227 = vector.multi_reduction <maximumf>, %reduce_max3A_225, %reduce_max3A_226 [1, 2] : vector<1x16x128xf32> to vector<1xf32>
    %reduce_max3A_228 = vector.shape_cast %reduce_max3A_227 : vector<1xf32> to vector<1x1x1xf32>
    %reduce_max3A_229 = vector.extract %reduce_max3A_228[0, 0, 0] : f32 from vector<1x1x1xf32>
    %eq3A_230 = vector.broadcast %reduce_max3A_229 : f32 to vector<16x128xf32>
    %eq3A_231 = arith.cmpf oeq, %select_n3A_217, %eq3A_230 : vector<16x128xf32>
    %jit3A_232 = arith.constant 0xFF800000 : f32
    %broadcast_in_dim3A_233 = vector.broadcast %jit3A_232 : f32 to vector<16x128xf32>
    %select_n3A_234 = arith.select %eq3A_231, %broadcast_in_dim3A_233, %select_n3A_217 : vector<16x128xi1>, vector<16x128xf32>
    %eq3A_235 = arith.constant 13 : i32
    %eq3A_236 = vector.broadcast %eq3A_235 : i32 to vector<64x128xi32>
    %eq3A_237 = arith.cmpi eq, %iota3A, %eq3A_236 : vector<64x128xi32>
    %max3A_238 = arith.constant -3.000000e+38 : f32
    %max3A_239 = arith.maximumf %reduce_max3A_229, %max3A_238 : f32
    %broadcast_in_dim3A_240 = vector.broadcast %max3A_239 : f32 to vector<64x128xf32>
    %select_n3A_241 = arith.select %eq3A_237, %broadcast_in_dim3A_240, %select_n3A_224 : vector<64x128xi1>, vector<64x128xf32>
    %reduce_max3A_242 = vector.shape_cast %select_n3A_234 : vector<16x128xf32> to vector<1x16x128xf32>
    %reduce_max3A_243 = arith.constant dense<0xFF800000> : vector<1xf32>
    %reduce_max3A_244 = vector.multi_reduction <maximumf>, %reduce_max3A_242, %reduce_max3A_243 [1, 2] : vector<1x16x128xf32> to vector<1xf32>
    %reduce_max3A_245 = vector.shape_cast %reduce_max3A_244 : vector<1xf32> to vector<1x1x1xf32>
    %reduce_max3A_246 = vector.extract %reduce_max3A_245[0, 0, 0] : f32 from vector<1x1x1xf32>
    %eq3A_247 = vector.broadcast %reduce_max3A_246 : f32 to vector<16x128xf32>
    %eq3A_248 = arith.cmpf oeq, %select_n3A_234, %eq3A_247 : vector<16x128xf32>
    %jit3A_249 = arith.constant 0xFF800000 : f32
    %broadcast_in_dim3A_250 = vector.broadcast %jit3A_249 : f32 to vector<16x128xf32>
    %select_n3A_251 = arith.select %eq3A_248, %broadcast_in_dim3A_250, %select_n3A_234 : vector<16x128xi1>, vector<16x128xf32>
    %eq3A_252 = arith.constant 14 : i32
    %eq3A_253 = vector.broadcast %eq3A_252 : i32 to vector<64x128xi32>
    %eq3A_254 = arith.cmpi eq, %iota3A, %eq3A_253 : vector<64x128xi32>
    %max3A_255 = arith.constant -3.000000e+38 : f32
    %max3A_256 = arith.maximumf %reduce_max3A_246, %max3A_255 : f32
    %broadcast_in_dim3A_257 = vector.broadcast %max3A_256 : f32 to vector<64x128xf32>
    %select_n3A_258 = arith.select %eq3A_254, %broadcast_in_dim3A_257, %select_n3A_241 : vector<64x128xi1>, vector<64x128xf32>
    %reduce_max3A_259 = vector.shape_cast %select_n3A_251 : vector<16x128xf32> to vector<1x16x128xf32>
    %reduce_max3A_260 = arith.constant dense<0xFF800000> : vector<1xf32>
    %reduce_max3A_261 = vector.multi_reduction <maximumf>, %reduce_max3A_259, %reduce_max3A_260 [1, 2] : vector<1x16x128xf32> to vector<1xf32>
    %reduce_max3A_262 = vector.shape_cast %reduce_max3A_261 : vector<1xf32> to vector<1x1x1xf32>
    %reduce_max3A_263 = vector.extract %reduce_max3A_262[0, 0, 0] : f32 from vector<1x1x1xf32>
    %eq3A_264 = vector.broadcast %reduce_max3A_263 : f32 to vector<16x128xf32>
    %eq3A_265 = arith.cmpf oeq, %select_n3A_251, %eq3A_264 : vector<16x128xf32>
    %jit3A_266 = arith.constant 0xFF800000 : f32
    %broadcast_in_dim3A_267 = vector.broadcast %jit3A_266 : f32 to vector<16x128xf32>
    %select_n3A_268 = arith.select %eq3A_265, %broadcast_in_dim3A_267, %select_n3A_251 : vector<16x128xi1>, vector<16x128xf32>
    %eq3A_269 = arith.constant 15 : i32
    %eq3A_270 = vector.broadcast %eq3A_269 : i32 to vector<64x128xi32>
    %eq3A_271 = arith.cmpi eq, %iota3A, %eq3A_270 : vector<64x128xi32>
    %max3A_272 = arith.constant -3.000000e+38 : f32
    %max3A_273 = arith.maximumf %reduce_max3A_263, %max3A_272 : f32
    %broadcast_in_dim3A_274 = vector.broadcast %max3A_273 : f32 to vector<64x128xf32>
    %select_n3A_275 = arith.select %eq3A_271, %broadcast_in_dim3A_274, %select_n3A_258 : vector<64x128xi1>, vector<64x128xf32>
    %reduce_max3A_276 = vector.shape_cast %select_n3A_268 : vector<16x128xf32> to vector<1x16x128xf32>
    %reduce_max3A_277 = arith.constant dense<0xFF800000> : vector<1xf32>
    %reduce_max3A_278 = vector.multi_reduction <maximumf>, %reduce_max3A_276, %reduce_max3A_277 [1, 2] : vector<1x16x128xf32> to vector<1xf32>
    %reduce_max3A_279 = vector.shape_cast %reduce_max3A_278 : vector<1xf32> to vector<1x1x1xf32>
    %reduce_max3A_280 = vector.extract %reduce_max3A_279[0, 0, 0] : f32 from vector<1x1x1xf32>
    %eq3A_281 = vector.broadcast %reduce_max3A_280 : f32 to vector<16x128xf32>
    %eq3A_282 = arith.cmpf oeq, %select_n3A_268, %eq3A_281 : vector<16x128xf32>
    %jit3A_283 = arith.constant 0xFF800000 : f32
    %broadcast_in_dim3A_284 = vector.broadcast %jit3A_283 : f32 to vector<16x128xf32>
    %select_n3A_285 = arith.select %eq3A_282, %broadcast_in_dim3A_284, %select_n3A_268 : vector<16x128xi1>, vector<16x128xf32>
    %eq3A_286 = arith.constant 16 : i32
    %eq3A_287 = vector.broadcast %eq3A_286 : i32 to vector<64x128xi32>
    %eq3A_288 = arith.cmpi eq, %iota3A, %eq3A_287 : vector<64x128xi32>
    %max3A_289 = arith.constant -3.000000e+38 : f32
    %max3A_290 = arith.maximumf %reduce_max3A_280, %max3A_289 : f32
    %broadcast_in_dim3A_291 = vector.broadcast %max3A_290 : f32 to vector<64x128xf32>
    %select_n3A_292 = arith.select %eq3A_288, %broadcast_in_dim3A_291, %select_n3A_275 : vector<64x128xi1>, vector<64x128xf32>
    %reduce_max3A_293 = vector.shape_cast %select_n3A_285 : vector<16x128xf32> to vector<1x16x128xf32>
    %reduce_max3A_294 = arith.constant dense<0xFF800000> : vector<1xf32>
    %reduce_max3A_295 = vector.multi_reduction <maximumf>, %reduce_max3A_293, %reduce_max3A_294 [1, 2] : vector<1x16x128xf32> to vector<1xf32>
    %reduce_max3A_296 = vector.shape_cast %reduce_max3A_295 : vector<1xf32> to vector<1x1x1xf32>
    %reduce_max3A_297 = vector.extract %reduce_max3A_296[0, 0, 0] : f32 from vector<1x1x1xf32>
    %eq3A_298 = vector.broadcast %reduce_max3A_297 : f32 to vector<16x128xf32>
    %eq3A_299 = arith.cmpf oeq, %select_n3A_285, %eq3A_298 : vector<16x128xf32>
    %jit3A_300 = arith.constant 0xFF800000 : f32
    %broadcast_in_dim3A_301 = vector.broadcast %jit3A_300 : f32 to vector<16x128xf32>
    %select_n3A_302 = arith.select %eq3A_299, %broadcast_in_dim3A_301, %select_n3A_285 : vector<16x128xi1>, vector<16x128xf32>
    %eq3A_303 = arith.constant 17 : i32
    %eq3A_304 = vector.broadcast %eq3A_303 : i32 to vector<64x128xi32>
    %eq3A_305 = arith.cmpi eq, %iota3A, %eq3A_304 : vector<64x128xi32>
    %max3A_306 = arith.constant -3.000000e+38 : f32
    %max3A_307 = arith.maximumf %reduce_max3A_297, %max3A_306 : f32
    %broadcast_in_dim3A_308 = vector.broadcast %max3A_307 : f32 to vector<64x128xf32>
    %select_n3A_309 = arith.select %eq3A_305, %broadcast_in_dim3A_308, %select_n3A_292 : vector<64x128xi1>, vector<64x128xf32>
    %reduce_max3A_310 = vector.shape_cast %select_n3A_302 : vector<16x128xf32> to vector<1x16x128xf32>
    %reduce_max3A_311 = arith.constant dense<0xFF800000> : vector<1xf32>
    %reduce_max3A_312 = vector.multi_reduction <maximumf>, %reduce_max3A_310, %reduce_max3A_311 [1, 2] : vector<1x16x128xf32> to vector<1xf32>
    %reduce_max3A_313 = vector.shape_cast %reduce_max3A_312 : vector<1xf32> to vector<1x1x1xf32>
    %reduce_max3A_314 = vector.extract %reduce_max3A_313[0, 0, 0] : f32 from vector<1x1x1xf32>
    %eq3A_315 = vector.broadcast %reduce_max3A_314 : f32 to vector<16x128xf32>
    %eq3A_316 = arith.cmpf oeq, %select_n3A_302, %eq3A_315 : vector<16x128xf32>
    %jit3A_317 = arith.constant 0xFF800000 : f32
    %broadcast_in_dim3A_318 = vector.broadcast %jit3A_317 : f32 to vector<16x128xf32>
    %select_n3A_319 = arith.select %eq3A_316, %broadcast_in_dim3A_318, %select_n3A_302 : vector<16x128xi1>, vector<16x128xf32>
    %eq3A_320 = arith.constant 18 : i32
    %eq3A_321 = vector.broadcast %eq3A_320 : i32 to vector<64x128xi32>
    %eq3A_322 = arith.cmpi eq, %iota3A, %eq3A_321 : vector<64x128xi32>
    %max3A_323 = arith.constant -3.000000e+38 : f32
    %max3A_324 = arith.maximumf %reduce_max3A_314, %max3A_323 : f32
    %broadcast_in_dim3A_325 = vector.broadcast %max3A_324 : f32 to vector<64x128xf32>
    %select_n3A_326 = arith.select %eq3A_322, %broadcast_in_dim3A_325, %select_n3A_309 : vector<64x128xi1>, vector<64x128xf32>
    %reduce_max3A_327 = vector.shape_cast %select_n3A_319 : vector<16x128xf32> to vector<1x16x128xf32>
    %reduce_max3A_328 = arith.constant dense<0xFF800000> : vector<1xf32>
    %reduce_max3A_329 = vector.multi_reduction <maximumf>, %reduce_max3A_327, %reduce_max3A_328 [1, 2] : vector<1x16x128xf32> to vector<1xf32>
    %reduce_max3A_330 = vector.shape_cast %reduce_max3A_329 : vector<1xf32> to vector<1x1x1xf32>
    %reduce_max3A_331 = vector.extract %reduce_max3A_330[0, 0, 0] : f32 from vector<1x1x1xf32>
    %eq3A_332 = vector.broadcast %reduce_max3A_331 : f32 to vector<16x128xf32>
    %eq3A_333 = arith.cmpf oeq, %select_n3A_319, %eq3A_332 : vector<16x128xf32>
    %jit3A_334 = arith.constant 0xFF800000 : f32
    %broadcast_in_dim3A_335 = vector.broadcast %jit3A_334 : f32 to vector<16x128xf32>
    %select_n3A_336 = arith.select %eq3A_333, %broadcast_in_dim3A_335, %select_n3A_319 : vector<16x128xi1>, vector<16x128xf32>
    %eq3A_337 = arith.constant 19 : i32
    %eq3A_338 = vector.broadcast %eq3A_337 : i32 to vector<64x128xi32>
    %eq3A_339 = arith.cmpi eq, %iota3A, %eq3A_338 : vector<64x128xi32>
    %max3A_340 = arith.constant -3.000000e+38 : f32
    %max3A_341 = arith.maximumf %reduce_max3A_331, %max3A_340 : f32
    %broadcast_in_dim3A_342 = vector.broadcast %max3A_341 : f32 to vector<64x128xf32>
    %select_n3A_343 = arith.select %eq3A_339, %broadcast_in_dim3A_342, %select_n3A_326 : vector<64x128xi1>, vector<64x128xf32>
    %reduce_max3A_344 = vector.shape_cast %select_n3A_336 : vector<16x128xf32> to vector<1x16x128xf32>
    %reduce_max3A_345 = arith.constant dense<0xFF800000> : vector<1xf32>
    %reduce_max3A_346 = vector.multi_reduction <maximumf>, %reduce_max3A_344, %reduce_max3A_345 [1, 2] : vector<1x16x128xf32> to vector<1xf32>
    %reduce_max3A_347 = vector.shape_cast %reduce_max3A_346 : vector<1xf32> to vector<1x1x1xf32>
    %reduce_max3A_348 = vector.extract %reduce_max3A_347[0, 0, 0] : f32 from vector<1x1x1xf32>
    %eq3A_349 = vector.broadcast %reduce_max3A_348 : f32 to vector<16x128xf32>
    %eq3A_350 = arith.cmpf oeq, %select_n3A_336, %eq3A_349 : vector<16x128xf32>
    %jit3A_351 = arith.constant 0xFF800000 : f32
    %broadcast_in_dim3A_352 = vector.broadcast %jit3A_351 : f32 to vector<16x128xf32>
    %select_n3A_353 = arith.select %eq3A_350, %broadcast_in_dim3A_352, %select_n3A_336 : vector<16x128xi1>, vector<16x128xf32>
    %eq3A_354 = arith.constant 20 : i32
    %eq3A_355 = vector.broadcast %eq3A_354 : i32 to vector<64x128xi32>
    %eq3A_356 = arith.cmpi eq, %iota3A, %eq3A_355 : vector<64x128xi32>
    %max3A_357 = arith.constant -3.000000e+38 : f32
    %max3A_358 = arith.maximumf %reduce_max3A_348, %max3A_357 : f32
    %broadcast_in_dim3A_359 = vector.broadcast %max3A_358 : f32 to vector<64x128xf32>
    %select_n3A_360 = arith.select %eq3A_356, %broadcast_in_dim3A_359, %select_n3A_343 : vector<64x128xi1>, vector<64x128xf32>
    %reduce_max3A_361 = vector.shape_cast %select_n3A_353 : vector<16x128xf32> to vector<1x16x128xf32>
    %reduce_max3A_362 = arith.constant dense<0xFF800000> : vector<1xf32>
    %reduce_max3A_363 = vector.multi_reduction <maximumf>, %reduce_max3A_361, %reduce_max3A_362 [1, 2] : vector<1x16x128xf32> to vector<1xf32>
    %reduce_max3A_364 = vector.shape_cast %reduce_max3A_363 : vector<1xf32> to vector<1x1x1xf32>
    %reduce_max3A_365 = vector.extract %reduce_max3A_364[0, 0, 0] : f32 from vector<1x1x1xf32>
    %eq3A_366 = vector.broadcast %reduce_max3A_365 : f32 to vector<16x128xf32>
    %eq3A_367 = arith.cmpf oeq, %select_n3A_353, %eq3A_366 : vector<16x128xf32>
    %jit3A_368 = arith.constant 0xFF800000 : f32
    %broadcast_in_dim3A_369 = vector.broadcast %jit3A_368 : f32 to vector<16x128xf32>
    %select_n3A_370 = arith.select %eq3A_367, %broadcast_in_dim3A_369, %select_n3A_353 : vector<16x128xi1>, vector<16x128xf32>
    %eq3A_371 = arith.constant 21 : i32
    %eq3A_372 = vector.broadcast %eq3A_371 : i32 to vector<64x128xi32>
    %eq3A_373 = arith.cmpi eq, %iota3A, %eq3A_372 : vector<64x128xi32>
    %max3A_374 = arith.constant -3.000000e+38 : f32
    %max3A_375 = arith.maximumf %reduce_max3A_365, %max3A_374 : f32
    %broadcast_in_dim3A_376 = vector.broadcast %max3A_375 : f32 to vector<64x128xf32>
    %select_n3A_377 = arith.select %eq3A_373, %broadcast_in_dim3A_376, %select_n3A_360 : vector<64x128xi1>, vector<64x128xf32>
    %reduce_max3A_378 = vector.shape_cast %select_n3A_370 : vector<16x128xf32> to vector<1x16x128xf32>
    %reduce_max3A_379 = arith.constant dense<0xFF800000> : vector<1xf32>
    %reduce_max3A_380 = vector.multi_reduction <maximumf>, %reduce_max3A_378, %reduce_max3A_379 [1, 2] : vector<1x16x128xf32> to vector<1xf32>
    %reduce_max3A_381 = vector.shape_cast %reduce_max3A_380 : vector<1xf32> to vector<1x1x1xf32>
    %reduce_max3A_382 = vector.extract %reduce_max3A_381[0, 0, 0] : f32 from vector<1x1x1xf32>
    %eq3A_383 = vector.broadcast %reduce_max3A_382 : f32 to vector<16x128xf32>
    %eq3A_384 = arith.cmpf oeq, %select_n3A_370, %eq3A_383 : vector<16x128xf32>
    %jit3A_385 = arith.constant 0xFF800000 : f32
    %broadcast_in_dim3A_386 = vector.broadcast %jit3A_385 : f32 to vector<16x128xf32>
    %select_n3A_387 = arith.select %eq3A_384, %broadcast_in_dim3A_386, %select_n3A_370 : vector<16x128xi1>, vector<16x128xf32>
    %eq3A_388 = arith.constant 22 : i32
    %eq3A_389 = vector.broadcast %eq3A_388 : i32 to vector<64x128xi32>
    %eq3A_390 = arith.cmpi eq, %iota3A, %eq3A_389 : vector<64x128xi32>
    %max3A_391 = arith.constant -3.000000e+38 : f32
    %max3A_392 = arith.maximumf %reduce_max3A_382, %max3A_391 : f32
    %broadcast_in_dim3A_393 = vector.broadcast %max3A_392 : f32 to vector<64x128xf32>
    %select_n3A_394 = arith.select %eq3A_390, %broadcast_in_dim3A_393, %select_n3A_377 : vector<64x128xi1>, vector<64x128xf32>
    %reduce_max3A_395 = vector.shape_cast %select_n3A_387 : vector<16x128xf32> to vector<1x16x128xf32>
    %reduce_max3A_396 = arith.constant dense<0xFF800000> : vector<1xf32>
    %reduce_max3A_397 = vector.multi_reduction <maximumf>, %reduce_max3A_395, %reduce_max3A_396 [1, 2] : vector<1x16x128xf32> to vector<1xf32>
    %reduce_max3A_398 = vector.shape_cast %reduce_max3A_397 : vector<1xf32> to vector<1x1x1xf32>
    %reduce_max3A_399 = vector.extract %reduce_max3A_398[0, 0, 0] : f32 from vector<1x1x1xf32>
    %eq3A_400 = vector.broadcast %reduce_max3A_399 : f32 to vector<16x128xf32>
    %eq3A_401 = arith.cmpf oeq, %select_n3A_387, %eq3A_400 : vector<16x128xf32>
    %jit3A_402 = arith.constant 0xFF800000 : f32
    %broadcast_in_dim3A_403 = vector.broadcast %jit3A_402 : f32 to vector<16x128xf32>
    %select_n3A_404 = arith.select %eq3A_401, %broadcast_in_dim3A_403, %select_n3A_387 : vector<16x128xi1>, vector<16x128xf32>
    %eq3A_405 = arith.constant 23 : i32
    %eq3A_406 = vector.broadcast %eq3A_405 : i32 to vector<64x128xi32>
    %eq3A_407 = arith.cmpi eq, %iota3A, %eq3A_406 : vector<64x128xi32>
    %max3A_408 = arith.constant -3.000000e+38 : f32
    %max3A_409 = arith.maximumf %reduce_max3A_399, %max3A_408 : f32
    %broadcast_in_dim3A_410 = vector.broadcast %max3A_409 : f32 to vector<64x128xf32>
    %select_n3A_411 = arith.select %eq3A_407, %broadcast_in_dim3A_410, %select_n3A_394 : vector<64x128xi1>, vector<64x128xf32>
    %reduce_max3A_412 = vector.shape_cast %select_n3A_404 : vector<16x128xf32> to vector<1x16x128xf32>
    %reduce_max3A_413 = arith.constant dense<0xFF800000> : vector<1xf32>
    %reduce_max3A_414 = vector.multi_reduction <maximumf>, %reduce_max3A_412, %reduce_max3A_413 [1, 2] : vector<1x16x128xf32> to vector<1xf32>
    %reduce_max3A_415 = vector.shape_cast %reduce_max3A_414 : vector<1xf32> to vector<1x1x1xf32>
    %reduce_max3A_416 = vector.extract %reduce_max3A_415[0, 0, 0] : f32 from vector<1x1x1xf32>
    %eq3A_417 = vector.broadcast %reduce_max3A_416 : f32 to vector<16x128xf32>
    %eq3A_418 = arith.cmpf oeq, %select_n3A_404, %eq3A_417 : vector<16x128xf32>
    %jit3A_419 = arith.constant 0xFF800000 : f32
    %broadcast_in_dim3A_420 = vector.broadcast %jit3A_419 : f32 to vector<16x128xf32>
    %select_n3A_421 = arith.select %eq3A_418, %broadcast_in_dim3A_420, %select_n3A_404 : vector<16x128xi1>, vector<16x128xf32>
    %eq3A_422 = arith.constant 24 : i32
    %eq3A_423 = vector.broadcast %eq3A_422 : i32 to vector<64x128xi32>
    %eq3A_424 = arith.cmpi eq, %iota3A, %eq3A_423 : vector<64x128xi32>
    %max3A_425 = arith.constant -3.000000e+38 : f32
    %max3A_426 = arith.maximumf %reduce_max3A_416, %max3A_425 : f32
    %broadcast_in_dim3A_427 = vector.broadcast %max3A_426 : f32 to vector<64x128xf32>
    %select_n3A_428 = arith.select %eq3A_424, %broadcast_in_dim3A_427, %select_n3A_411 : vector<64x128xi1>, vector<64x128xf32>
    %reduce_max3A_429 = vector.shape_cast %select_n3A_421 : vector<16x128xf32> to vector<1x16x128xf32>
    %reduce_max3A_430 = arith.constant dense<0xFF800000> : vector<1xf32>
    %reduce_max3A_431 = vector.multi_reduction <maximumf>, %reduce_max3A_429, %reduce_max3A_430 [1, 2] : vector<1x16x128xf32> to vector<1xf32>
    %reduce_max3A_432 = vector.shape_cast %reduce_max3A_431 : vector<1xf32> to vector<1x1x1xf32>
    %reduce_max3A_433 = vector.extract %reduce_max3A_432[0, 0, 0] : f32 from vector<1x1x1xf32>
    %eq3A_434 = vector.broadcast %reduce_max3A_433 : f32 to vector<16x128xf32>
    %eq3A_435 = arith.cmpf oeq, %select_n3A_421, %eq3A_434 : vector<16x128xf32>
    %jit3A_436 = arith.constant 0xFF800000 : f32
    %broadcast_in_dim3A_437 = vector.broadcast %jit3A_436 : f32 to vector<16x128xf32>
    %select_n3A_438 = arith.select %eq3A_435, %broadcast_in_dim3A_437, %select_n3A_421 : vector<16x128xi1>, vector<16x128xf32>
    %eq3A_439 = arith.constant 25 : i32
    %eq3A_440 = vector.broadcast %eq3A_439 : i32 to vector<64x128xi32>
    %eq3A_441 = arith.cmpi eq, %iota3A, %eq3A_440 : vector<64x128xi32>
    %max3A_442 = arith.constant -3.000000e+38 : f32
    %max3A_443 = arith.maximumf %reduce_max3A_433, %max3A_442 : f32
    %broadcast_in_dim3A_444 = vector.broadcast %max3A_443 : f32 to vector<64x128xf32>
    %select_n3A_445 = arith.select %eq3A_441, %broadcast_in_dim3A_444, %select_n3A_428 : vector<64x128xi1>, vector<64x128xf32>
    %reduce_max3A_446 = vector.shape_cast %select_n3A_438 : vector<16x128xf32> to vector<1x16x128xf32>
    %reduce_max3A_447 = arith.constant dense<0xFF800000> : vector<1xf32>
    %reduce_max3A_448 = vector.multi_reduction <maximumf>, %reduce_max3A_446, %reduce_max3A_447 [1, 2] : vector<1x16x128xf32> to vector<1xf32>
    %reduce_max3A_449 = vector.shape_cast %reduce_max3A_448 : vector<1xf32> to vector<1x1x1xf32>
    %reduce_max3A_450 = vector.extract %reduce_max3A_449[0, 0, 0] : f32 from vector<1x1x1xf32>
    %eq3A_451 = vector.broadcast %reduce_max3A_450 : f32 to vector<16x128xf32>
    %eq3A_452 = arith.cmpf oeq, %select_n3A_438, %eq3A_451 : vector<16x128xf32>
    %jit3A_453 = arith.constant 0xFF800000 : f32
    %broadcast_in_dim3A_454 = vector.broadcast %jit3A_453 : f32 to vector<16x128xf32>
    %select_n3A_455 = arith.select %eq3A_452, %broadcast_in_dim3A_454, %select_n3A_438 : vector<16x128xi1>, vector<16x128xf32>
    %eq3A_456 = arith.constant 26 : i32
    %eq3A_457 = vector.broadcast %eq3A_456 : i32 to vector<64x128xi32>
    %eq3A_458 = arith.cmpi eq, %iota3A, %eq3A_457 : vector<64x128xi32>
    %max3A_459 = arith.constant -3.000000e+38 : f32
    %max3A_460 = arith.maximumf %reduce_max3A_450, %max3A_459 : f32
    %broadcast_in_dim3A_461 = vector.broadcast %max3A_460 : f32 to vector<64x128xf32>
    %select_n3A_462 = arith.select %eq3A_458, %broadcast_in_dim3A_461, %select_n3A_445 : vector<64x128xi1>, vector<64x128xf32>
    %reduce_max3A_463 = vector.shape_cast %select_n3A_455 : vector<16x128xf32> to vector<1x16x128xf32>
    %reduce_max3A_464 = arith.constant dense<0xFF800000> : vector<1xf32>
    %reduce_max3A_465 = vector.multi_reduction <maximumf>, %reduce_max3A_463, %reduce_max3A_464 [1, 2] : vector<1x16x128xf32> to vector<1xf32>
    %reduce_max3A_466 = vector.shape_cast %reduce_max3A_465 : vector<1xf32> to vector<1x1x1xf32>
    %reduce_max3A_467 = vector.extract %reduce_max3A_466[0, 0, 0] : f32 from vector<1x1x1xf32>
    %eq3A_468 = vector.broadcast %reduce_max3A_467 : f32 to vector<16x128xf32>
    %eq3A_469 = arith.cmpf oeq, %select_n3A_455, %eq3A_468 : vector<16x128xf32>
    %jit3A_470 = arith.constant 0xFF800000 : f32
    %broadcast_in_dim3A_471 = vector.broadcast %jit3A_470 : f32 to vector<16x128xf32>
    %select_n3A_472 = arith.select %eq3A_469, %broadcast_in_dim3A_471, %select_n3A_455 : vector<16x128xi1>, vector<16x128xf32>
    %eq3A_473 = arith.constant 27 : i32
    %eq3A_474 = vector.broadcast %eq3A_473 : i32 to vector<64x128xi32>
    %eq3A_475 = arith.cmpi eq, %iota3A, %eq3A_474 : vector<64x128xi32>
    %max3A_476 = arith.constant -3.000000e+38 : f32
    %max3A_477 = arith.maximumf %reduce_max3A_467, %max3A_476 : f32
    %broadcast_in_dim3A_478 = vector.broadcast %max3A_477 : f32 to vector<64x128xf32>
    %select_n3A_479 = arith.select %eq3A_475, %broadcast_in_dim3A_478, %select_n3A_462 : vector<64x128xi1>, vector<64x128xf32>
    %reduce_max3A_480 = vector.shape_cast %select_n3A_472 : vector<16x128xf32> to vector<1x16x128xf32>
    %reduce_max3A_481 = arith.constant dense<0xFF800000> : vector<1xf32>
    %reduce_max3A_482 = vector.multi_reduction <maximumf>, %reduce_max3A_480, %reduce_max3A_481 [1, 2] : vector<1x16x128xf32> to vector<1xf32>
    %reduce_max3A_483 = vector.shape_cast %reduce_max3A_482 : vector<1xf32> to vector<1x1x1xf32>
    %reduce_max3A_484 = vector.extract %reduce_max3A_483[0, 0, 0] : f32 from vector<1x1x1xf32>
    %eq3A_485 = vector.broadcast %reduce_max3A_484 : f32 to vector<16x128xf32>
    %eq3A_486 = arith.cmpf oeq, %select_n3A_472, %eq3A_485 : vector<16x128xf32>
    %jit3A_487 = arith.constant 0xFF800000 : f32
    %broadcast_in_dim3A_488 = vector.broadcast %jit3A_487 : f32 to vector<16x128xf32>
    %select_n3A_489 = arith.select %eq3A_486, %broadcast_in_dim3A_488, %select_n3A_472 : vector<16x128xi1>, vector<16x128xf32>
    %eq3A_490 = arith.constant 28 : i32
    %eq3A_491 = vector.broadcast %eq3A_490 : i32 to vector<64x128xi32>
    %eq3A_492 = arith.cmpi eq, %iota3A, %eq3A_491 : vector<64x128xi32>
    %max3A_493 = arith.constant -3.000000e+38 : f32
    %max3A_494 = arith.maximumf %reduce_max3A_484, %max3A_493 : f32
    %broadcast_in_dim3A_495 = vector.broadcast %max3A_494 : f32 to vector<64x128xf32>
    %select_n3A_496 = arith.select %eq3A_492, %broadcast_in_dim3A_495, %select_n3A_479 : vector<64x128xi1>, vector<64x128xf32>
    %reduce_max3A_497 = vector.shape_cast %select_n3A_489 : vector<16x128xf32> to vector<1x16x128xf32>
    %reduce_max3A_498 = arith.constant dense<0xFF800000> : vector<1xf32>
    %reduce_max3A_499 = vector.multi_reduction <maximumf>, %reduce_max3A_497, %reduce_max3A_498 [1, 2] : vector<1x16x128xf32> to vector<1xf32>
    %reduce_max3A_500 = vector.shape_cast %reduce_max3A_499 : vector<1xf32> to vector<1x1x1xf32>
    %reduce_max3A_501 = vector.extract %reduce_max3A_500[0, 0, 0] : f32 from vector<1x1x1xf32>
    %eq3A_502 = vector.broadcast %reduce_max3A_501 : f32 to vector<16x128xf32>
    %eq3A_503 = arith.cmpf oeq, %select_n3A_489, %eq3A_502 : vector<16x128xf32>
    %jit3A_504 = arith.constant 0xFF800000 : f32
    %broadcast_in_dim3A_505 = vector.broadcast %jit3A_504 : f32 to vector<16x128xf32>
    %select_n3A_506 = arith.select %eq3A_503, %broadcast_in_dim3A_505, %select_n3A_489 : vector<16x128xi1>, vector<16x128xf32>
    %eq3A_507 = arith.constant 29 : i32
    %eq3A_508 = vector.broadcast %eq3A_507 : i32 to vector<64x128xi32>
    %eq3A_509 = arith.cmpi eq, %iota3A, %eq3A_508 : vector<64x128xi32>
    %max3A_510 = arith.constant -3.000000e+38 : f32
    %max3A_511 = arith.maximumf %reduce_max3A_501, %max3A_510 : f32
    %broadcast_in_dim3A_512 = vector.broadcast %max3A_511 : f32 to vector<64x128xf32>
    %select_n3A_513 = arith.select %eq3A_509, %broadcast_in_dim3A_512, %select_n3A_496 : vector<64x128xi1>, vector<64x128xf32>
    %reduce_max3A_514 = vector.shape_cast %select_n3A_506 : vector<16x128xf32> to vector<1x16x128xf32>
    %reduce_max3A_515 = arith.constant dense<0xFF800000> : vector<1xf32>
    %reduce_max3A_516 = vector.multi_reduction <maximumf>, %reduce_max3A_514, %reduce_max3A_515 [1, 2] : vector<1x16x128xf32> to vector<1xf32>
    %reduce_max3A_517 = vector.shape_cast %reduce_max3A_516 : vector<1xf32> to vector<1x1x1xf32>
    %reduce_max3A_518 = vector.extract %reduce_max3A_517[0, 0, 0] : f32 from vector<1x1x1xf32>
    %eq3A_519 = vector.broadcast %reduce_max3A_518 : f32 to vector<16x128xf32>
    %eq3A_520 = arith.cmpf oeq, %select_n3A_506, %eq3A_519 : vector<16x128xf32>
    %jit3A_521 = arith.constant 0xFF800000 : f32
    %broadcast_in_dim3A_522 = vector.broadcast %jit3A_521 : f32 to vector<16x128xf32>
    %select_n3A_523 = arith.select %eq3A_520, %broadcast_in_dim3A_522, %select_n3A_506 : vector<16x128xi1>, vector<16x128xf32>
    %eq3A_524 = arith.constant 30 : i32
    %eq3A_525 = vector.broadcast %eq3A_524 : i32 to vector<64x128xi32>
    %eq3A_526 = arith.cmpi eq, %iota3A, %eq3A_525 : vector<64x128xi32>
    %max3A_527 = arith.constant -3.000000e+38 : f32
    %max3A_528 = arith.maximumf %reduce_max3A_518, %max3A_527 : f32
    %broadcast_in_dim3A_529 = vector.broadcast %max3A_528 : f32 to vector<64x128xf32>
    %select_n3A_530 = arith.select %eq3A_526, %broadcast_in_dim3A_529, %select_n3A_513 : vector<64x128xi1>, vector<64x128xf32>
    %reduce_max3A_531 = vector.shape_cast %select_n3A_523 : vector<16x128xf32> to vector<1x16x128xf32>
    %reduce_max3A_532 = arith.constant dense<0xFF800000> : vector<1xf32>
    %reduce_max3A_533 = vector.multi_reduction <maximumf>, %reduce_max3A_531, %reduce_max3A_532 [1, 2] : vector<1x16x128xf32> to vector<1xf32>
    %reduce_max3A_534 = vector.shape_cast %reduce_max3A_533 : vector<1xf32> to vector<1x1x1xf32>
    %reduce_max3A_535 = vector.extract %reduce_max3A_534[0, 0, 0] : f32 from vector<1x1x1xf32>
    %eq3A_536 = vector.broadcast %reduce_max3A_535 : f32 to vector<16x128xf32>
    %eq3A_537 = arith.cmpf oeq, %select_n3A_523, %eq3A_536 : vector<16x128xf32>
    %jit3A_538 = arith.constant 0xFF800000 : f32
    %broadcast_in_dim3A_539 = vector.broadcast %jit3A_538 : f32 to vector<16x128xf32>
    %select_n3A_540 = arith.select %eq3A_537, %broadcast_in_dim3A_539, %select_n3A_523 : vector<16x128xi1>, vector<16x128xf32>
    %eq3A_541 = arith.constant 31 : i32
    %eq3A_542 = vector.broadcast %eq3A_541 : i32 to vector<64x128xi32>
    %eq3A_543 = arith.cmpi eq, %iota3A, %eq3A_542 : vector<64x128xi32>
    %max3A_544 = arith.constant -3.000000e+38 : f32
    %max3A_545 = arith.maximumf %reduce_max3A_535, %max3A_544 : f32
    %broadcast_in_dim3A_546 = vector.broadcast %max3A_545 : f32 to vector<64x128xf32>
    %select_n3A_547 = arith.select %eq3A_543, %broadcast_in_dim3A_546, %select_n3A_530 : vector<64x128xi1>, vector<64x128xf32>
    %reduce_max3A_548 = vector.shape_cast %select_n3A_540 : vector<16x128xf32> to vector<1x16x128xf32>
    %reduce_max3A_549 = arith.constant dense<0xFF800000> : vector<1xf32>
    %reduce_max3A_550 = vector.multi_reduction <maximumf>, %reduce_max3A_548, %reduce_max3A_549 [1, 2] : vector<1x16x128xf32> to vector<1xf32>
    %reduce_max3A_551 = vector.shape_cast %reduce_max3A_550 : vector<1xf32> to vector<1x1x1xf32>
    %reduce_max3A_552 = vector.extract %reduce_max3A_551[0, 0, 0] : f32 from vector<1x1x1xf32>
    %eq3A_553 = vector.broadcast %reduce_max3A_552 : f32 to vector<16x128xf32>
    %eq3A_554 = arith.cmpf oeq, %select_n3A_540, %eq3A_553 : vector<16x128xf32>
    %jit3A_555 = arith.constant 0xFF800000 : f32
    %broadcast_in_dim3A_556 = vector.broadcast %jit3A_555 : f32 to vector<16x128xf32>
    %select_n3A_557 = arith.select %eq3A_554, %broadcast_in_dim3A_556, %select_n3A_540 : vector<16x128xi1>, vector<16x128xf32>
    %eq3A_558 = arith.constant 32 : i32
    %eq3A_559 = vector.broadcast %eq3A_558 : i32 to vector<64x128xi32>
    %eq3A_560 = arith.cmpi eq, %iota3A, %eq3A_559 : vector<64x128xi32>
    %max3A_561 = arith.constant -3.000000e+38 : f32
    %max3A_562 = arith.maximumf %reduce_max3A_552, %max3A_561 : f32
    %broadcast_in_dim3A_563 = vector.broadcast %max3A_562 : f32 to vector<64x128xf32>
    %select_n3A_564 = arith.select %eq3A_560, %broadcast_in_dim3A_563, %select_n3A_547 : vector<64x128xi1>, vector<64x128xf32>
    %reduce_max3A_565 = vector.shape_cast %select_n3A_557 : vector<16x128xf32> to vector<1x16x128xf32>
    %reduce_max3A_566 = arith.constant dense<0xFF800000> : vector<1xf32>
    %reduce_max3A_567 = vector.multi_reduction <maximumf>, %reduce_max3A_565, %reduce_max3A_566 [1, 2] : vector<1x16x128xf32> to vector<1xf32>
    %reduce_max3A_568 = vector.shape_cast %reduce_max3A_567 : vector<1xf32> to vector<1x1x1xf32>
    %reduce_max3A_569 = vector.extract %reduce_max3A_568[0, 0, 0] : f32 from vector<1x1x1xf32>
    %eq3A_570 = vector.broadcast %reduce_max3A_569 : f32 to vector<16x128xf32>
    %eq3A_571 = arith.cmpf oeq, %select_n3A_557, %eq3A_570 : vector<16x128xf32>
    %jit3A_572 = arith.constant 0xFF800000 : f32
    %broadcast_in_dim3A_573 = vector.broadcast %jit3A_572 : f32 to vector<16x128xf32>
    %select_n3A_574 = arith.select %eq3A_571, %broadcast_in_dim3A_573, %select_n3A_557 : vector<16x128xi1>, vector<16x128xf32>
    %eq3A_575 = arith.constant 33 : i32
    %eq3A_576 = vector.broadcast %eq3A_575 : i32 to vector<64x128xi32>
    %eq3A_577 = arith.cmpi eq, %iota3A, %eq3A_576 : vector<64x128xi32>
    %max3A_578 = arith.constant -3.000000e+38 : f32
    %max3A_579 = arith.maximumf %reduce_max3A_569, %max3A_578 : f32
    %broadcast_in_dim3A_580 = vector.broadcast %max3A_579 : f32 to vector<64x128xf32>
    %select_n3A_581 = arith.select %eq3A_577, %broadcast_in_dim3A_580, %select_n3A_564 : vector<64x128xi1>, vector<64x128xf32>
    %reduce_max3A_582 = vector.shape_cast %select_n3A_574 : vector<16x128xf32> to vector<1x16x128xf32>
    %reduce_max3A_583 = arith.constant dense<0xFF800000> : vector<1xf32>
    %reduce_max3A_584 = vector.multi_reduction <maximumf>, %reduce_max3A_582, %reduce_max3A_583 [1, 2] : vector<1x16x128xf32> to vector<1xf32>
    %reduce_max3A_585 = vector.shape_cast %reduce_max3A_584 : vector<1xf32> to vector<1x1x1xf32>
    %reduce_max3A_586 = vector.extract %reduce_max3A_585[0, 0, 0] : f32 from vector<1x1x1xf32>
    %eq3A_587 = vector.broadcast %reduce_max3A_586 : f32 to vector<16x128xf32>
    %eq3A_588 = arith.cmpf oeq, %select_n3A_574, %eq3A_587 : vector<16x128xf32>
    %jit3A_589 = arith.constant 0xFF800000 : f32
    %broadcast_in_dim3A_590 = vector.broadcast %jit3A_589 : f32 to vector<16x128xf32>
    %select_n3A_591 = arith.select %eq3A_588, %broadcast_in_dim3A_590, %select_n3A_574 : vector<16x128xi1>, vector<16x128xf32>
    %eq3A_592 = arith.constant 34 : i32
    %eq3A_593 = vector.broadcast %eq3A_592 : i32 to vector<64x128xi32>
    %eq3A_594 = arith.cmpi eq, %iota3A, %eq3A_593 : vector<64x128xi32>
    %max3A_595 = arith.constant -3.000000e+38 : f32
    %max3A_596 = arith.maximumf %reduce_max3A_586, %max3A_595 : f32
    %broadcast_in_dim3A_597 = vector.broadcast %max3A_596 : f32 to vector<64x128xf32>
    %select_n3A_598 = arith.select %eq3A_594, %broadcast_in_dim3A_597, %select_n3A_581 : vector<64x128xi1>, vector<64x128xf32>
    %reduce_max3A_599 = vector.shape_cast %select_n3A_591 : vector<16x128xf32> to vector<1x16x128xf32>
    %reduce_max3A_600 = arith.constant dense<0xFF800000> : vector<1xf32>
    %reduce_max3A_601 = vector.multi_reduction <maximumf>, %reduce_max3A_599, %reduce_max3A_600 [1, 2] : vector<1x16x128xf32> to vector<1xf32>
    %reduce_max3A_602 = vector.shape_cast %reduce_max3A_601 : vector<1xf32> to vector<1x1x1xf32>
    %reduce_max3A_603 = vector.extract %reduce_max3A_602[0, 0, 0] : f32 from vector<1x1x1xf32>
    %eq3A_604 = vector.broadcast %reduce_max3A_603 : f32 to vector<16x128xf32>
    %eq3A_605 = arith.cmpf oeq, %select_n3A_591, %eq3A_604 : vector<16x128xf32>
    %jit3A_606 = arith.constant 0xFF800000 : f32
    %broadcast_in_dim3A_607 = vector.broadcast %jit3A_606 : f32 to vector<16x128xf32>
    %select_n3A_608 = arith.select %eq3A_605, %broadcast_in_dim3A_607, %select_n3A_591 : vector<16x128xi1>, vector<16x128xf32>
    %eq3A_609 = arith.constant 35 : i32
    %eq3A_610 = vector.broadcast %eq3A_609 : i32 to vector<64x128xi32>
    %eq3A_611 = arith.cmpi eq, %iota3A, %eq3A_610 : vector<64x128xi32>
    %max3A_612 = arith.constant -3.000000e+38 : f32
    %max3A_613 = arith.maximumf %reduce_max3A_603, %max3A_612 : f32
    %broadcast_in_dim3A_614 = vector.broadcast %max3A_613 : f32 to vector<64x128xf32>
    %select_n3A_615 = arith.select %eq3A_611, %broadcast_in_dim3A_614, %select_n3A_598 : vector<64x128xi1>, vector<64x128xf32>
    %reduce_max3A_616 = vector.shape_cast %select_n3A_608 : vector<16x128xf32> to vector<1x16x128xf32>
    %reduce_max3A_617 = arith.constant dense<0xFF800000> : vector<1xf32>
    %reduce_max3A_618 = vector.multi_reduction <maximumf>, %reduce_max3A_616, %reduce_max3A_617 [1, 2] : vector<1x16x128xf32> to vector<1xf32>
    %reduce_max3A_619 = vector.shape_cast %reduce_max3A_618 : vector<1xf32> to vector<1x1x1xf32>
    %reduce_max3A_620 = vector.extract %reduce_max3A_619[0, 0, 0] : f32 from vector<1x1x1xf32>
    %eq3A_621 = vector.broadcast %reduce_max3A_620 : f32 to vector<16x128xf32>
    %eq3A_622 = arith.cmpf oeq, %select_n3A_608, %eq3A_621 : vector<16x128xf32>
    %jit3A_623 = arith.constant 0xFF800000 : f32
    %broadcast_in_dim3A_624 = vector.broadcast %jit3A_623 : f32 to vector<16x128xf32>
    %select_n3A_625 = arith.select %eq3A_622, %broadcast_in_dim3A_624, %select_n3A_608 : vector<16x128xi1>, vector<16x128xf32>
    %eq3A_626 = arith.constant 36 : i32
    %eq3A_627 = vector.broadcast %eq3A_626 : i32 to vector<64x128xi32>
    %eq3A_628 = arith.cmpi eq, %iota3A, %eq3A_627 : vector<64x128xi32>
    %max3A_629 = arith.constant -3.000000e+38 : f32
    %max3A_630 = arith.maximumf %reduce_max3A_620, %max3A_629 : f32
    %broadcast_in_dim3A_631 = vector.broadcast %max3A_630 : f32 to vector<64x128xf32>
    %select_n3A_632 = arith.select %eq3A_628, %broadcast_in_dim3A_631, %select_n3A_615 : vector<64x128xi1>, vector<64x128xf32>
    %reduce_max3A_633 = vector.shape_cast %select_n3A_625 : vector<16x128xf32> to vector<1x16x128xf32>
    %reduce_max3A_634 = arith.constant dense<0xFF800000> : vector<1xf32>
    %reduce_max3A_635 = vector.multi_reduction <maximumf>, %reduce_max3A_633, %reduce_max3A_634 [1, 2] : vector<1x16x128xf32> to vector<1xf32>
    %reduce_max3A_636 = vector.shape_cast %reduce_max3A_635 : vector<1xf32> to vector<1x1x1xf32>
    %reduce_max3A_637 = vector.extract %reduce_max3A_636[0, 0, 0] : f32 from vector<1x1x1xf32>
    %eq3A_638 = vector.broadcast %reduce_max3A_637 : f32 to vector<16x128xf32>
    %eq3A_639 = arith.cmpf oeq, %select_n3A_625, %eq3A_638 : vector<16x128xf32>
    %jit3A_640 = arith.constant 0xFF800000 : f32
    %broadcast_in_dim3A_641 = vector.broadcast %jit3A_640 : f32 to vector<16x128xf32>
    %select_n3A_642 = arith.select %eq3A_639, %broadcast_in_dim3A_641, %select_n3A_625 : vector<16x128xi1>, vector<16x128xf32>
    %eq3A_643 = arith.constant 37 : i32
    %eq3A_644 = vector.broadcast %eq3A_643 : i32 to vector<64x128xi32>
    %eq3A_645 = arith.cmpi eq, %iota3A, %eq3A_644 : vector<64x128xi32>
    %max3A_646 = arith.constant -3.000000e+38 : f32
    %max3A_647 = arith.maximumf %reduce_max3A_637, %max3A_646 : f32
    %broadcast_in_dim3A_648 = vector.broadcast %max3A_647 : f32 to vector<64x128xf32>
    %select_n3A_649 = arith.select %eq3A_645, %broadcast_in_dim3A_648, %select_n3A_632 : vector<64x128xi1>, vector<64x128xf32>
    %reduce_max3A_650 = vector.shape_cast %select_n3A_642 : vector<16x128xf32> to vector<1x16x128xf32>
    %reduce_max3A_651 = arith.constant dense<0xFF800000> : vector<1xf32>
    %reduce_max3A_652 = vector.multi_reduction <maximumf>, %reduce_max3A_650, %reduce_max3A_651 [1, 2] : vector<1x16x128xf32> to vector<1xf32>
    %reduce_max3A_653 = vector.shape_cast %reduce_max3A_652 : vector<1xf32> to vector<1x1x1xf32>
    %reduce_max3A_654 = vector.extract %reduce_max3A_653[0, 0, 0] : f32 from vector<1x1x1xf32>
    %eq3A_655 = vector.broadcast %reduce_max3A_654 : f32 to vector<16x128xf32>
    %eq3A_656 = arith.cmpf oeq, %select_n3A_642, %eq3A_655 : vector<16x128xf32>
    %jit3A_657 = arith.constant 0xFF800000 : f32
    %broadcast_in_dim3A_658 = vector.broadcast %jit3A_657 : f32 to vector<16x128xf32>
    %select_n3A_659 = arith.select %eq3A_656, %broadcast_in_dim3A_658, %select_n3A_642 : vector<16x128xi1>, vector<16x128xf32>
    %eq3A_660 = arith.constant 38 : i32
    %eq3A_661 = vector.broadcast %eq3A_660 : i32 to vector<64x128xi32>
    %eq3A_662 = arith.cmpi eq, %iota3A, %eq3A_661 : vector<64x128xi32>
    %max3A_663 = arith.constant -3.000000e+38 : f32
    %max3A_664 = arith.maximumf %reduce_max3A_654, %max3A_663 : f32
    %broadcast_in_dim3A_665 = vector.broadcast %max3A_664 : f32 to vector<64x128xf32>
    %select_n3A_666 = arith.select %eq3A_662, %broadcast_in_dim3A_665, %select_n3A_649 : vector<64x128xi1>, vector<64x128xf32>
    %reduce_max3A_667 = vector.shape_cast %select_n3A_659 : vector<16x128xf32> to vector<1x16x128xf32>
    %reduce_max3A_668 = arith.constant dense<0xFF800000> : vector<1xf32>
    %reduce_max3A_669 = vector.multi_reduction <maximumf>, %reduce_max3A_667, %reduce_max3A_668 [1, 2] : vector<1x16x128xf32> to vector<1xf32>
    %reduce_max3A_670 = vector.shape_cast %reduce_max3A_669 : vector<1xf32> to vector<1x1x1xf32>
    %reduce_max3A_671 = vector.extract %reduce_max3A_670[0, 0, 0] : f32 from vector<1x1x1xf32>
    %eq3A_672 = vector.broadcast %reduce_max3A_671 : f32 to vector<16x128xf32>
    %eq3A_673 = arith.cmpf oeq, %select_n3A_659, %eq3A_672 : vector<16x128xf32>
    %jit3A_674 = arith.constant 0xFF800000 : f32
    %broadcast_in_dim3A_675 = vector.broadcast %jit3A_674 : f32 to vector<16x128xf32>
    %select_n3A_676 = arith.select %eq3A_673, %broadcast_in_dim3A_675, %select_n3A_659 : vector<16x128xi1>, vector<16x128xf32>
    %eq3A_677 = arith.constant 39 : i32
    %eq3A_678 = vector.broadcast %eq3A_677 : i32 to vector<64x128xi32>
    %eq3A_679 = arith.cmpi eq, %iota3A, %eq3A_678 : vector<64x128xi32>
    %max3A_680 = arith.constant -3.000000e+38 : f32
    %max3A_681 = arith.maximumf %reduce_max3A_671, %max3A_680 : f32
    %broadcast_in_dim3A_682 = vector.broadcast %max3A_681 : f32 to vector<64x128xf32>
    %select_n3A_683 = arith.select %eq3A_679, %broadcast_in_dim3A_682, %select_n3A_666 : vector<64x128xi1>, vector<64x128xf32>
    %reduce_max3A_684 = vector.shape_cast %select_n3A_676 : vector<16x128xf32> to vector<1x16x128xf32>
    %reduce_max3A_685 = arith.constant dense<0xFF800000> : vector<1xf32>
    %reduce_max3A_686 = vector.multi_reduction <maximumf>, %reduce_max3A_684, %reduce_max3A_685 [1, 2] : vector<1x16x128xf32> to vector<1xf32>
    %reduce_max3A_687 = vector.shape_cast %reduce_max3A_686 : vector<1xf32> to vector<1x1x1xf32>
    %reduce_max3A_688 = vector.extract %reduce_max3A_687[0, 0, 0] : f32 from vector<1x1x1xf32>
    %eq3A_689 = vector.broadcast %reduce_max3A_688 : f32 to vector<16x128xf32>
    %eq3A_690 = arith.cmpf oeq, %select_n3A_676, %eq3A_689 : vector<16x128xf32>
    %jit3A_691 = arith.constant 0xFF800000 : f32
    %broadcast_in_dim3A_692 = vector.broadcast %jit3A_691 : f32 to vector<16x128xf32>
    %select_n3A_693 = arith.select %eq3A_690, %broadcast_in_dim3A_692, %select_n3A_676 : vector<16x128xi1>, vector<16x128xf32>
    %eq3A_694 = arith.constant 40 : i32
    %eq3A_695 = vector.broadcast %eq3A_694 : i32 to vector<64x128xi32>
    %eq3A_696 = arith.cmpi eq, %iota3A, %eq3A_695 : vector<64x128xi32>
    %max3A_697 = arith.constant -3.000000e+38 : f32
    %max3A_698 = arith.maximumf %reduce_max3A_688, %max3A_697 : f32
    %broadcast_in_dim3A_699 = vector.broadcast %max3A_698 : f32 to vector<64x128xf32>
    %select_n3A_700 = arith.select %eq3A_696, %broadcast_in_dim3A_699, %select_n3A_683 : vector<64x128xi1>, vector<64x128xf32>
    %reduce_max3A_701 = vector.shape_cast %select_n3A_693 : vector<16x128xf32> to vector<1x16x128xf32>
    %reduce_max3A_702 = arith.constant dense<0xFF800000> : vector<1xf32>
    %reduce_max3A_703 = vector.multi_reduction <maximumf>, %reduce_max3A_701, %reduce_max3A_702 [1, 2] : vector<1x16x128xf32> to vector<1xf32>
    %reduce_max3A_704 = vector.shape_cast %reduce_max3A_703 : vector<1xf32> to vector<1x1x1xf32>
    %reduce_max3A_705 = vector.extract %reduce_max3A_704[0, 0, 0] : f32 from vector<1x1x1xf32>
    %eq3A_706 = vector.broadcast %reduce_max3A_705 : f32 to vector<16x128xf32>
    %eq3A_707 = arith.cmpf oeq, %select_n3A_693, %eq3A_706 : vector<16x128xf32>
    %jit3A_708 = arith.constant 0xFF800000 : f32
    %broadcast_in_dim3A_709 = vector.broadcast %jit3A_708 : f32 to vector<16x128xf32>
    %select_n3A_710 = arith.select %eq3A_707, %broadcast_in_dim3A_709, %select_n3A_693 : vector<16x128xi1>, vector<16x128xf32>
    %eq3A_711 = arith.constant 41 : i32
    %eq3A_712 = vector.broadcast %eq3A_711 : i32 to vector<64x128xi32>
    %eq3A_713 = arith.cmpi eq, %iota3A, %eq3A_712 : vector<64x128xi32>
    %max3A_714 = arith.constant -3.000000e+38 : f32
    %max3A_715 = arith.maximumf %reduce_max3A_705, %max3A_714 : f32
    %broadcast_in_dim3A_716 = vector.broadcast %max3A_715 : f32 to vector<64x128xf32>
    %select_n3A_717 = arith.select %eq3A_713, %broadcast_in_dim3A_716, %select_n3A_700 : vector<64x128xi1>, vector<64x128xf32>
    %reduce_max3A_718 = vector.shape_cast %select_n3A_710 : vector<16x128xf32> to vector<1x16x128xf32>
    %reduce_max3A_719 = arith.constant dense<0xFF800000> : vector<1xf32>
    %reduce_max3A_720 = vector.multi_reduction <maximumf>, %reduce_max3A_718, %reduce_max3A_719 [1, 2] : vector<1x16x128xf32> to vector<1xf32>
    %reduce_max3A_721 = vector.shape_cast %reduce_max3A_720 : vector<1xf32> to vector<1x1x1xf32>
    %reduce_max3A_722 = vector.extract %reduce_max3A_721[0, 0, 0] : f32 from vector<1x1x1xf32>
    %eq3A_723 = vector.broadcast %reduce_max3A_722 : f32 to vector<16x128xf32>
    %eq3A_724 = arith.cmpf oeq, %select_n3A_710, %eq3A_723 : vector<16x128xf32>
    %jit3A_725 = arith.constant 0xFF800000 : f32
    %broadcast_in_dim3A_726 = vector.broadcast %jit3A_725 : f32 to vector<16x128xf32>
    %select_n3A_727 = arith.select %eq3A_724, %broadcast_in_dim3A_726, %select_n3A_710 : vector<16x128xi1>, vector<16x128xf32>
    %eq3A_728 = arith.constant 42 : i32
    %eq3A_729 = vector.broadcast %eq3A_728 : i32 to vector<64x128xi32>
    %eq3A_730 = arith.cmpi eq, %iota3A, %eq3A_729 : vector<64x128xi32>
    %max3A_731 = arith.constant -3.000000e+38 : f32
    %max3A_732 = arith.maximumf %reduce_max3A_722, %max3A_731 : f32
    %broadcast_in_dim3A_733 = vector.broadcast %max3A_732 : f32 to vector<64x128xf32>
    %select_n3A_734 = arith.select %eq3A_730, %broadcast_in_dim3A_733, %select_n3A_717 : vector<64x128xi1>, vector<64x128xf32>
    %reduce_max3A_735 = vector.shape_cast %select_n3A_727 : vector<16x128xf32> to vector<1x16x128xf32>
    %reduce_max3A_736 = arith.constant dense<0xFF800000> : vector<1xf32>
    %reduce_max3A_737 = vector.multi_reduction <maximumf>, %reduce_max3A_735, %reduce_max3A_736 [1, 2] : vector<1x16x128xf32> to vector<1xf32>
    %reduce_max3A_738 = vector.shape_cast %reduce_max3A_737 : vector<1xf32> to vector<1x1x1xf32>
    %reduce_max3A_739 = vector.extract %reduce_max3A_738[0, 0, 0] : f32 from vector<1x1x1xf32>
    %eq3A_740 = vector.broadcast %reduce_max3A_739 : f32 to vector<16x128xf32>
    %eq3A_741 = arith.cmpf oeq, %select_n3A_727, %eq3A_740 : vector<16x128xf32>
    %jit3A_742 = arith.constant 0xFF800000 : f32
    %broadcast_in_dim3A_743 = vector.broadcast %jit3A_742 : f32 to vector<16x128xf32>
    %select_n3A_744 = arith.select %eq3A_741, %broadcast_in_dim3A_743, %select_n3A_727 : vector<16x128xi1>, vector<16x128xf32>
    %eq3A_745 = arith.constant 43 : i32
    %eq3A_746 = vector.broadcast %eq3A_745 : i32 to vector<64x128xi32>
    %eq3A_747 = arith.cmpi eq, %iota3A, %eq3A_746 : vector<64x128xi32>
    %max3A_748 = arith.constant -3.000000e+38 : f32
    %max3A_749 = arith.maximumf %reduce_max3A_739, %max3A_748 : f32
    %broadcast_in_dim3A_750 = vector.broadcast %max3A_749 : f32 to vector<64x128xf32>
    %select_n3A_751 = arith.select %eq3A_747, %broadcast_in_dim3A_750, %select_n3A_734 : vector<64x128xi1>, vector<64x128xf32>
    %reduce_max3A_752 = vector.shape_cast %select_n3A_744 : vector<16x128xf32> to vector<1x16x128xf32>
    %reduce_max3A_753 = arith.constant dense<0xFF800000> : vector<1xf32>
    %reduce_max3A_754 = vector.multi_reduction <maximumf>, %reduce_max3A_752, %reduce_max3A_753 [1, 2] : vector<1x16x128xf32> to vector<1xf32>
    %reduce_max3A_755 = vector.shape_cast %reduce_max3A_754 : vector<1xf32> to vector<1x1x1xf32>
    %reduce_max3A_756 = vector.extract %reduce_max3A_755[0, 0, 0] : f32 from vector<1x1x1xf32>
    %eq3A_757 = vector.broadcast %reduce_max3A_756 : f32 to vector<16x128xf32>
    %eq3A_758 = arith.cmpf oeq, %select_n3A_744, %eq3A_757 : vector<16x128xf32>
    %jit3A_759 = arith.constant 0xFF800000 : f32
    %broadcast_in_dim3A_760 = vector.broadcast %jit3A_759 : f32 to vector<16x128xf32>
    %select_n3A_761 = arith.select %eq3A_758, %broadcast_in_dim3A_760, %select_n3A_744 : vector<16x128xi1>, vector<16x128xf32>
    %eq3A_762 = arith.constant 44 : i32
    %eq3A_763 = vector.broadcast %eq3A_762 : i32 to vector<64x128xi32>
    %eq3A_764 = arith.cmpi eq, %iota3A, %eq3A_763 : vector<64x128xi32>
    %max3A_765 = arith.constant -3.000000e+38 : f32
    %max3A_766 = arith.maximumf %reduce_max3A_756, %max3A_765 : f32
    %broadcast_in_dim3A_767 = vector.broadcast %max3A_766 : f32 to vector<64x128xf32>
    %select_n3A_768 = arith.select %eq3A_764, %broadcast_in_dim3A_767, %select_n3A_751 : vector<64x128xi1>, vector<64x128xf32>
    %reduce_max3A_769 = vector.shape_cast %select_n3A_761 : vector<16x128xf32> to vector<1x16x128xf32>
    %reduce_max3A_770 = arith.constant dense<0xFF800000> : vector<1xf32>
    %reduce_max3A_771 = vector.multi_reduction <maximumf>, %reduce_max3A_769, %reduce_max3A_770 [1, 2] : vector<1x16x128xf32> to vector<1xf32>
    %reduce_max3A_772 = vector.shape_cast %reduce_max3A_771 : vector<1xf32> to vector<1x1x1xf32>
    %reduce_max3A_773 = vector.extract %reduce_max3A_772[0, 0, 0] : f32 from vector<1x1x1xf32>
    %eq3A_774 = vector.broadcast %reduce_max3A_773 : f32 to vector<16x128xf32>
    %eq3A_775 = arith.cmpf oeq, %select_n3A_761, %eq3A_774 : vector<16x128xf32>
    %jit3A_776 = arith.constant 0xFF800000 : f32
    %broadcast_in_dim3A_777 = vector.broadcast %jit3A_776 : f32 to vector<16x128xf32>
    %select_n3A_778 = arith.select %eq3A_775, %broadcast_in_dim3A_777, %select_n3A_761 : vector<16x128xi1>, vector<16x128xf32>
    %eq3A_779 = arith.constant 45 : i32
    %eq3A_780 = vector.broadcast %eq3A_779 : i32 to vector<64x128xi32>
    %eq3A_781 = arith.cmpi eq, %iota3A, %eq3A_780 : vector<64x128xi32>
    %max3A_782 = arith.constant -3.000000e+38 : f32
    %max3A_783 = arith.maximumf %reduce_max3A_773, %max3A_782 : f32
    %broadcast_in_dim3A_784 = vector.broadcast %max3A_783 : f32 to vector<64x128xf32>
    %select_n3A_785 = arith.select %eq3A_781, %broadcast_in_dim3A_784, %select_n3A_768 : vector<64x128xi1>, vector<64x128xf32>
    %reduce_max3A_786 = vector.shape_cast %select_n3A_778 : vector<16x128xf32> to vector<1x16x128xf32>
    %reduce_max3A_787 = arith.constant dense<0xFF800000> : vector<1xf32>
    %reduce_max3A_788 = vector.multi_reduction <maximumf>, %reduce_max3A_786, %reduce_max3A_787 [1, 2] : vector<1x16x128xf32> to vector<1xf32>
    %reduce_max3A_789 = vector.shape_cast %reduce_max3A_788 : vector<1xf32> to vector<1x1x1xf32>
    %reduce_max3A_790 = vector.extract %reduce_max3A_789[0, 0, 0] : f32 from vector<1x1x1xf32>
    %eq3A_791 = vector.broadcast %reduce_max3A_790 : f32 to vector<16x128xf32>
    %eq3A_792 = arith.cmpf oeq, %select_n3A_778, %eq3A_791 : vector<16x128xf32>
    %jit3A_793 = arith.constant 0xFF800000 : f32
    %broadcast_in_dim3A_794 = vector.broadcast %jit3A_793 : f32 to vector<16x128xf32>
    %select_n3A_795 = arith.select %eq3A_792, %broadcast_in_dim3A_794, %select_n3A_778 : vector<16x128xi1>, vector<16x128xf32>
    %eq3A_796 = arith.constant 46 : i32
    %eq3A_797 = vector.broadcast %eq3A_796 : i32 to vector<64x128xi32>
    %eq3A_798 = arith.cmpi eq, %iota3A, %eq3A_797 : vector<64x128xi32>
    %max3A_799 = arith.constant -3.000000e+38 : f32
    %max3A_800 = arith.maximumf %reduce_max3A_790, %max3A_799 : f32
    %broadcast_in_dim3A_801 = vector.broadcast %max3A_800 : f32 to vector<64x128xf32>
    %select_n3A_802 = arith.select %eq3A_798, %broadcast_in_dim3A_801, %select_n3A_785 : vector<64x128xi1>, vector<64x128xf32>
    %reduce_max3A_803 = vector.shape_cast %select_n3A_795 : vector<16x128xf32> to vector<1x16x128xf32>
    %reduce_max3A_804 = arith.constant dense<0xFF800000> : vector<1xf32>
    %reduce_max3A_805 = vector.multi_reduction <maximumf>, %reduce_max3A_803, %reduce_max3A_804 [1, 2] : vector<1x16x128xf32> to vector<1xf32>
    %reduce_max3A_806 = vector.shape_cast %reduce_max3A_805 : vector<1xf32> to vector<1x1x1xf32>
    %reduce_max3A_807 = vector.extract %reduce_max3A_806[0, 0, 0] : f32 from vector<1x1x1xf32>
    %eq3A_808 = vector.broadcast %reduce_max3A_807 : f32 to vector<16x128xf32>
    %eq3A_809 = arith.cmpf oeq, %select_n3A_795, %eq3A_808 : vector<16x128xf32>
    %jit3A_810 = arith.constant 0xFF800000 : f32
    %broadcast_in_dim3A_811 = vector.broadcast %jit3A_810 : f32 to vector<16x128xf32>
    %select_n3A_812 = arith.select %eq3A_809, %broadcast_in_dim3A_811, %select_n3A_795 : vector<16x128xi1>, vector<16x128xf32>
    %eq3A_813 = arith.constant 47 : i32
    %eq3A_814 = vector.broadcast %eq3A_813 : i32 to vector<64x128xi32>
    %eq3A_815 = arith.cmpi eq, %iota3A, %eq3A_814 : vector<64x128xi32>
    %max3A_816 = arith.constant -3.000000e+38 : f32
    %max3A_817 = arith.maximumf %reduce_max3A_807, %max3A_816 : f32
    %broadcast_in_dim3A_818 = vector.broadcast %max3A_817 : f32 to vector<64x128xf32>
    %select_n3A_819 = arith.select %eq3A_815, %broadcast_in_dim3A_818, %select_n3A_802 : vector<64x128xi1>, vector<64x128xf32>
    %reduce_max3A_820 = vector.shape_cast %select_n3A_812 : vector<16x128xf32> to vector<1x16x128xf32>
    %reduce_max3A_821 = arith.constant dense<0xFF800000> : vector<1xf32>
    %reduce_max3A_822 = vector.multi_reduction <maximumf>, %reduce_max3A_820, %reduce_max3A_821 [1, 2] : vector<1x16x128xf32> to vector<1xf32>
    %reduce_max3A_823 = vector.shape_cast %reduce_max3A_822 : vector<1xf32> to vector<1x1x1xf32>
    %reduce_max3A_824 = vector.extract %reduce_max3A_823[0, 0, 0] : f32 from vector<1x1x1xf32>
    %eq3A_825 = vector.broadcast %reduce_max3A_824 : f32 to vector<16x128xf32>
    %eq3A_826 = arith.cmpf oeq, %select_n3A_812, %eq3A_825 : vector<16x128xf32>
    %jit3A_827 = arith.constant 0xFF800000 : f32
    %broadcast_in_dim3A_828 = vector.broadcast %jit3A_827 : f32 to vector<16x128xf32>
    %select_n3A_829 = arith.select %eq3A_826, %broadcast_in_dim3A_828, %select_n3A_812 : vector<16x128xi1>, vector<16x128xf32>
    %eq3A_830 = arith.constant 48 : i32
    %eq3A_831 = vector.broadcast %eq3A_830 : i32 to vector<64x128xi32>
    %eq3A_832 = arith.cmpi eq, %iota3A, %eq3A_831 : vector<64x128xi32>
    %max3A_833 = arith.constant -3.000000e+38 : f32
    %max3A_834 = arith.maximumf %reduce_max3A_824, %max3A_833 : f32
    %broadcast_in_dim3A_835 = vector.broadcast %max3A_834 : f32 to vector<64x128xf32>
    %select_n3A_836 = arith.select %eq3A_832, %broadcast_in_dim3A_835, %select_n3A_819 : vector<64x128xi1>, vector<64x128xf32>
    %reduce_max3A_837 = vector.shape_cast %select_n3A_829 : vector<16x128xf32> to vector<1x16x128xf32>
    %reduce_max3A_838 = arith.constant dense<0xFF800000> : vector<1xf32>
    %reduce_max3A_839 = vector.multi_reduction <maximumf>, %reduce_max3A_837, %reduce_max3A_838 [1, 2] : vector<1x16x128xf32> to vector<1xf32>
    %reduce_max3A_840 = vector.shape_cast %reduce_max3A_839 : vector<1xf32> to vector<1x1x1xf32>
    %reduce_max3A_841 = vector.extract %reduce_max3A_840[0, 0, 0] : f32 from vector<1x1x1xf32>
    %eq3A_842 = arith.constant 49 : i32
    %eq3A_843 = vector.broadcast %eq3A_842 : i32 to vector<64x128xi32>
    %eq3A_844 = arith.cmpi eq, %iota3A, %eq3A_843 : vector<64x128xi32>
    %max3A_845 = arith.constant -3.000000e+38 : f32
    %max3A_846 = arith.maximumf %reduce_max3A_841, %max3A_845 : f32
    %broadcast_in_dim3A_847 = vector.broadcast %max3A_846 : f32 to vector<64x128xf32>
    %select_n3A_848 = arith.select %eq3A_844, %broadcast_in_dim3A_847, %select_n3A_836 : vector<64x128xi1>, vector<64x128xf32>
    %broadcast_in_dim3A_849 = arith.constant 0.000000e+00 : f32
    %broadcast_in_dim3A_850 = vector.broadcast %broadcast_in_dim3A_849 : f32 to vector<64x128xf32>
    %slice3A = vector.extract_strided_slice %get3A_1 {offsets = [0, 0], sizes = [1, 128], strides = [1, 1]} : vector<16x128xf32> to vector<1x128xf32>
    %broadcast_in_dim3A_851 = vector.shape_cast %slice3A : vector<1x128xf32> to vector<1x128xf32>
    %broadcast_in_dim3A_852 = vector.broadcast %broadcast_in_dim3A_851 : vector<1x128xf32> to vector<64x128xf32>
    %slice3A_853 = vector.extract_strided_slice %get3A_4 {offsets = [0, 0], sizes = [1, 128], strides = [1, 1]} : vector<16x128xf32> to vector<1x128xf32>
    %broadcast_in_dim3A_854 = vector.shape_cast %slice3A_853 : vector<1x128xf32> to vector<1x128xf32>
    %broadcast_in_dim3A_855 = vector.broadcast %broadcast_in_dim3A_854 : vector<1x128xf32> to vector<64x128xf32>
    %eq3A_856 = arith.cmpf oeq, %select_n3A_848, %broadcast_in_dim3A_852 : vector<64x128xf32>
    %jit3A_857 = arith.constant 0.000000e+00 : f32
    %broadcast_in_dim3A_858 = vector.broadcast %jit3A_857 : f32 to vector<64x128xf32>
    %select_n3A_859 = arith.select %eq3A_856, %broadcast_in_dim3A_855, %broadcast_in_dim3A_858 : vector<64x128xi1>, vector<64x128xf32>
    %add3A = arith.addf %broadcast_in_dim3A_850, %select_n3A_859 : vector<64x128xf32>
    %slice3A_860 = vector.extract_strided_slice %get3A_1 {offsets = [1, 0], sizes = [1, 128], strides = [1, 1]} : vector<16x128xf32> to vector<1x128xf32>
    %broadcast_in_dim3A_861 = vector.shape_cast %slice3A_860 : vector<1x128xf32> to vector<1x128xf32>
    %broadcast_in_dim3A_862 = vector.broadcast %broadcast_in_dim3A_861 : vector<1x128xf32> to vector<64x128xf32>
    %slice3A_863 = vector.extract_strided_slice %get3A_4 {offsets = [1, 0], sizes = [1, 128], strides = [1, 1]} : vector<16x128xf32> to vector<1x128xf32>
    %broadcast_in_dim3A_864 = vector.shape_cast %slice3A_863 : vector<1x128xf32> to vector<1x128xf32>
    %broadcast_in_dim3A_865 = vector.broadcast %broadcast_in_dim3A_864 : vector<1x128xf32> to vector<64x128xf32>
    %eq3A_866 = arith.cmpf oeq, %select_n3A_848, %broadcast_in_dim3A_862 : vector<64x128xf32>
    %jit3A_867 = arith.constant 0.000000e+00 : f32
    %broadcast_in_dim3A_868 = vector.broadcast %jit3A_867 : f32 to vector<64x128xf32>
    %select_n3A_869 = arith.select %eq3A_866, %broadcast_in_dim3A_865, %broadcast_in_dim3A_868 : vector<64x128xi1>, vector<64x128xf32>
    %add3A_870 = arith.addf %add3A, %select_n3A_869 : vector<64x128xf32>
    %slice3A_871 = vector.extract_strided_slice %get3A_1 {offsets = [2, 0], sizes = [1, 128], strides = [1, 1]} : vector<16x128xf32> to vector<1x128xf32>
    %broadcast_in_dim3A_872 = vector.shape_cast %slice3A_871 : vector<1x128xf32> to vector<1x128xf32>
    %broadcast_in_dim3A_873 = vector.broadcast %broadcast_in_dim3A_872 : vector<1x128xf32> to vector<64x128xf32>
    %slice3A_874 = vector.extract_strided_slice %get3A_4 {offsets = [2, 0], sizes = [1, 128], strides = [1, 1]} : vector<16x128xf32> to vector<1x128xf32>
    %broadcast_in_dim3A_875 = vector.shape_cast %slice3A_874 : vector<1x128xf32> to vector<1x128xf32>
    %broadcast_in_dim3A_876 = vector.broadcast %broadcast_in_dim3A_875 : vector<1x128xf32> to vector<64x128xf32>
    %eq3A_877 = arith.cmpf oeq, %select_n3A_848, %broadcast_in_dim3A_873 : vector<64x128xf32>
    %jit3A_878 = arith.constant 0.000000e+00 : f32
    %broadcast_in_dim3A_879 = vector.broadcast %jit3A_878 : f32 to vector<64x128xf32>
    %select_n3A_880 = arith.select %eq3A_877, %broadcast_in_dim3A_876, %broadcast_in_dim3A_879 : vector<64x128xi1>, vector<64x128xf32>
    %add3A_881 = arith.addf %add3A_870, %select_n3A_880 : vector<64x128xf32>
    %slice3A_882 = vector.extract_strided_slice %get3A_1 {offsets = [3, 0], sizes = [1, 128], strides = [1, 1]} : vector<16x128xf32> to vector<1x128xf32>
    %broadcast_in_dim3A_883 = vector.shape_cast %slice3A_882 : vector<1x128xf32> to vector<1x128xf32>
    %broadcast_in_dim3A_884 = vector.broadcast %broadcast_in_dim3A_883 : vector<1x128xf32> to vector<64x128xf32>
    %slice3A_885 = vector.extract_strided_slice %get3A_4 {offsets = [3, 0], sizes = [1, 128], strides = [1, 1]} : vector<16x128xf32> to vector<1x128xf32>
    %broadcast_in_dim3A_886 = vector.shape_cast %slice3A_885 : vector<1x128xf32> to vector<1x128xf32>
    %broadcast_in_dim3A_887 = vector.broadcast %broadcast_in_dim3A_886 : vector<1x128xf32> to vector<64x128xf32>
    %eq3A_888 = arith.cmpf oeq, %select_n3A_848, %broadcast_in_dim3A_884 : vector<64x128xf32>
    %jit3A_889 = arith.constant 0.000000e+00 : f32
    %broadcast_in_dim3A_890 = vector.broadcast %jit3A_889 : f32 to vector<64x128xf32>
    %select_n3A_891 = arith.select %eq3A_888, %broadcast_in_dim3A_887, %broadcast_in_dim3A_890 : vector<64x128xi1>, vector<64x128xf32>
    %add3A_892 = arith.addf %add3A_881, %select_n3A_891 : vector<64x128xf32>
    %slice3A_893 = vector.extract_strided_slice %get3A_1 {offsets = [4, 0], sizes = [1, 128], strides = [1, 1]} : vector<16x128xf32> to vector<1x128xf32>
    %broadcast_in_dim3A_894 = vector.shape_cast %slice3A_893 : vector<1x128xf32> to vector<1x128xf32>
    %broadcast_in_dim3A_895 = vector.broadcast %broadcast_in_dim3A_894 : vector<1x128xf32> to vector<64x128xf32>
    %slice3A_896 = vector.extract_strided_slice %get3A_4 {offsets = [4, 0], sizes = [1, 128], strides = [1, 1]} : vector<16x128xf32> to vector<1x128xf32>
    %broadcast_in_dim3A_897 = vector.shape_cast %slice3A_896 : vector<1x128xf32> to vector<1x128xf32>
    %broadcast_in_dim3A_898 = vector.broadcast %broadcast_in_dim3A_897 : vector<1x128xf32> to vector<64x128xf32>
    %eq3A_899 = arith.cmpf oeq, %select_n3A_848, %broadcast_in_dim3A_895 : vector<64x128xf32>
    %jit3A_900 = arith.constant 0.000000e+00 : f32
    %broadcast_in_dim3A_901 = vector.broadcast %jit3A_900 : f32 to vector<64x128xf32>
    %select_n3A_902 = arith.select %eq3A_899, %broadcast_in_dim3A_898, %broadcast_in_dim3A_901 : vector<64x128xi1>, vector<64x128xf32>
    %add3A_903 = arith.addf %add3A_892, %select_n3A_902 : vector<64x128xf32>
    %slice3A_904 = vector.extract_strided_slice %get3A_1 {offsets = [5, 0], sizes = [1, 128], strides = [1, 1]} : vector<16x128xf32> to vector<1x128xf32>
    %broadcast_in_dim3A_905 = vector.shape_cast %slice3A_904 : vector<1x128xf32> to vector<1x128xf32>
    %broadcast_in_dim3A_906 = vector.broadcast %broadcast_in_dim3A_905 : vector<1x128xf32> to vector<64x128xf32>
    %slice3A_907 = vector.extract_strided_slice %get3A_4 {offsets = [5, 0], sizes = [1, 128], strides = [1, 1]} : vector<16x128xf32> to vector<1x128xf32>
    %broadcast_in_dim3A_908 = vector.shape_cast %slice3A_907 : vector<1x128xf32> to vector<1x128xf32>
    %broadcast_in_dim3A_909 = vector.broadcast %broadcast_in_dim3A_908 : vector<1x128xf32> to vector<64x128xf32>
    %eq3A_910 = arith.cmpf oeq, %select_n3A_848, %broadcast_in_dim3A_906 : vector<64x128xf32>
    %jit3A_911 = arith.constant 0.000000e+00 : f32
    %broadcast_in_dim3A_912 = vector.broadcast %jit3A_911 : f32 to vector<64x128xf32>
    %select_n3A_913 = arith.select %eq3A_910, %broadcast_in_dim3A_909, %broadcast_in_dim3A_912 : vector<64x128xi1>, vector<64x128xf32>
    %add3A_914 = arith.addf %add3A_903, %select_n3A_913 : vector<64x128xf32>
    %slice3A_915 = vector.extract_strided_slice %get3A_1 {offsets = [6, 0], sizes = [1, 128], strides = [1, 1]} : vector<16x128xf32> to vector<1x128xf32>
    %broadcast_in_dim3A_916 = vector.shape_cast %slice3A_915 : vector<1x128xf32> to vector<1x128xf32>
    %broadcast_in_dim3A_917 = vector.broadcast %broadcast_in_dim3A_916 : vector<1x128xf32> to vector<64x128xf32>
    %slice3A_918 = vector.extract_strided_slice %get3A_4 {offsets = [6, 0], sizes = [1, 128], strides = [1, 1]} : vector<16x128xf32> to vector<1x128xf32>
    %broadcast_in_dim3A_919 = vector.shape_cast %slice3A_918 : vector<1x128xf32> to vector<1x128xf32>
    %broadcast_in_dim3A_920 = vector.broadcast %broadcast_in_dim3A_919 : vector<1x128xf32> to vector<64x128xf32>
    %eq3A_921 = arith.cmpf oeq, %select_n3A_848, %broadcast_in_dim3A_917 : vector<64x128xf32>
    %jit3A_922 = arith.constant 0.000000e+00 : f32
    %broadcast_in_dim3A_923 = vector.broadcast %jit3A_922 : f32 to vector<64x128xf32>
    %select_n3A_924 = arith.select %eq3A_921, %broadcast_in_dim3A_920, %broadcast_in_dim3A_923 : vector<64x128xi1>, vector<64x128xf32>
    %add3A_925 = arith.addf %add3A_914, %select_n3A_924 : vector<64x128xf32>
    %slice3A_926 = vector.extract_strided_slice %get3A_1 {offsets = [7, 0], sizes = [1, 128], strides = [1, 1]} : vector<16x128xf32> to vector<1x128xf32>
    %broadcast_in_dim3A_927 = vector.shape_cast %slice3A_926 : vector<1x128xf32> to vector<1x128xf32>
    %broadcast_in_dim3A_928 = vector.broadcast %broadcast_in_dim3A_927 : vector<1x128xf32> to vector<64x128xf32>
    %slice3A_929 = vector.extract_strided_slice %get3A_4 {offsets = [7, 0], sizes = [1, 128], strides = [1, 1]} : vector<16x128xf32> to vector<1x128xf32>
    %broadcast_in_dim3A_930 = vector.shape_cast %slice3A_929 : vector<1x128xf32> to vector<1x128xf32>
    %broadcast_in_dim3A_931 = vector.broadcast %broadcast_in_dim3A_930 : vector<1x128xf32> to vector<64x128xf32>
    %eq3A_932 = arith.cmpf oeq, %select_n3A_848, %broadcast_in_dim3A_928 : vector<64x128xf32>
    %jit3A_933 = arith.constant 0.000000e+00 : f32
    %broadcast_in_dim3A_934 = vector.broadcast %jit3A_933 : f32 to vector<64x128xf32>
    %select_n3A_935 = arith.select %eq3A_932, %broadcast_in_dim3A_931, %broadcast_in_dim3A_934 : vector<64x128xi1>, vector<64x128xf32>
    %add3A_936 = arith.addf %add3A_925, %select_n3A_935 : vector<64x128xf32>
    %slice3A_937 = vector.extract_strided_slice %get3A_1 {offsets = [8, 0], sizes = [1, 128], strides = [1, 1]} : vector<16x128xf32> to vector<1x128xf32>
    %broadcast_in_dim3A_938 = vector.shape_cast %slice3A_937 : vector<1x128xf32> to vector<1x128xf32>
    %broadcast_in_dim3A_939 = vector.broadcast %broadcast_in_dim3A_938 : vector<1x128xf32> to vector<64x128xf32>
    %slice3A_940 = vector.extract_strided_slice %get3A_4 {offsets = [8, 0], sizes = [1, 128], strides = [1, 1]} : vector<16x128xf32> to vector<1x128xf32>
    %broadcast_in_dim3A_941 = vector.shape_cast %slice3A_940 : vector<1x128xf32> to vector<1x128xf32>
    %broadcast_in_dim3A_942 = vector.broadcast %broadcast_in_dim3A_941 : vector<1x128xf32> to vector<64x128xf32>
    %eq3A_943 = arith.cmpf oeq, %select_n3A_848, %broadcast_in_dim3A_939 : vector<64x128xf32>
    %jit3A_944 = arith.constant 0.000000e+00 : f32
    %broadcast_in_dim3A_945 = vector.broadcast %jit3A_944 : f32 to vector<64x128xf32>
    %select_n3A_946 = arith.select %eq3A_943, %broadcast_in_dim3A_942, %broadcast_in_dim3A_945 : vector<64x128xi1>, vector<64x128xf32>
    %add3A_947 = arith.addf %add3A_936, %select_n3A_946 : vector<64x128xf32>
    %slice3A_948 = vector.extract_strided_slice %get3A_1 {offsets = [9, 0], sizes = [1, 128], strides = [1, 1]} : vector<16x128xf32> to vector<1x128xf32>
    %broadcast_in_dim3A_949 = vector.shape_cast %slice3A_948 : vector<1x128xf32> to vector<1x128xf32>
    %broadcast_in_dim3A_950 = vector.broadcast %broadcast_in_dim3A_949 : vector<1x128xf32> to vector<64x128xf32>
    %slice3A_951 = vector.extract_strided_slice %get3A_4 {offsets = [9, 0], sizes = [1, 128], strides = [1, 1]} : vector<16x128xf32> to vector<1x128xf32>
    %broadcast_in_dim3A_952 = vector.shape_cast %slice3A_951 : vector<1x128xf32> to vector<1x128xf32>
    %broadcast_in_dim3A_953 = vector.broadcast %broadcast_in_dim3A_952 : vector<1x128xf32> to vector<64x128xf32>
    %eq3A_954 = arith.cmpf oeq, %select_n3A_848, %broadcast_in_dim3A_950 : vector<64x128xf32>
    %jit3A_955 = arith.constant 0.000000e+00 : f32
    %broadcast_in_dim3A_956 = vector.broadcast %jit3A_955 : f32 to vector<64x128xf32>
    %select_n3A_957 = arith.select %eq3A_954, %broadcast_in_dim3A_953, %broadcast_in_dim3A_956 : vector<64x128xi1>, vector<64x128xf32>
    %add3A_958 = arith.addf %add3A_947, %select_n3A_957 : vector<64x128xf32>
    %slice3A_959 = vector.extract_strided_slice %get3A_1 {offsets = [10, 0], sizes = [1, 128], strides = [1, 1]} : vector<16x128xf32> to vector<1x128xf32>
    %broadcast_in_dim3A_960 = vector.shape_cast %slice3A_959 : vector<1x128xf32> to vector<1x128xf32>
    %broadcast_in_dim3A_961 = vector.broadcast %broadcast_in_dim3A_960 : vector<1x128xf32> to vector<64x128xf32>
    %slice3A_962 = vector.extract_strided_slice %get3A_4 {offsets = [10, 0], sizes = [1, 128], strides = [1, 1]} : vector<16x128xf32> to vector<1x128xf32>
    %broadcast_in_dim3A_963 = vector.shape_cast %slice3A_962 : vector<1x128xf32> to vector<1x128xf32>
    %broadcast_in_dim3A_964 = vector.broadcast %broadcast_in_dim3A_963 : vector<1x128xf32> to vector<64x128xf32>
    %eq3A_965 = arith.cmpf oeq, %select_n3A_848, %broadcast_in_dim3A_961 : vector<64x128xf32>
    %jit3A_966 = arith.constant 0.000000e+00 : f32
    %broadcast_in_dim3A_967 = vector.broadcast %jit3A_966 : f32 to vector<64x128xf32>
    %select_n3A_968 = arith.select %eq3A_965, %broadcast_in_dim3A_964, %broadcast_in_dim3A_967 : vector<64x128xi1>, vector<64x128xf32>
    %add3A_969 = arith.addf %add3A_958, %select_n3A_968 : vector<64x128xf32>
    %slice3A_970 = vector.extract_strided_slice %get3A_1 {offsets = [11, 0], sizes = [1, 128], strides = [1, 1]} : vector<16x128xf32> to vector<1x128xf32>
    %broadcast_in_dim3A_971 = vector.shape_cast %slice3A_970 : vector<1x128xf32> to vector<1x128xf32>
    %broadcast_in_dim3A_972 = vector.broadcast %broadcast_in_dim3A_971 : vector<1x128xf32> to vector<64x128xf32>
    %slice3A_973 = vector.extract_strided_slice %get3A_4 {offsets = [11, 0], sizes = [1, 128], strides = [1, 1]} : vector<16x128xf32> to vector<1x128xf32>
    %broadcast_in_dim3A_974 = vector.shape_cast %slice3A_973 : vector<1x128xf32> to vector<1x128xf32>
    %broadcast_in_dim3A_975 = vector.broadcast %broadcast_in_dim3A_974 : vector<1x128xf32> to vector<64x128xf32>
    %eq3A_976 = arith.cmpf oeq, %select_n3A_848, %broadcast_in_dim3A_972 : vector<64x128xf32>
    %jit3A_977 = arith.constant 0.000000e+00 : f32
    %broadcast_in_dim3A_978 = vector.broadcast %jit3A_977 : f32 to vector<64x128xf32>
    %select_n3A_979 = arith.select %eq3A_976, %broadcast_in_dim3A_975, %broadcast_in_dim3A_978 : vector<64x128xi1>, vector<64x128xf32>
    %add3A_980 = arith.addf %add3A_969, %select_n3A_979 : vector<64x128xf32>
    %slice3A_981 = vector.extract_strided_slice %get3A_1 {offsets = [12, 0], sizes = [1, 128], strides = [1, 1]} : vector<16x128xf32> to vector<1x128xf32>
    %broadcast_in_dim3A_982 = vector.shape_cast %slice3A_981 : vector<1x128xf32> to vector<1x128xf32>
    %broadcast_in_dim3A_983 = vector.broadcast %broadcast_in_dim3A_982 : vector<1x128xf32> to vector<64x128xf32>
    %slice3A_984 = vector.extract_strided_slice %get3A_4 {offsets = [12, 0], sizes = [1, 128], strides = [1, 1]} : vector<16x128xf32> to vector<1x128xf32>
    %broadcast_in_dim3A_985 = vector.shape_cast %slice3A_984 : vector<1x128xf32> to vector<1x128xf32>
    %broadcast_in_dim3A_986 = vector.broadcast %broadcast_in_dim3A_985 : vector<1x128xf32> to vector<64x128xf32>
    %eq3A_987 = arith.cmpf oeq, %select_n3A_848, %broadcast_in_dim3A_983 : vector<64x128xf32>
    %jit3A_988 = arith.constant 0.000000e+00 : f32
    %broadcast_in_dim3A_989 = vector.broadcast %jit3A_988 : f32 to vector<64x128xf32>
    %select_n3A_990 = arith.select %eq3A_987, %broadcast_in_dim3A_986, %broadcast_in_dim3A_989 : vector<64x128xi1>, vector<64x128xf32>
    %add3A_991 = arith.addf %add3A_980, %select_n3A_990 : vector<64x128xf32>
    %slice3A_992 = vector.extract_strided_slice %get3A_1 {offsets = [13, 0], sizes = [1, 128], strides = [1, 1]} : vector<16x128xf32> to vector<1x128xf32>
    %broadcast_in_dim3A_993 = vector.shape_cast %slice3A_992 : vector<1x128xf32> to vector<1x128xf32>
    %broadcast_in_dim3A_994 = vector.broadcast %broadcast_in_dim3A_993 : vector<1x128xf32> to vector<64x128xf32>
    %slice3A_995 = vector.extract_strided_slice %get3A_4 {offsets = [13, 0], sizes = [1, 128], strides = [1, 1]} : vector<16x128xf32> to vector<1x128xf32>
    %broadcast_in_dim3A_996 = vector.shape_cast %slice3A_995 : vector<1x128xf32> to vector<1x128xf32>
    %broadcast_in_dim3A_997 = vector.broadcast %broadcast_in_dim3A_996 : vector<1x128xf32> to vector<64x128xf32>
    %eq3A_998 = arith.cmpf oeq, %select_n3A_848, %broadcast_in_dim3A_994 : vector<64x128xf32>
    %jit3A_999 = arith.constant 0.000000e+00 : f32
    %broadcast_in_dim3A_1000 = vector.broadcast %jit3A_999 : f32 to vector<64x128xf32>
    %select_n3A_1001 = arith.select %eq3A_998, %broadcast_in_dim3A_997, %broadcast_in_dim3A_1000 : vector<64x128xi1>, vector<64x128xf32>
    %add3A_1002 = arith.addf %add3A_991, %select_n3A_1001 : vector<64x128xf32>
    %slice3A_1003 = vector.extract_strided_slice %get3A_1 {offsets = [14, 0], sizes = [1, 128], strides = [1, 1]} : vector<16x128xf32> to vector<1x128xf32>
    %broadcast_in_dim3A_1004 = vector.shape_cast %slice3A_1003 : vector<1x128xf32> to vector<1x128xf32>
    %broadcast_in_dim3A_1005 = vector.broadcast %broadcast_in_dim3A_1004 : vector<1x128xf32> to vector<64x128xf32>
    %slice3A_1006 = vector.extract_strided_slice %get3A_4 {offsets = [14, 0], sizes = [1, 128], strides = [1, 1]} : vector<16x128xf32> to vector<1x128xf32>
    %broadcast_in_dim3A_1007 = vector.shape_cast %slice3A_1006 : vector<1x128xf32> to vector<1x128xf32>
    %broadcast_in_dim3A_1008 = vector.broadcast %broadcast_in_dim3A_1007 : vector<1x128xf32> to vector<64x128xf32>
    %eq3A_1009 = arith.cmpf oeq, %select_n3A_848, %broadcast_in_dim3A_1005 : vector<64x128xf32>
    %jit3A_1010 = arith.constant 0.000000e+00 : f32
    %broadcast_in_dim3A_1011 = vector.broadcast %jit3A_1010 : f32 to vector<64x128xf32>
    %select_n3A_1012 = arith.select %eq3A_1009, %broadcast_in_dim3A_1008, %broadcast_in_dim3A_1011 : vector<64x128xi1>, vector<64x128xf32>
    %add3A_1013 = arith.addf %add3A_1002, %select_n3A_1012 : vector<64x128xf32>
    %slice3A_1014 = vector.extract_strided_slice %get3A_1 {offsets = [15, 0], sizes = [1, 128], strides = [1, 1]} : vector<16x128xf32> to vector<1x128xf32>
    %broadcast_in_dim3A_1015 = vector.shape_cast %slice3A_1014 : vector<1x128xf32> to vector<1x128xf32>
    %broadcast_in_dim3A_1016 = vector.broadcast %broadcast_in_dim3A_1015 : vector<1x128xf32> to vector<64x128xf32>
    %slice3A_1017 = vector.extract_strided_slice %get3A_4 {offsets = [15, 0], sizes = [1, 128], strides = [1, 1]} : vector<16x128xf32> to vector<1x128xf32>
    %broadcast_in_dim3A_1018 = vector.shape_cast %slice3A_1017 : vector<1x128xf32> to vector<1x128xf32>
    %broadcast_in_dim3A_1019 = vector.broadcast %broadcast_in_dim3A_1018 : vector<1x128xf32> to vector<64x128xf32>
    %eq3A_1020 = arith.cmpf oeq, %select_n3A_848, %broadcast_in_dim3A_1016 : vector<64x128xf32>
    %jit3A_1021 = arith.constant 0.000000e+00 : f32
    %broadcast_in_dim3A_1022 = vector.broadcast %jit3A_1021 : f32 to vector<64x128xf32>
    %select_n3A_1023 = arith.select %eq3A_1020, %broadcast_in_dim3A_1019, %broadcast_in_dim3A_1022 : vector<64x128xi1>, vector<64x128xf32>
    %add3A_1024 = arith.addf %add3A_1013, %select_n3A_1023 : vector<64x128xf32>
    %broadcast_in_dim3A_1025 = arith.constant 1.000000e+00 : f32
    %broadcast_in_dim3A_1026 = vector.broadcast %broadcast_in_dim3A_1025 : f32 to vector<128x1xf32>
    %dot_general3A = arith.constant dense<0.000000e+00> : vector<64x1xf32>
    %dot_general3A_1027 = tpu.matmul %add3A_1024, %broadcast_in_dim3A_1026, %dot_general3A {dimension_numbers = #tpu.dot_dimension_numbers<[1], [0], [0], [1], [0, 0, 1, 1], [], []>, transpose_lhs_hint = false} : vector<64x128xf32>, vector<128x1xf32>, vector<64x1xf32> -> vector<64x1xf32>
    %iota3A_1028 = tpu.iota {dimensions = array<i32: 0>} : vector<64x64xi32>
    %iota3A_1029 = tpu.iota {dimensions = array<i32: 1>} : vector<64x64xi32>
    %gt3A = arith.cmpi sgt, %iota3A_1028, %iota3A_1029 : vector<64x64xi32>
    %convert_element_type3A = arith.extui %gt3A : vector<64x64xi1> to vector<64x64xi32>
    %convert_element_type3A_1030 = arith.sitofp %convert_element_type3A : vector<64x64xi32> to vector<64x64xf32>
    %dot_general3A_1031 = arith.constant dense<0.000000e+00> : vector<64x1xf32>
    %dot_general3A_1032 = tpu.matmul %convert_element_type3A_1030, %dot_general3A_1027, %dot_general3A_1031 {dimension_numbers = #tpu.dot_dimension_numbers<[1], [0], [0], [1], [0, 0, 1, 1], [], []>, transpose_lhs_hint = false} : vector<64x64xf32>, vector<64x1xf32>, vector<64x1xf32> -> vector<64x1xf32>
    %sub3A = arith.constant 5.000000e+01 : f32
    %sub3A_1033 = vector.broadcast %sub3A : f32 to vector<64x1xf32>
    %sub3A_1034 = arith.subf %sub3A_1033, %dot_general3A_1032 : vector<64x1xf32>
    %max3A_1035 = arith.constant 0.000000e+00 : f32
    %max3A_1036 = vector.broadcast %max3A_1035 : f32 to vector<64x1xf32>
    %max3A_1037 = arith.maximumf %sub3A_1034, %max3A_1036 : vector<64x1xf32>
    %min3A = arith.minimumf %dot_general3A_1027, %max3A_1037 : vector<64x1xf32>
    %broadcast_in_dim3A_1038 = vector.shape_cast %min3A : vector<64x1xf32> to vector<64x1xf32>
    %broadcast_in_dim3A_1039 = vector.broadcast %broadcast_in_dim3A_1038 : vector<64x1xf32> to vector<64x128xf32>
    %iota3A_1040 = tpu.iota {dimensions = array<i32: 0>} : vector<2048x64xi32>
    %jit3A_1041 = arith.constant 32 : i32
    %div3A = vector.broadcast %jit3A_1041 : i32 to vector<2048x64xi32>
    %div3A_1042 = arith.divsi %iota3A_1040, %div3A : vector<2048x64xi32>
    %sign3A = arith.constant 0 : i32
    %sign3A_1043 = vector.broadcast %sign3A : i32 to vector<2048x64xi32>
    %sign3A_1044 = arith.cmpi sgt, %iota3A_1040, %sign3A_1043 : vector<2048x64xi32>
    %sign3A_1045 = arith.extui %sign3A_1044 : vector<2048x64xi1> to vector<2048x64xi32>
    %sign3A_1046 = arith.constant 0 : i32
    %sign3A_1047 = vector.broadcast %sign3A_1046 : i32 to vector<2048x64xi32>
    %sign3A_1048 = arith.cmpi slt, %iota3A_1040, %sign3A_1047 : vector<2048x64xi32>
    %sign3A_1049 = arith.extui %sign3A_1048 : vector<2048x64xi1> to vector<2048x64xi32>
    %sign3A_1050 = arith.subi %sign3A_1045, %sign3A_1049 : vector<2048x64xi32>
    %sign3A_1051 = arith.constant 0 : i32
    %sign3A_1052 = arith.cmpi sgt, %jit3A_1041, %sign3A_1051 : i32
    %sign3A_1053 = arith.extui %sign3A_1052 : i1 to i32
    %sign3A_1054 = arith.constant 0 : i32
    %sign3A_1055 = arith.cmpi slt, %jit3A_1041, %sign3A_1054 : i32
    %sign3A_1056 = arith.extui %sign3A_1055 : i1 to i32
    %sign3A_1057 = arith.subi %sign3A_1053, %sign3A_1056 : i32
    %ne3A = vector.broadcast %sign3A_1057 : i32 to vector<2048x64xi32>
    %ne3A_1058 = arith.cmpi ne, %sign3A_1050, %ne3A : vector<2048x64xi32>
    %rem3A = vector.broadcast %jit3A_1041 : i32 to vector<2048x64xi32>
    %rem3A_1059 = arith.remsi %iota3A_1040, %rem3A : vector<2048x64xi32>
    %ne3A_1060 = arith.constant 0 : i32
    %ne3A_1061 = vector.broadcast %ne3A_1060 : i32 to vector<2048x64xi32>
    %ne3A_1062 = arith.cmpi ne, %rem3A_1059, %ne3A_1061 : vector<2048x64xi32>
    %and3A = arith.andi %ne3A_1058, %ne3A_1062 : vector<2048x64xi1>
    %sub3A_1063 = arith.constant 1 : i32
    %sub3A_1064 = vector.broadcast %sub3A_1063 : i32 to vector<2048x64xi32>
    %sub3A_1065 = arith.subi %div3A_1042, %sub3A_1064 : vector<2048x64xi32>
    %select_n3A_1066 = arith.select %and3A, %sub3A_1065, %div3A_1042 : vector<2048x64xi1>, vector<2048x64xi32>
    %iota3A_1067 = tpu.iota {dimensions = array<i32: 1>} : vector<2048x64xi32>
    %eq3A_1068 = arith.cmpi eq, %select_n3A_1066, %iota3A_1067 : vector<2048x64xi32>
    %convert_element_type3A_1069 = arith.extui %eq3A_1068 : vector<2048x64xi1> to vector<2048x64xi32>
    %convert_element_type3A_1070 = arith.sitofp %convert_element_type3A_1069 : vector<2048x64xi32> to vector<2048x64xf32>
    %iota3A_1071 = tpu.iota {dimensions = array<i32: 0>} : vector<2048x32xi32>
    %jit3A_1072 = arith.constant 32 : i32
    %eq3A_1073 = arith.constant 0 : i32
    %eq3A_1074 = arith.cmpi eq, %jit3A_1072, %eq3A_1073 : i32
    %jit3A_1075 = arith.constant 1 : i32
    %select_n3A_1076 = arith.select %eq3A_1074, %jit3A_1075, %jit3A_1072 : i32
    %rem3A_1077 = vector.broadcast %select_n3A_1076 : i32 to vector<2048x32xi32>
    %rem3A_1078 = arith.remsi %iota3A_1071, %rem3A_1077 : vector<2048x32xi32>
    %ne3A_1079 = arith.constant 0 : i32
    %ne3A_1080 = vector.broadcast %ne3A_1079 : i32 to vector<2048x32xi32>
    %ne3A_1081 = arith.cmpi ne, %rem3A_1078, %ne3A_1080 : vector<2048x32xi32>
    %lt3A = arith.constant 0 : i32
    %lt3A_1082 = vector.broadcast %lt3A : i32 to vector<2048x32xi32>
    %lt3A_1083 = arith.cmpi slt, %rem3A_1078, %lt3A_1082 : vector<2048x32xi32>
    %lt3A_1084 = arith.constant 0 : i32
    %lt3A_1085 = arith.cmpi slt, %select_n3A_1076, %lt3A_1084 : i32
    %ne3A_1086 = vector.broadcast %lt3A_1085 : i1 to vector<2048x32xi1>
    %ne3A_1087 = vector.broadcast %ne3A_1086 : vector<2048x32xi1> to vector<2048x32xi1>
    %ne3A_1088 = arith.xori %lt3A_1083, %ne3A_1087 : vector<2048x32xi1>
    %and3A_1089 = arith.andi %ne3A_1088, %ne3A_1081 : vector<2048x32xi1>
    %add3A_1090 = vector.broadcast %select_n3A_1076 : i32 to vector<2048x32xi32>
    %add3A_1091 = arith.addi %rem3A_1078, %add3A_1090 : vector<2048x32xi32>
    %select_n3A_1092 = arith.select %and3A_1089, %add3A_1091, %rem3A_1078 : vector<2048x32xi1>, vector<2048x32xi32>
    %iota3A_1093 = tpu.iota {dimensions = array<i32: 1>} : vector<2048x32xi32>
    %eq3A_1094 = arith.cmpi eq, %select_n3A_1092, %iota3A_1093 : vector<2048x32xi32>
    %convert_element_type3A_1095 = arith.extui %eq3A_1094 : vector<2048x32xi1> to vector<2048x32xi32>
    %convert_element_type3A_1096 = arith.sitofp %convert_element_type3A_1095 : vector<2048x32xi32> to vector<2048x32xf32>
    %dot_general3A_1097 = arith.constant dense<0.000000e+00> : vector<2048x128xf32>
    %dot_general3A_1098 = tpu.matmul %convert_element_type3A_1070, %select_n3A_848, %dot_general3A_1097 {dimension_numbers = #tpu.dot_dimension_numbers<[1], [0], [0], [1], [0, 0, 1, 1], [], []>, transpose_lhs_hint = false} : vector<2048x64xf32>, vector<64x128xf32>, vector<2048x128xf32> -> vector<2048x128xf32>
    %dot_general3A_1099 = arith.constant dense<0.000000e+00> : vector<2048x128xf32>
    %dot_general3A_1100 = tpu.matmul %convert_element_type3A_1070, %broadcast_in_dim3A_1039, %dot_general3A_1099 {dimension_numbers = #tpu.dot_dimension_numbers<[1], [0], [0], [1], [0, 0, 1, 1], [], []>, transpose_lhs_hint = false} : vector<2048x64xf32>, vector<64x128xf32>, vector<2048x128xf32> -> vector<2048x128xf32>
    %dot_general3A_1101 = arith.constant dense<0.000000e+00> : vector<2048x128xf32>
    %dot_general3A_1102 = tpu.matmul %convert_element_type3A_1096, %get3A_7, %dot_general3A_1101 {dimension_numbers = #tpu.dot_dimension_numbers<[1], [0], [0], [1], [0, 0, 1, 1], [], []>, transpose_lhs_hint = false} : vector<2048x32xf32>, vector<32x128xf32>, vector<2048x128xf32> -> vector<2048x128xf32>
    %sub3A_1103 = arith.subf %dot_general3A_1102, %dot_general3A_1098 : vector<2048x128xf32>
    %logistic3A = arith.negf %sub3A_1103 : vector<2048x128xf32>
    %logistic3A_1104 = math.exp %logistic3A : vector<2048x128xf32>
    %logistic3A_1105 = arith.constant 1.000000e+00 : f32
    %logistic3A_1106 = vector.broadcast %logistic3A_1105 : f32 to vector<2048x128xf32>
    %logistic3A_1107 = arith.addf %logistic3A_1106, %logistic3A_1104 : vector<2048x128xf32>
    %logistic3A_1108 = arith.divf %logistic3A_1106, %logistic3A_1107 : vector<2048x128xf32>
    %jit3A_1109 = arith.constant 9.99999997E-7 : f32
    %jit3A_1110 = arith.constant 0.999998986 : f32
    %max3A_1111 = vector.broadcast %jit3A_1109 : f32 to vector<2048x128xf32>
    %max3A_1112 = arith.maximumf %max3A_1111, %logistic3A_1108 : vector<2048x128xf32>
    %min3A_1113 = vector.broadcast %jit3A_1110 : f32 to vector<2048x128xf32>
    %min3A_1114 = arith.minimumf %min3A_1113, %max3A_1112 : vector<2048x128xf32>
    %log3A = math.log %min3A_1114 : vector<2048x128xf32>
    %neg3A = arith.constant 0.000000e+00 : f32
    %neg3A_1115 = vector.broadcast %neg3A : f32 to vector<2048x128xf32>
    %neg3A_1116 = arith.subf %neg3A_1115, %log3A : vector<2048x128xf32>
    %mul3A = arith.mulf %neg3A_1116, %dot_general3A_1100 : vector<2048x128xf32>
    %reduce_sum3A = vector.shape_cast %mul3A : vector<2048x128xf32> to vector<1x2048x128xf32>
    %reduce_sum3A_1117 = arith.constant dense<0.000000e+00> : vector<1xf32>
    %reduce_sum3A_1118 = vector.multi_reduction <add>, %reduce_sum3A, %reduce_sum3A_1117 [1, 2] : vector<1x2048x128xf32> to vector<1xf32>
    %reduce_sum3A_1119 = vector.shape_cast %reduce_sum3A_1118 : vector<1xf32> to vector<1x1x1xf32>
    %reduce_sum3A_1120 = vector.extract %reduce_sum3A_1119[0, 0, 0] : f32 from vector<1x1x1xf32>
    %div3A_1121 = arith.constant 0x4C800000 : f32
    %div3A_1122 = arith.divf %reduce_sum3A_1120, %div3A_1121 : f32
    %swap3A = arith.constant 0 : index
    %swap3A_1123 = arith.constant 0 : index
    %swap3A_1124 = memref.load %arg3[%swap3A, %swap3A_1123] : memref<1x1xf32, #tpu.memory_space<smem>>
    memref.store %div3A_1122, %arg3[%swap3A, %swap3A_1123] : memref<1x1xf32, #tpu.memory_space<smem>>
    return
  }
}

</mosaic_0001>

<sc_bundles>
// kernel: kernel.4.cloned.1.call-start
scs
__scs_entry_jumppad:
0x0: {  	(pc) =	sbr.rel $0x88, $3  }
0x1: {  	(tag) =	ssettag $0x0;
	lr =	simm.s32 $0x1  }
0x2: {  	[smem:$0x3F9F] =	sst lr;
	_ =	strace $0xD0000000  }
0x3: {  	_ = 	snop  }
0x4: {  	_ = 	snop  }
0x5: {  	_ = 	snop  }
0x6: {  	_ = 	snop  }
0x7: {  	_ = 	snop  }
__scs_overlays_trampoline_lowered:
0x8: {  	[smem:$0x3FAE] =	sst s0  }
0x9: {  	[smem:$0x3FAF] =	sst s1  }
0xa: {  	[smem:$0x3FB0] =	sst s2  }
0xb: {  	[smem:$0x3FB1] =	sst s3  }
0xc: {  	[smem:$0x3FB2] =	sst s4  }
0xd: {  	[smem:$0x3FB3] =	sst s5  }
0xe: {  	[smem:$0x3FB4] =	sst s6  }
0xf: {  	[smem:$0x3FB5] =	sst s7  }
0x10: {  	[smem:$0x3FB6] =	sst s8  }
0x11: {  	[smem:$0x3FB7] =	sst s9;
	s0 =	simm.s32 @!p0 $0x0  }
0x12: {  	s1 =	sld [smem:$0x3F9D];
	s0 =	simm.s32 @p0 $0x1  }
0x13: {  	[smem:$0x3FB8] =	sst s0;
	s0 =	simm.s32 @!p1 $0x0  }
0x14: {  	s2 =	sld [smem:$0x3F9C];
	s0 =	simm.s32 @p1 $0x1  }
0x15: {  	[smem:$0x3FB9] =	sst s0;
	s0 =	simm.s32 @!p2 $0x0  }
0x16: {  	s3 =	sld [smem:$0x3FDB];
	s0 =	simm.s32 @p2 $0x1  }
0x17: {  	s4 =	simm.s32 $0x1BF5;
	[smem:$0x3FBB] =	sst s0  }
0x18: {  	s0 =	sld [smem:$0x3F9E];
	_ =	swait.ge [sflag:s4], $0x0  }
0x19: {  	s7 =	sld [smem:$0x3F9F]  }
0x1a: {  	s8 =	sadd.s32 $0xFFFFE003, lr  }
0x1b: {  	s9 =	sadd.s32 $0xFFFFFEF7, lr;
	s5 =	simm.s32 $0xFFFFFFFF;
	p2 =	slt.u32 s8, $0xFFFFF086  }
0x1c: {  	p1 =	slt.u32 s9, $0xF7A;
	s5 =	simm.s32 @!p2 $0x0  }
0x1d: {  	s5 =	simm.s32 @p1 $0x1;
	p0 =	seq.s32 s7, s2  }
0x1e: {  	s7 =	smul.u32 @!p0 $0xF7A, s2;
	p2 =	seq.s32 @!p0 s5, $0x0  }
0x1f: {  	s9 =	smul.u32 $0xF7A, s1;
	s8 =	simm.s32 @!p0 $0x1BF5;
	p2 =	por !p2, p0  }
0x20: {  	[sflag:s8] =	ssyncset.s32 @!p0 $0xFFFFF086;
	s6 =	sadd.s32 @!p0 s3, s7;
	s7 =	simm.s32 @!p0 $0x108  }
0x21: {  	s3 =	sadd.s32 s3, s9;
	s6 =	sadd.s32 @!p0 $0x88, s6;
	s7 =	simm.s32 @p2 $0x1082  }
0x22: {  	[simem:s7], [sflag:s8] =	dma.local @!p0 [hbm:s6], $0xF7A  }
0x23: {  	s9 =	sor.u32 $0xD0000000, s2;
	s6 =	simm.s32 $0x108;
	_ =	swait.ge @!p0 [sflag:s8], $0x0  }
0x24: {  	s3 =	sadd.s32 $0x88, s3;
	s6 =	simm.s32 @!p1 $0x1082;
	[sflag:s4] =	ssyncset.s32 $0xFFFFF086  }
0x25: {  	[simem:s6], [sflag:s4] =	dma.local [hbm:s3], $0xF7A  }
0x26: {  	[smem:$0x3F9F] =	sst s1;
	(tag) =	ssettag s2;
	_ =	strace s9  }
0x27: {  	s1 =	sld [smem:$0x3FAF]  }
0x28: {  	s2 =	sld [smem:$0x3FB0]  }
0x29: {  	s4 =	sld [smem:$0x3FB2]  }
0x2a: {  	p0 =	seq.s32 s5, $0x0;
	s5 =	sld [smem:$0x3FB3]  }
0x2b: {  	s6 =	sld [smem:$0x3FB4]  }
0x2c: {  	s7 =	sld [smem:$0x3FB5]  }
0x2d: {  	s3 =	simm.s32 $0x108;
	s8 =	sld [smem:$0x3FB6]  }
0x2e: {  	s3 =	simm.s32 @!p0 $0x1082;
	s9 =	sld [smem:$0x3FB7]  }
0x2f: {  	lr =	sadd.s32 s0, s3;
	s0 =	sld [smem:$0x3FAE]  }
0x30: {  	s3 =	sld [smem:$0x3FB1]  }
0x31: {  	[smem:$0x3FBA] =	sst s10  }
0x32: {  	s10 =	sld [smem:$0x3FB8];
	_ =	sdelay $0x3  }
0x33: {  	p0 =	seq.s32 s10, $0x1;
	s10 =	sld [smem:$0x3FBA];
	_ =	sdelay $0x3  }
0x34: {  	[smem:$0x3FBA] =	sst s10  }
0x35: {  	s10 =	sld [smem:$0x3FB9];
	_ =	sdelay $0x3  }
0x36: {  	p1 =	seq.s32 s10, $0x1;
	s10 =	sld [smem:$0x3FBA];
	_ =	sdelay $0x3  }
0x37: {  	[smem:$0x3FBA] =	sst s10  }
0x38: {  	s10 =	sld [smem:$0x3FBB]  }
0x39: {  	_ = 	snop;
	(pc) =	sbr.ind lr, $3  }
0x3a: {  	_ = 	snop  }
0x3b: {  	_ = 	snop  }
0x3c: {  	p2 =	seq.s32 s10, $0x1;
	s10 =	sld [smem:$0x3FBA]  }
0x3d: {  	_ =	shalt  }
0x3e: {  	_ =	shalt  }
0x3f: {  	_ =	shalt  }
0x40: {  	_ =	shalt  }
0x41: {  	_ =	shalt  }
0x42: {  	_ =	shalt  }
0x43: {  	_ =	shalt  }
0x44: {  	_ =	shalt  }
0x45: {  	_ =	shalt  }
0x46: {  	_ =	shalt  }
0x47: {  	_ =	shalt  }
0x48: {  	_ =	shalt  }
0x49: {  	_ =	shalt  }
0x4a: {  	_ =	shalt  }
0x4b: {  	_ =	shalt  }
0x4c: {  	_ =	shalt  }
0x4d: {  	_ =	shalt  }
0x4e: {  	_ =	shalt  }
0x4f: {  	_ =	shalt  }
0x50: {  	_ =	shalt  }
0x51: {  	_ =	shalt  }
0x52: {  	_ =	shalt  }
0x53: {  	_ =	shalt  }
0x54: {  	_ =	shalt  }
0x55: {  	_ =	shalt  }
0x56: {  	_ =	shalt  }
0x57: {  	_ =	shalt  }
0x58: {  	_ =	shalt  }
0x59: {  	_ =	shalt  }
0x5a: {  	_ =	shalt  }
0x5b: {  	_ =	shalt  }
0x5c: {  	_ =	shalt  }
0x5d: {  	_ =	shalt  }
0x5e: {  	_ =	shalt  }
0x5f: {  	_ =	shalt  }
0x60: {  	_ =	shalt  }
0x61: {  	_ =	shalt  }
0x62: {  	_ =	shalt  }
0x63: {  	_ =	shalt  }
0x64: {  	_ =	shalt  }
0x65: {  	_ =	shalt  }
0x66: {  	_ =	shalt  }
0x67: {  	_ =	shalt  }
0x68: {  	_ =	shalt  }
0x69: {  	_ =	shalt  }
0x6a: {  	_ =	shalt  }
0x6b: {  	_ =	shalt  }
0x6c: {  	_ =	shalt  }
0x6d: {  	_ =	shalt  }
0x6e: {  	_ =	shalt  }
0x6f: {  	_ =	shalt  }
0x70: {  	_ =	shalt  }
0x71: {  	_ =	shalt  }
0x72: {  	_ =	shalt  }
0x73: {  	_ =	shalt  }
0x74: {  	_ =	shalt  }
0x75: {  	_ =	shalt  }
0x76: {  	_ =	shalt  }
0x77: {  	_ =	shalt  }
0x78: {  	_ =	shalt  }
0x79: {  	_ =	shalt  }
0x7a: {  	_ =	shalt  }
0x7b: {  	_ =	shalt  }
0x7c: {  	_ =	shalt  }
0x7d: {  	_ =	shalt  }
0x7e: {  	_ =	shalt  }
0x7f: {  	_ =	shalt  }
0x80: {  	_ =	shalt  }
0x81: {  	_ =	shalt  }
0x82: {  	_ =	shalt  }
0x83: {  	_ =	shalt  }
0x84: {  	_ =	shalt  }
0x85: {  	_ =	shalt  }
0x86: {  	_ =	shalt  }
0x87: {  	_ =	shalt  }
.Lfunc_end0:
.L_simem_size_0:
called_computation_lowered:
.L_overlay_start_0:
0x88: {  	s2 =	sld [smem:$0x3FD9]  }
0x89: {  	s3 =	sld [smem:$0x3FFE];
	_ =	sdelay $0x1  }
0x8a: {  	s1 =	srdreg.scid  }
0x8b: {  	s0 =	sand.u32 $0x1, s1  }
0x8c: {  	s17 =	sshll.u32 s0, $0xA;
	s2 =	sadd.s32 s3, s2  }
0x8d: {  	s2 =	sadd.s32 s2, s17  }
0x8e: {  	[smem:$0x3FC6] =	sst s2  }
0x8f: {  	_ = 	snop  }
0x90: {  	s2 =	sld [smem:$0x3FC9];
	(tm) =	ssettm $0x1  }
0x91: {  	s18 =	sld [smem:$0x3FFB];
	_ =	sdelay $0x3  }
0x92: {  	_ =	strace s18  }
0x93: {  	s3 =	sld [smem:$0x3FFC];
	_ =	sdelay $0x3  }
0x94: {  	_ =	strace s3  }
0x95: {  	s3 =	sld [smem:$0x3FFD];
	_ =	sdelay $0x3  }
0x96: {  	_ =	strace s3  }
0x97: {  	_ =	strace $0x8FFFFFFF  }
0x98: {  	s19 =	sld [smem:$0x3FDB];
	_ =	sdelay $0x1  }
0x99: {  	s4 =	simm.s32 $_scs_section_size  }
0x9a: {  	s5 =	simm.s32 $_size__tile_overlayer_lowered;
	s6 =	simm.s32 $_tile_overlayer_lowered  }
0x9b: {  	s22 =	simm.s32 $0x1BFF;
	s21 =	sshll.u32 s6, $0x1;
	s3 =	sadd.s32 s4, s19  }
0x9c: {  	s7 =	simm.s32 $0x0;
	s20 =	sshll.u32 s5, $0x1;
	s5 =	sadd.s32 s21, s3  }
0x9d: {  	[timem:s7], [sflag:s22] =	dma.local [hbm:s5], s20  }
0x9e: {  	_ =	swait.ge [sflag:s22], s20  }
0x9f: {  	s4 =	ssub.s32 $0x0, s20;
	[sflag:s22] =	ssyncset.done $0x0  }
0xa0: {  	[sflag:s22] =	ssyncadd.s32 s4;
	_ =	sdelay $0x1  }
0xa1: {  	s23 =	simm.s32 $0x1B8B  }
0xa2: {  	_ =	swait.ge [sflag:s23], $0x1  }
0xa3: {  	[sflag:s23] =	ssyncset.done $0x0  }
0xa4: {  	s25 =	simm.s32 $0x1B8E;
	s24 =	sld [smem:$0x3FFE];
	[sflag:s23] =	ssyncadd.s32 $0xFFFFFFFF  }
0xa5: {  	s26 =	simm.s32 $execute0_lowered;
	[smem:$0x3FD2] =	sst s25  }
0xa6: {  	s5 =	sshll.u32 s26, $0x1;
	_ =	strace $0x80000046;
	[dreg:$0x1] =	wrdreg $0xFFFFFFFF  }
0xa7: {  	s28 =	simm.s32 $_size_execute0_lowered;
	s3 =	sadd.s32 s3, s5;
	[dreg:$0x0] =	wrdreg $0x0  }
0xa8: {  	s5 =	sshll.u32 s28, $0x1;
	[dreg:$0x2] =	wrdreg s3  }
0xa9: {  	[dreg:$0x3] =	wrdreg s5  }
0xaa: {  	[dreg:$0x4] =	wrdreg $0xC0  }
0xab: {  	_ =	task [dreg:s7], $0x5FFFF  }
0xac: {  	[dreg:$0x1] =	wrdreg $0xFFFFFFFF  }
0xad: {  	[dreg:$0x0] =	wrdreg $0x60  }
0xae: {  	[dreg:$0x2] =	wrdreg s2  }
0xaf: {  	[dreg:$0x3] =	wrdreg s24  }
0xb0: {  	[dreg:$0x4] =	wrdreg $0x9  }
0xb1: {  	_ =	task.clear_ibuf [dreg:s7], $0x5FFFF;
	_ =	strace $0x90000046  }
0xb2: {  	s29 =	simm.s32 $0x9;
	_ =	strace $0x80000048  }
0xb3: {  	_ =	swait.ge [sflag:s29], $0x1  }
0xb4: {  	[sflag:s29] =	ssyncadd.s32 $0xFFFFFFFF  }
0xb5: {  	_ =	strace $0x90000048  }
0xb6: {  	_ =	sfence  }
0xb7: {  	s30 =	sld [smem:$0x0];
	_ =	sdelay $0x2  }
0xb8: {  	s31 =	sshll.u32 s1, $0xD;
	s1 =	sshrl.u32 s1, $0x2  }
0xb9: {  	s3 =	sand.u32 $0x4000, s31;
	s1 =	sadd.s32 s1, s30  }
0xba: {  	s0 =	sor.u32 s3, s0;
	s1 =	sshll.u32 s1, $0x11  }
0xbb: {  	s0 =	sor.u32 s1, s0  }
0xbc: {  	s0 =	sadd.s32 $0x8F2B, s0  }
0xbd: {  	[sflag:s0] =	ssyncadd.remote.s32 $0x1  }
0xbe: {  	_ =	sfence.sel $0xFFFF  }
0xbf: {  	[dreg:$0x0] =	wrdreg $0xFFFFFFFF;
	(pc) =	sbr.abs _section_cstart, $3  }
0xc0: {  	[dreg:$0x1] =	wrdreg $0xFFFFFFFF  }
0xc1: {  	_ =	task.clear_ibuf [dreg:s7], $0x2FFFF;
	_ =	strace $0x9FFFFFFF  }
0xc2: {  	(tm) =	ssettm $0x7FFFFFFF  }
0xc3: {  	_ =	shalt  }
tec
execute0_lowered:
.L_overlay_start_1:
0x0: {  	(tag) =	ssettag $0x1  }
0x1: {  	s3 =	rddreg [dreg:$0x0]  }
0x2: {  	s4 =	rddreg [dreg:$0x1]  }
0x3: {  	s0 =	rddreg [dreg:$0x2]  }
0x4: {  	s5 =	srdreg.scid;
	s1 =	stileid.u32  }
0x5: {  	s2 =	simm.s32 $0x0;
	s9 =	simm.s32 $0x400;
	s10 =	simm.s32 $0x480  }
0x6: {  	s11 =	simm.s32 $0x0;
	s5 =	sand.u32 $0x1, s5;
	s6 =	sshll.u32 s1, $0x1  }
0x7: {  	[smem:$0x7FF] =	sst s2;
	s6 =	sor.u32 s5, s6;
	s5 =	ssub.s32 $0x2, s5  }
0x8: {  	_ =	strace $0x80000047;
	s7 =	sshll.u32 s6, $0x3;
	s8 =	sshrl.u32 s5, $0x1  }
0x9: {  	s31 =	sshll.u32 s6, $0x6;
	s7 =	sadd.s32 s7, s4;
	s8 =	ssub.s32 s5, s8  }
0xa: {  	v0 =	vimm.f32 $1.000000000e+00;
	v1 =	vimm.f32 $-Inf;
	s3 =	sadd.s32 s3, s31;
	s4 =	sadd.s32 $0xE00, s7;
	s5 =	sadd.s32 $0x1000, s7  }
0xb: {  	v2 =	vimm.s32 $0x0;
	v3 =	vlaneseq.u32;
	v4 =	vimm.f32 $0.0e+00;
	s6 =	smax.u32 s8, $0x1;
	s7 =	simm.s32 $0x1;
	s8 =	simm.s32 $0x80000000  }
.LBB2_1:
0xc: {  	[tilespmem:s2], [sflag:$0x1] =	stream.linear.gather [hbm4b:s3+s2], $0x200, $0x38;
	[tilespmem:$0x500] =	vst v63  }
0xd: {  	_ =	swait.ge [sflag:s7], $0x200  }
0xe: {  	[sflag:s7] =	ssyncset.done $0x0  }
0xf: {  	[sflag:s7] =	ssyncadd.s32 $0xFFFFFE00  }
0x10: {  	v5 =	vld [tilespmem:$0x0]  }
0x11: {  	v6 =	vld [tilespmem:$0x10]  }
0x12: {  	v7 =	vld [tilespmem:$0x20]  }
0x13: {  	v8 =	vld [tilespmem:$0x30]  }
0x14: {  	v9 =	vld [tilespmem:$0x40]  }
0x15: {  	v11 =	vld [tilespmem:$0x50];
	v10 =	vshra.s32 v5, $0x1F  }
0x16: {  	v13 =	vld [tilespmem:$0x60];
	v12 =	vshra.s32 v6, $0x1F;
	v10 =	vand.u32 $0x7FFFFFFF, v10  }
0x17: {  	v14 =	vld [tilespmem:$0x70];
	v5 =	vxor.u32 v5, v10;
	v10 =	vand.u32 $0x7FFFFFFF, v12;
	v12 =	vshra.s32 v7, $0x1F  }
0x18: {  	v15 =	vld [tilespmem:$0x80];
	[tilespmem:$0x200] =	vst v5;
	v6 =	vxor.u32 v6, v10;
	v10 =	vand.u32 $0x7FFFFFFF, v12;
	v12 =	vshra.s32 v8, $0x1F  }
0x19: {  	v16 =	vld [tilespmem:$0x90];
	[tilespmem:$0x210] =	vst v6;
	v7 =	vxor.u32 v7, v10;
	v10 =	vand.u32 $0x7FFFFFFF, v12;
	v12 =	vshra.s32 v9, $0x1F  }
0x1a: {  	v17 =	vld [tilespmem:$0xA0];
	[tilespmem:$0x220] =	vst v7;
	v8 =	vxor.u32 v8, v10;
	v10 =	vand.u32 $0x7FFFFFFF, v12;
	v12 =	vshra.s32 v11, $0x1F  }
0x1b: {  	v18 =	vld [tilespmem:$0xB0];
	[tilespmem:$0x230] =	vst v8;
	v9 =	vxor.u32 v9, v10;
	v10 =	vand.u32 $0x7FFFFFFF, v12;
	v12 =	vshra.s32 v13, $0x1F  }
0x1c: {  	v19 =	vld [tilespmem:$0xC0];
	[tilespmem:$0x240] =	vst v9;
	v10 =	vxor.u32 v11, v10;
	v11 =	vand.u32 $0x7FFFFFFF, v12;
	v12 =	vshra.s32 v14, $0x1F  }
0x1d: {  	v20 =	vld [tilespmem:$0xD0];
	[tilespmem:$0x250] =	vst v10;
	v11 =	vxor.u32 v13, v11;
	v12 =	vand.u32 $0x7FFFFFFF, v12;
	v13 =	vshra.s32 v15, $0x1F  }
0x1e: {  	v21 =	vld [tilespmem:$0xE0];
	[tilespmem:$0x260] =	vst v11;
	v12 =	vxor.u32 v14, v12;
	v13 =	vand.u32 $0x7FFFFFFF, v13;
	v14 =	vshra.s32 v16, $0x1F  }
0x1f: {  	v22 =	vld [tilespmem:$0xF0];
	[tilespmem:$0x270] =	vst v12;
	v13 =	vxor.u32 v15, v13;
	v14 =	vand.u32 $0x7FFFFFFF, v14;
	v15 =	vshra.s32 v17, $0x1F  }
0x20: {  	v23 =	vld [tilespmem:$0x100];
	[tilespmem:$0x280] =	vst v13;
	v14 =	vxor.u32 v16, v14;
	v15 =	vand.u32 $0x7FFFFFFF, v15;
	v16 =	vshra.s32 v18, $0x1F  }
0x21: {  	v24 =	vld [tilespmem:$0x110];
	[tilespmem:$0x290] =	vst v14;
	v15 =	vxor.u32 v17, v15;
	v16 =	vand.u32 $0x7FFFFFFF, v16;
	v17 =	vshra.s32 v19, $0x1F  }
0x22: {  	v25 =	vld [tilespmem:$0x120];
	[tilespmem:$0x2A0] =	vst v15;
	v16 =	vxor.u32 v18, v16;
	v17 =	vand.u32 $0x7FFFFFFF, v17;
	v18 =	vshra.s32 v20, $0x1F  }
0x23: {  	v26 =	vld [tilespmem:$0x130];
	[tilespmem:$0x2B0] =	vst v16;
	v17 =	vxor.u32 v19, v17;
	v18 =	vand.u32 $0x7FFFFFFF, v18;
	v19 =	vshra.s32 v21, $0x1F  }
0x24: {  	v27 =	vld [tilespmem:$0x140];
	[tilespmem:$0x2C0] =	vst v17;
	v18 =	vxor.u32 v20, v18;
	v19 =	vand.u32 $0x7FFFFFFF, v19;
	v20 =	vshra.s32 v22, $0x1F  }
0x25: {  	v28 =	vld [tilespmem:$0x150];
	[tilespmem:$0x2D0] =	vst v18;
	v19 =	vxor.u32 v21, v19;
	v20 =	vand.u32 $0x7FFFFFFF, v20;
	v21 =	vshra.s32 v23, $0x1F  }
0x26: {  	v29 =	vld [tilespmem:$0x160];
	[tilespmem:$0x2E0] =	vst v19;
	v20 =	vxor.u32 v22, v20;
	v21 =	vand.u32 $0x7FFFFFFF, v21;
	v22 =	vshra.s32 v24, $0x1F  }
0x27: {  	v30 =	vld [tilespmem:$0x170];
	[tilespmem:$0x2F0] =	vst v20;
	v21 =	vxor.u32 v23, v21;
	v22 =	vand.u32 $0x7FFFFFFF, v22;
	v23 =	vshra.s32 v25, $0x1F  }
0x28: {  	v31 =	vld [tilespmem:$0x180];
	[tilespmem:$0x300] =	vst v21;
	v22 =	vxor.u32 v24, v22;
	v23 =	vand.u32 $0x7FFFFFFF, v23;
	v24 =	vshra.s32 v26, $0x1F  }
0x29: {  	v32 =	vld [tilespmem:$0x190];
	[tilespmem:$0x310] =	vst v22;
	v23 =	vxor.u32 v25, v23;
	v24 =	vand.u32 $0x7FFFFFFF, v24;
	v25 =	vshra.s32 v27, $0x1F  }
0x2a: {  	v33 =	vld [tilespmem:$0x1A0];
	[tilespmem:$0x320] =	vst v23;
	v24 =	vxor.u32 v26, v24;
	v25 =	vand.u32 $0x7FFFFFFF, v25;
	v26 =	vshra.s32 v28, $0x1F  }
0x2b: {  	v34 =	vld [tilespmem:$0x1B0];
	[tilespmem:$0x330] =	vst v24;
	v25 =	vxor.u32 v27, v25;
	v26 =	vand.u32 $0x7FFFFFFF, v26;
	v27 =	vshra.s32 v29, $0x1F  }
0x2c: {  	v35 =	vld [tilespmem:$0x1C0];
	[tilespmem:$0x340] =	vst v25;
	v26 =	vxor.u32 v28, v26;
	v27 =	vand.u32 $0x7FFFFFFF, v27;
	v28 =	vshra.s32 v30, $0x1F  }
0x2d: {  	v36 =	vld [tilespmem:$0x1D0];
	[tilespmem:$0x350] =	vst v26;
	v27 =	vxor.u32 v29, v27;
	v28 =	vand.u32 $0x7FFFFFFF, v28;
	v29 =	vshra.s32 v31, $0x1F  }
0x2e: {  	v37 =	vld [tilespmem:$0x1E0];
	[tilespmem:$0x360] =	vst v27;
	v28 =	vxor.u32 v30, v28;
	v29 =	vand.u32 $0x7FFFFFFF, v29;
	v30 =	vshra.s32 v32, $0x1F  }
0x2f: {  	v38 =	vld [tilespmem:$0x1F0];
	[tilespmem:$0x370] =	vst v28;
	v29 =	vxor.u32 v31, v29;
	v30 =	vand.u32 $0x7FFFFFFF, v30;
	v31 =	vshra.s32 v33, $0x1F  }
0x30: {  	v59 =	vshra.s32 v34, $0x1F;
	[tilespmem:$0x380] =	vst v29;
	v30 =	vxor.u32 v32, v30;
	v31 =	vand.u32 $0x7FFFFFFF, v31  }
0x31: {  	v60 =	vshra.s32 v35, $0x1F;
	v32 =	vand.u32 $0x7FFFFFFF, v59;
	[tilespmem:$0x390] =	vst v30;
	v31 =	vxor.u32 v33, v31  }
0x32: {  	v61 =	vshra.s32 v36, $0x1F;
	v32 =	vxor.u32 v34, v32;
	v33 =	vand.u32 $0x7FFFFFFF, v60;
	[tilespmem:$0x3A0] =	vst v31  }
0x33: {  	v62 =	vshra.s32 v37, $0x1F;
	v34 =	vand.u32 $0x7FFFFFFF, v61;
	[tilespmem:$0x3B0] =	vst v32;
	v33 =	vxor.u32 v35, v33  }
0x34: {  	v63 =	vshra.s32 v38, $0x1F;
	v34 =	vxor.u32 v36, v34;
	v35 =	vand.u32 $0x7FFFFFFF, v62;
	[tilespmem:$0x3C0] =	vst v33  }
0x35: {  	v36 =	vand.u32 $0x7FFFFFFF, v63;
	v35 =	vxor.u32 v37, v35;
	[tilespmem:$0x3D0] =	vst v34  }
0x36: {  	v36 =	vxor.u32 v38, v36;
	[tilespmem:$0x3E0] =	vst v35  }
0x37: {  	s15 =	simm.s32 $0x80000000;
	s13 =	simm.s32 $0x1;
	s12 =	simm.s32 $0x0;
	[tilespmem:$0x3F0] =	vst v36  }
.LBB2_2:
0x38: {  	p0 =	sne.s32 s13, $0x1F;
	s14 =	sor.u32 s15, s12  }
0x39: {  	s15 =	sxor.u32 $0x80000000, s14  }
0x3a: {  	vm0 =	vlt.s32 v5, s15;
	vm1 =	vlt.s32 v6, s15  }
0x3b: {  	v37 =	vsel vm0, $0x0, v0;
	v38 =	vsel vm1, $0x0, v0  }
0x3c: {  	vm0 =	vlt.s32 v7, s15;
	v37 =	vadd.f32 v38, v37  }
0x3d: {  	v38 =	vsel vm0, $0x0, v0  }
0x3e: {  	vm0 =	vlt.s32 v8, s15;
	v37 =	vadd.f32 v37, v38  }
0x3f: {  	v38 =	vsel vm0, $0x0, v0  }
0x40: {  	vm0 =	vlt.s32 v9, s15;
	v37 =	vadd.f32 v37, v38  }
0x41: {  	v38 =	vsel vm0, $0x0, v0  }
0x42: {  	vm0 =	vlt.s32 v10, s15;
	v37 =	vadd.f32 v37, v38  }
0x43: {  	v38 =	vsel vm0, $0x0, v0  }
0x44: {  	vm0 =	vlt.s32 v11, s15;
	v37 =	vadd.f32 v37, v38  }
0x45: {  	v38 =	vsel vm0, $0x0, v0  }
0x46: {  	vm0 =	vlt.s32 v12, s15;
	v37 =	vadd.f32 v37, v38  }
0x47: {  	v38 =	vsel vm0, $0x0, v0  }
0x48: {  	vm0 =	vlt.s32 v13, s15;
	v37 =	vadd.f32 v37, v38  }
0x49: {  	v38 =	vsel vm0, $0x0, v0  }
0x4a: {  	vm0 =	vlt.s32 v14, s15;
	v37 =	vadd.f32 v37, v38  }
0x4b: {  	v38 =	vsel vm0, $0x0, v0  }
0x4c: {  	vm0 =	vlt.s32 v15, s15;
	v37 =	vadd.f32 v37, v38  }
0x4d: {  	v38 =	vsel vm0, $0x0, v0  }
0x4e: {  	vm0 =	vlt.s32 v16, s15;
	v37 =	vadd.f32 v37, v38  }
0x4f: {  	v38 =	vsel vm0, $0x0, v0  }
0x50: {  	vm0 =	vlt.s32 v17, s15;
	v37 =	vadd.f32 v37, v38  }
0x51: {  	v38 =	vsel vm0, $0x0, v0  }
0x52: {  	vm0 =	vlt.s32 v18, s15;
	v37 =	vadd.f32 v37, v38  }
0x53: {  	v38 =	vsel vm0, $0x0, v0  }
0x54: {  	vm0 =	vlt.s32 v19, s15;
	v37 =	vadd.f32 v37, v38  }
0x55: {  	v38 =	vsel vm0, $0x0, v0  }
0x56: {  	vm0 =	vlt.s32 v20, s15;
	v37 =	vadd.f32 v37, v38  }
0x57: {  	v38 =	vsel vm0, $0x0, v0  }
0x58: {  	vm0 =	vlt.s32 v21, s15;
	v37 =	vadd.f32 v37, v38  }
0x59: {  	v38 =	vsel vm0, $0x0, v0  }
0x5a: {  	vm0 =	vlt.s32 v22, s15;
	v37 =	vadd.f32 v37, v38  }
0x5b: {  	v38 =	vsel vm0, $0x0, v0  }
0x5c: {  	vm0 =	vlt.s32 v23, s15;
	v37 =	vadd.f32 v37, v38  }
0x5d: {  	v38 =	vsel vm0, $0x0, v0  }
0x5e: {  	vm0 =	vlt.s32 v24, s15;
	v37 =	vadd.f32 v37, v38  }
0x5f: {  	v38 =	vsel vm0, $0x0, v0  }
0x60: {  	vm0 =	vlt.s32 v25, s15;
	v37 =	vadd.f32 v37, v38  }
0x61: {  	v38 =	vsel vm0, $0x0, v0  }
0x62: {  	vm0 =	vlt.s32 v26, s15;
	v37 =	vadd.f32 v37, v38  }
0x63: {  	v38 =	vsel vm0, $0x0, v0  }
0x64: {  	vm0 =	vlt.s32 v27, s15;
	v37 =	vadd.f32 v37, v38  }
0x65: {  	v38 =	vsel vm0, $0x0, v0  }
0x66: {  	vm0 =	vlt.s32 v28, s15;
	v37 =	vadd.f32 v37, v38  }
0x67: {  	v38 =	vsel vm0, $0x0, v0  }
0x68: {  	vm0 =	vlt.s32 v29, s15;
	v37 =	vadd.f32 v37, v38  }
0x69: {  	v38 =	vsel vm0, $0x0, v0  }
0x6a: {  	vm0 =	vlt.s32 v30, s15;
	v37 =	vadd.f32 v37, v38  }
0x6b: {  	v38 =	vsel vm0, $0x0, v0  }
0x6c: {  	vm0 =	vlt.s32 v31, s15;
	v37 =	vadd.f32 v37, v38  }
0x6d: {  	v38 =	vsel vm0, $0x0, v0  }
0x6e: {  	vm0 =	vlt.s32 v32, s15;
	v37 =	vadd.f32 v37, v38  }
0x6f: {  	v38 =	vsel vm0, $0x0, v0  }
0x70: {  	vm0 =	vlt.s32 v33, s15;
	v37 =	vadd.f32 v37, v38  }
0x71: {  	v38 =	vsel vm0, $0x0, v0  }
0x72: {  	vm0 =	vlt.s32 v34, s15;
	v37 =	vadd.f32 v37, v38  }
0x73: {  	v38 =	vsel vm0, $0x0, v0  }
0x74: {  	vm0 =	vlt.s32 v35, s15;
	v37 =	vadd.f32 v37, v38  }
0x75: {  	v38 =	vsel vm0, $0x0, v0  }
0x76: {  	vm0 =	vlt.s32 v36, s15;
	v37 =	vadd.f32 v37, v38  }
0x77: {  	v38 =	vsel vm0, $0x0, v0  }
0x78: {  	v37 =	vadd.f32 v37, v38;
	_ =	sdelay $0x1  }
0x79: {  	(xrf2) =	vadd.scan.msk.f32 $0xffff, v37;
	_ =	sdelay $0x9  }
0x7a: {  	v37, _, _ =	vpop (xrf2)  }
0x7b: {  	(v2sf) =	vpush v37, $0xF;
	_ =	sdelay $0xd  }
.Ltmp0:
0x7c: {  	(pc) =	sbr.rel @p0 .LBB2_2-.Ltmp0, $3  }
0x7d: {  	s15 =	spop (v2sf)  }
0x7e: {  	p1 =	sge.f32 s15, $5.000000000e+01;
	_ =	sdelay $0x1  }
0x7f: {  	s15 =	sshrl.u32 s8, s13;
	s13 =	sadd.s32 $0x1, s13;
	s12 =	smov.u32 @p1 s14  }
0x80: {  	s13 =	sor.u32 s15, s12  }
0x81: {  	s14 =	sxor.u32 $0x80000000, s13  }
0x82: {  	vm0 =	vlt.s32 v5, s14;
	vm1 =	vlt.s32 v6, s14  }
0x83: {  	v5 =	vsel vm0, $0x0, v0;
	v6 =	vsel vm1, $0x0, v0  }
0x84: {  	vm9 =	vlt.s32 v7, s14;
	v5 =	vadd.f32 v6, v5  }
0x85: {  	v6 =	vsel vm9, $0x0, v0  }
0x86: {  	vm10 =	vlt.s32 v8, s14;
	v5 =	vadd.f32 v5, v6  }
0x87: {  	v6 =	vsel vm10, $0x0, v0  }
0x88: {  	vm11 =	vlt.s32 v9, s14;
	v5 =	vadd.f32 v5, v6  }
0x89: {  	v6 =	vsel vm11, $0x0, v0  }
0x8a: {  	vm12 =	vlt.s32 v10, s14;
	v5 =	vadd.f32 v5, v6  }
0x8b: {  	v6 =	vsel vm12, $0x0, v0  }
0x8c: {  	vm13 =	vlt.s32 v11, s14;
	v5 =	vadd.f32 v5, v6  }
0x8d: {  	v6 =	vsel vm13, $0x0, v0  }
0x8e: {  	vm14 =	vlt.s32 v12, s14;
	v5 =	vadd.f32 v5, v6  }
0x8f: {  	v6 =	vsel vm14, $0x0, v0  }
0x90: {  	vm15 =	vlt.s32 v13, s14;
	v5 =	vadd.f32 v5, v6  }
0x91: {  	v6 =	vsel vm15, $0x0, v0  }
0x92: {  	vm4 =	vlt.s32 v14, s14;
	v5 =	vadd.f32 v5, v6  }
0x93: {  	v6 =	vsel vm4, $0x0, v0  }
0x94: {  	vm5 =	vlt.s32 v15, s14;
	v5 =	vadd.f32 v5, v6  }
0x95: {  	v6 =	vsel vm5, $0x0, v0  }
0x96: {  	vm6 =	vlt.s32 v16, s14;
	v5 =	vadd.f32 v5, v6  }
0x97: {  	v6 =	vsel vm6, $0x0, v0  }
0x98: {  	vm7 =	vlt.s32 v17, s14;
	v5 =	vadd.f32 v5, v6  }
0x99: {  	v6 =	vsel vm7, $0x0, v0  }
0x9a: {  	vm8 =	vlt.s32 v18, s14;
	v5 =	vadd.f32 v5, v6  }
0x9b: {  	v6 =	vsel vm8, $0x0, v0  }
0x9c: {  	vm9 =	vlt.s32 v19, s14;
	v5 =	vadd.f32 v5, v6  }
0x9d: {  	v6 =	vsel vm9, $0x0, v0  }
0x9e: {  	vm10 =	vlt.s32 v20, s14;
	v5 =	vadd.f32 v5, v6  }
0x9f: {  	v6 =	vsel vm10, $0x0, v0  }
0xa0: {  	vm11 =	vlt.s32 v21, s14;
	v5 =	vadd.f32 v5, v6  }
0xa1: {  	v6 =	vsel vm11, $0x0, v0  }
0xa2: {  	vm12 =	vlt.s32 v22, s14;
	v5 =	vadd.f32 v5, v6  }
0xa3: {  	v6 =	vsel vm12, $0x0, v0  }
0xa4: {  	vm13 =	vlt.s32 v23, s14;
	v5 =	vadd.f32 v5, v6  }
0xa5: {  	v6 =	vsel vm13, $0x0, v0  }
0xa6: {  	vm14 =	vlt.s32 v24, s14;
	v5 =	vadd.f32 v5, v6  }
0xa7: {  	v6 =	vsel vm14, $0x0, v0  }
0xa8: {  	vm15 =	vlt.s32 v25, s14;
	v5 =	vadd.f32 v5, v6  }
0xa9: {  	v6 =	vsel vm15, $0x0, v0  }
0xaa: {  	vm4 =	vlt.s32 v26, s14;
	v5 =	vadd.f32 v5, v6  }
0xab: {  	v6 =	vsel vm4, $0x0, v0  }
0xac: {  	vm5 =	vlt.s32 v27, s14;
	v5 =	vadd.f32 v5, v6  }
0xad: {  	v6 =	vsel vm5, $0x0, v0  }
0xae: {  	vm6 =	vlt.s32 v28, s14;
	v5 =	vadd.f32 v5, v6  }
0xaf: {  	v6 =	vsel vm6, $0x0, v0  }
0xb0: {  	vm7 =	vlt.s32 v29, s14;
	v5 =	vadd.f32 v5, v6  }
0xb1: {  	v6 =	vsel vm7, $0x0, v0  }
0xb2: {  	vm8 =	vlt.s32 v30, s14;
	v5 =	vadd.f32 v5, v6  }
0xb3: {  	v6 =	vsel vm8, $0x0, v0  }
0xb4: {  	vm9 =	vlt.s32 v31, s14;
	v5 =	vadd.f32 v5, v6  }
0xb5: {  	v6 =	vsel vm9, $0x0, v0  }
0xb6: {  	vm10 =	vlt.s32 v32, s14;
	v5 =	vadd.f32 v5, v6  }
0xb7: {  	v6 =	vsel vm10, $0x0, v0  }
0xb8: {  	vm11 =	vlt.s32 v33, s14;
	v5 =	vadd.f32 v5, v6  }
0xb9: {  	v6 =	vsel vm11, $0x0, v0  }
0xba: {  	vm12 =	vlt.s32 v34, s14;
	v5 =	vadd.f32 v5, v6  }
0xbb: {  	v6 =	vsel vm12, $0x0, v0  }
0xbc: {  	vm13 =	vlt.s32 v35, s14;
	v5 =	vadd.f32 v5, v6  }
0xbd: {  	v6 =	vsel vm13, $0x0, v0  }
0xbe: {  	vm14 =	vlt.s32 v36, s14;
	v5 =	vadd.f32 v5, v6  }
0xbf: {  	v6 =	vsel vm14, $0x0, v0  }
0xc0: {  	v5 =	vadd.f32 v5, v6;
	_ =	sdelay $0x1  }
0xc1: {  	(xrf2) =	vadd.scan.msk.f32 $0xffff, v5;
	_ =	sdelay $0x9  }
0xc2: {  	v5, _, _ =	vpop (xrf2)  }
0xc3: {  	(v2sf) =	vpush v5, $0xF;
	_ =	sdelay $0xb  }
0xc4: {  	[tilespmem:$0x400] =	vst v1  }
0xc5: {  	[tilespmem:$0x410] =	vst v1  }
0xc6: {  	[tilespmem:$0x420] =	vst v1  }
0xc7: {  	[tilespmem:$0x430] =	vst v1;
	s31 =	simm.s32 $0x0;
	s30 =	spop (v2sf)  }
0xc8: {  	v6 =	vld [tilespmem:s31+$0x200];
	p0 =	sge.f32 s30, $5.000000000e+01;
	_ =	sdelay $0x1  }
0xc9: {  	s12 =	smov.u32 @p0 s13  }
0xca: {  	s12 =	sxor.u32 $0x80000000, s12  }
0xcb: {  	v5 =	vmov s12  }
0xcc: {  	vm15 =	vgt.s32 v6, v5  }
0xcd: {  	v6 =	vsel vm15, $0x1, v2  }
0xce: {  	(xrf0) =	vadd.scan.msk.s32 $0xffff, v6;
	_ =	sdelay $0x4  }
0xcf: {  	s12 =	simm.s32 $0x0;
	v6 =	vsel vm15, $0xFFFFFFFF, v2  }
0xd0: {  	v6 =	vadd.s32 s12, v6;
	v7, _, _ =	vpop (xrf0)  }
0xd1: {  	v63 =	vld [tilespmem:s31+$0x0];
	v6 =	vadd.s32 v7, v6;
	(v2sf) =	vpush v7, $0xF;
	_ =	sdelay $0x4  }
0xd2: {  	s14 =	simm.s32 $0x80;
	s13 =	simm.s32 $0x10;
	[tilespmem:v6+s9+$0x0] =	vst.idx.msk vm15, v63  }
.LBB2_4:
0xd3: {  	p0 =	sne.s32 s14, $0x7C0;
	v6 =	vld [tilespmem:s13+$0x200];
	_ =	sdelay $0x4  }
0xd4: {  	vm0 =	vgt.s32 v6, v5  }
0xd5: {  	v6 =	vsel vm0, $0xFFFFFFFF, v2;
	v7 =	vsel vm0, $0x1, v2  }
0xd6: {  	(xrf0) =	vadd.scan.msk.s32 $0xffff, v7;
	_ =	sdelay $0x1  }
0xd7: {  	s15 =	spop (v2sf)  }
0xd8: {  	s12 =	sadd.s32 s12, s15  }
0xd9: {  	v6 =	vadd.s32 s12, v6;
	_ =	sdelay $0x1  }
0xda: {  	v7, _, _ =	vpop (xrf0)  }
0xdb: {  	v8 =	vld [tilespmem:s13+$0x0];
	v6 =	vadd.s32 v7, v6;
	(v2sf) =	vpush v7, $0xF  }
.Ltmp1:
0xdc: {  	(pc) =	sbr.rel @p0 .LBB2_4-.Ltmp1, $2  }
0xdd: {  	_ =	sdelay $0x2  }
0xde: {  	s13 =	sshra.s32 s14, $0x2;
	s14 =	sadd.s32 $0x40, s14;
	[tilespmem:v6+s9+$0x0] =	vst.idx.msk vm0, v8  }
0xdf: {  	v6 =	vld [tilespmem:s13+$0x200];
	_ =	sdelay $0x4  }
0xe0: {  	vm0 =	vgt.s32 v6, v5  }
0xe1: {  	v6 =	vsel vm0, $0x1, v2  }
0xe2: {  	(xrf0) =	vadd.scan.msk.s32 $0xffff, v6;
	_ =	sdelay $0x5  }
0xe3: {  	v6, _, _ =	vpop (xrf0)  }
0xe4: {  	(v2sf) =	vpush v6, $0xF;
	_ =	sdelay $0xc  }
0xe5: {  	s14 =	spop (v2sf)  }
0xe6: {  	v7 =	vsel vm0, $0xFFFFFFFF, v2;
	s12 =	sadd.s32 s12, s14  }
0xe7: {  	v7 =	vadd.s32 s12, v7;
	s31 =	spop (v2sf)  }
0xe8: {  	v8 =	vld [tilespmem:s13+$0x0];
	v6 =	vadd.s32 v6, v7;
	s12 =	sadd.s32 s12, s31  }
0xe9: {  	v7 =	vmov s12  }
0xea: {  	s12 =	scvt.s32.f32 s12  }
0xeb: {  	v9 =	vshra.s32 v5, $0x1F  }
0xec: {  	v9 =	vand.u32 $0x7FFFFFFF, v9;
	s12 =	ssub.f32 $5.000000000e+01, s12  }
0xed: {  	v10 =	vor.u32 $0x10, v3;
	v5 =	vxor.u32 v5, v9;
	[tilespmem:v6+s9+$0x0] =	vst.idx.msk vm0, v8  }
0xee: {  	vm5 =	vgt.s32 v7, v3;
	vm6 =	veq.s32 v7, v3;
	v57 =	vmov s12;
	[tilespmem:v7+s9+$0x0] =	vst.idx.msk $0x1, v5  }
0xef: {  	v12 =	vor.u32 $0x20, v3;
	v6 =	vsel vm5, $0x3F800000, v4;
	v58 =	vnsel vm6, $0x0, v57;
	v5 =	vld [tilespmem:$0x400]  }
0xf0: {  	vm8 =	vgt.s32 v7, v10;
	vm9 =	veq.s32 v7, v10;
	v6 =	vadd.f32 v58, v6;
	v59 =	vld [tilespmem:$0x410]  }
0xf1: {  	v62 =	vor.u32 $0x30, v3;
	v11 =	vsel vm8, $0x3F800000, v4;
	v13 =	vnsel vm9, $0x0, v57  }
0xf2: {  	vm7 =	vlt.s32 v7, v3;
	vm10 =	vgt.s32 v7, v12;
	v14 =	vld [tilespmem:$0x420];
	[tilespmem:$0x480] =	vst v6;
	v6 =	vadd.f32 v13, v11  }
0xf3: {  	vm1 =	veq.s32 v7, v12;
	vm11 =	vlt.s32 v7, v10;
	vm12 =	vgt.s32 v7, v62  }
0xf4: {  	v60 =	vsel vm10, $0x3F800000, v4;
	v61 =	vnsel vm1, $0x0, v57;
	v63 =	vld [tilespmem:$0x430];
	[tilespmem:$0x490] =	vst v6;
	v5 =	vsel vm7, $0xFF800000, v5  }
0xf5: {  	vm13 =	veq.s32 v7, v62;
	v6 =	vsel vm11, $0xFF800000, v59;
	[tilespmem:$0x400] =	vst v5;
	v5 =	vadd.f32 v61, v60  }
0xf6: {  	vm14 =	vlt.s32 v7, v12;
	v8 =	vnsel vm13, $0x0, v57;
	[tilespmem:$0x410] =	vst v6;
	v6 =	vsel vm12, $0x3F800000, v4  }
0xf7: {  	[tilespmem:$0x4A0] =	vst v5;
	v5 =	vadd.f32 v8, v6;
	v6 =	vsel vm14, $0xFF800000, v14  }
0xf8: {  	vm15 =	vlt.s32 v7, v62;
	[tilespmem:$0x420] =	vst v6  }
0xf9: {  	[tilespmem:$0x4B0] =	vst v5;
	v5 =	vsel vm15, $0xFF800000, v63  }
0xfa: {  	[tilespmem:$0x430] =	vst v5  }
0xfb: {  	[hbm4b:s4+s2] =	stream.linear.scatter [tilespmem:s9], [sflag:$0x1], $0x40, $0x38;
	[tilespmem:$0x500] =	vst v63  }
0xfc: {  	s11 =	sadd.s32 $0x1, s11;
	_ =	swait.ge [sflag:s7], $0x40  }
0xfd: {  	p0 =	sne.s32 s11, s6;
	[sflag:s7] =	ssyncset.done $0x0  }
.Ltmp2:
0xfe: {  	[sflag:s7] =	ssyncadd.s32 $0xFFFFFFC0;
	(pc) =	sbr.rel @p0 .LBB2_1-.Ltmp2, $4  }
0xff: {  	[hbm4b:s5+s2] =	stream.linear.scatter [tilespmem:s10], [sflag:$0x1], $0x40, $0x38;
	[tilespmem:$0x500] =	vst v63  }
0x100: {  	_ =	swait.ge [sflag:s7], $0x40  }
0x101: {  	[sflag:s7] =	ssyncset.done $0x0  }
0x102: {  	[sflag:s7] =	ssyncadd.s32 $0xFFFFFFC0  }
0x103: {  	_ =	sfence.sel $0x180000  }
0x104: {  	[bflag:$0x0] =	sbarrier.arrive $0xFFFF  }
0x105: {  	p0 =	sne.s32 s1, $0x0;
	_ =	strace $0x90000047  }
0x106: {  	s0 =	sadd.s32 @!p0 $0x100000, s0;
	[bflag:$0x2] =	sbarrier.arrive $0xFFFF  }
0x107: {  	[sflag:s0] =	ssyncadd.tile.s32 @!p0 $0x1;
	_ =	shalt  }
.Lfunc_end2:
_tile_overlayer_lowered:
.L_overlay_start_2:
0x108: {  	(tag) =	ssettag $0x2  }
0x109: {  	s0 =	rddreg [dreg:$0x0];
	s2 =	stileid.u32  }
0x10a: {  	s1 =	rddreg [dreg:$0x1];
	p0 =	sne.s32 s2, $0x0  }
0x10b: {  	s3 =	rddreg [dreg:$0x2];
	[bflag:$0x3] =	sbarrier.arrive $0xFFFF;
	s2 =	simm.s32 @!p0 $0x1C01  }
0x10c: {  	[timem:s3], [sflag:s2] =	dma.local @!p0 [hbm:s0], s1  }
0x10d: {  	s0 =	simm.s32 @!p0 $0x1  }
0x10e: {  	_ =	swait.ge @!p0 [sflag:s0], s1  }
0x10f: {  	s1 =	ssub.s32 @!p0 $0x0, s1;
	[sflag:s0] =	ssyncset.done @!p0 $0x0  }
0x110: {  	[sflag:s0] =	ssyncadd.s32 @!p0 s1  }
0x111: {  	[bflag:$0x3] =	sbarrier.arrive $0xFFFF  }
0x112: {  	_ =	shalt  }

</sc_bundles>
